<compile_context>
chip_gen: v7x
topology: tpu7x:2x2x1
jax: 0.10.2.dev20260603
libtpu: 0.0.44.dev20260713+nightly
codegen_flags: <defaults>
</compile_context>

<pallas_src>
import functools

import numpy as np
import jax
import jax.numpy as jnp
from jax import lax
from jax.experimental import pallas as pl
from jax.experimental.pallas import tpu as pltpu
from jax.experimental.pallas import tpu_sc as plsc

L, B, D = 200, 256, 64
LB = L * B
NUM_VAL_TOKENS = 1000

NC, NS = 2, 16
NW = NC * NS
ROWS_PER_W = -(-L // NW)


def _pe_np():
    pos = np.arange(L, dtype=np.float32)[:, None]
    div = np.exp(np.arange(0, D, 2, dtype=np.float32) * (-np.log(10000.0) / D))
    pe = np.zeros((L, D), dtype=np.float32)
    pe[:, 0::2] = np.sin(pos * div)
    pe[:, 1::2] = np.cos(pos * div)
    return pe


_PE = _pe_np()


_sc_mesh = plsc.VectorSubcoreMesh(core_axis_name="c", subcore_axis_name="s")


@functools.partial(
    pl.kernel,
    mesh=_sc_mesh,
    compiler_params=pltpu.CompilerParams(use_tc_tiling_on_sc=False),
    out_type=jax.ShapeDtypeStruct((2 * LB, D), jnp.float32),
    scratch_types=[
        pltpu.VMEM((2, 128), jnp.int32),
        pltpu.VMEM((2, 128), jnp.int32),
        pltpu.VMEM((B, D), jnp.float32),
        pltpu.VMEM((B, D), jnp.float32),
        pltpu.SemaphoreType.DMA,
    ],
)
def _sc_gather(nidx_hbm, eidx_hbm, ntab_hbm, etab_hbm, out_hbm,
               nidx_v, eidx_v, nrows_v, erows_v, sem):
    wid = lax.axis_index("s") * NC + lax.axis_index("c")
    for k in range(ROWS_PER_W):
        l = wid + NW * k

        @pl.when(l < L)
        def _():
            base = l * B
            pltpu.sync_copy(nidx_hbm.at[l], nidx_v)
            pltpu.sync_copy(eidx_hbm.at[l], eidx_v)
            cps = []
            for h in range(2):
                cps.append(pltpu.async_copy(
                    ntab_hbm.at[nidx_v.at[h]],
                    nrows_v.at[pl.ds(h * 128, 128)], sem))
                cps.append(pltpu.async_copy(
                    etab_hbm.at[eidx_v.at[h]],
                    erows_v.at[pl.ds(h * 128, 128)], sem))
            for cp in cps:
                cp.wait()

            pltpu.sync_copy(nrows_v, out_hbm.at[pl.ds(base, B)])
            pltpu.sync_copy(erows_v, out_hbm.at[pl.ds(LB + base, B)])


_BR = 2048
_LR = _BR // B


def _tc_body(vmt_ref, wt_ref, pe_ref, out_ref):
    x = jax.lax.dot_general(
        wt_ref[...], vmt_ref[...],
        dimension_numbers=(((1,), (0,)), ((), ())),
        preferred_element_type=jnp.float32)
    for j in range(_LR):
        out_ref[j] = x[:, j * B:(j + 1) * B] + pe_ref[j]


def _tc_matmul(vm_t, w_t, pe3):
    return pl.pallas_call(
        _tc_body,
        grid=(LB // _BR,),
        in_specs=[
            pl.BlockSpec((NUM_VAL_TOKENS, _BR), lambda i: (0, i)),
            pl.BlockSpec((D, NUM_VAL_TOKENS), lambda i: (0, 0)),
            pl.BlockSpec((_LR, D, 1), lambda i: (i, 0, 0)),
        ],
        out_specs=pl.BlockSpec((_LR, D, B), lambda i: (2 * L // _LR + i, 0, 0)),
        out_shape=jax.ShapeDtypeStruct((3 * L, D, B), jnp.float32),
    )(vm_t, w_t, pe3)


_SB = 8


def _unpack_body(sc_ref, pe_ref, _o_ref, out_ref):
    for j in range(_SB):
        out_ref[j] = sc_ref[pl.ds(j * B, B), :].T + pe_ref[j]


def _tc_unpack(sc_out, pe3, out3):
    return pl.pallas_call(
        _unpack_body,
        grid=(2 * L // _SB,),
        in_specs=[
            pl.BlockSpec((_SB * B, D), lambda i: (i, 0)),
            pl.BlockSpec((_SB, D, 1), lambda i: (i % (L // _SB), 0, 0)),
            pl.BlockSpec(memory_space=pl.ANY),
        ],
        out_specs=pl.BlockSpec((_SB, D, B), lambda i: (i, 0, 0)),
        out_shape=jax.ShapeDtypeStruct((3 * L, D, B), jnp.float32),
        input_output_aliases={2: 0},
    )(sc_out, pe3, out3)


def kernel(node_idx, edge_idx, node_val_mat, node_embed_table, edge_embed_table,
           val_tok_embed):
    pe3 = jnp.asarray(_PE.reshape(L, D, 1))
    nidx = node_idx.astype(jnp.int32).reshape(L, 2, 128)
    eidx = edge_idx.astype(jnp.int32).reshape(L, 2, 128)
    out3 = _tc_matmul(node_val_mat.T, val_tok_embed.T, pe3)
    sc_out = _sc_gather(nidx, eidx, node_embed_table, edge_embed_table)
    out3 = _tc_unpack(sc_out, pe3, out3)
    return out3.transpose(0, 2, 1)

# --- scband reference (transcript-rebuilt; emitter-appended) ---
"""Pipeline reference for scband-prog-walk-tok-embed-with-val-11287174054008 (READ-ONLY COPY).

The authoritative reference and input builder live on the scoring server;
editing this copy changes nothing except your own understanding.
"""

import jax, jax.numpy as jnp
import numpy as np

L, B, D = 200, 256, 64
NUM_NODE_TYPES = 100000
NUM_EDGE_TYPES = 1000
NUM_NODE_VAL_TOKENS = 1000


def _pos_encoding(x):
    # x: [L, B, D]; standard sinusoidal positional encoding added over seq dim (dropout=0.0)
    seq_len, d = x.shape[0], x.shape[-1]
    pos = jnp.arange(seq_len, dtype=jnp.float32)[:, None]
    div = jnp.exp(jnp.arange(0, d, 2, dtype=jnp.float32) * (-np.log(10000.0) / d))
    pe = jnp.zeros((seq_len, d), dtype=x.dtype)
    pe = pe.at[:, 0::2].set(jnp.sin(pos * div))
    pe = pe.at[:, 1::2].set(jnp.cos(pos * div))
    return x + pe[:, None, :]


def setup_inputs(seed: int = 0) -> dict:
    key = jax.random.key(seed)
    k1, k2, k3, k4, k5, k6 = jax.random.split(key, 6)
    node_idx = jax.random.randint(k1, (L, B), 0, NUM_NODE_TYPES, dtype=jnp.int64 if jax.config.jax_enable_x64 else jnp.int32)
    edge_idx = jax.random.randint(k2, (L, B), 0, NUM_EDGE_TYPES, dtype=jnp.int64 if jax.config.jax_enable_x64 else jnp.int32)
    node_val_mat = jax.random.uniform(k3, (L * B, NUM_NODE_VAL_TOKENS), dtype=jnp.float32)
    node_embed_table = jax.random.normal(k4, (NUM_NODE_TYPES, D), dtype=jnp.float32) * 0.02
    edge_embed_table = jax.random.normal(k5, (NUM_EDGE_TYPES, D), dtype=jnp.float32) * 0.02
    val_tok_embed = jax.random.normal(k6, (NUM_NODE_VAL_TOKENS, D), dtype=jnp.float32) * 0.02
    return {
        "node_idx": node_idx,
        "edge_idx": edge_idx,
        "node_val_mat": node_val_mat,
        "node_embed_table": node_embed_table,
        "edge_embed_table": edge_embed_table,
        "val_tok_embed": val_tok_embed,
    }


def reference(node_idx, edge_idx, node_val_mat, node_embed_table, edge_embed_table, val_tok_embed):
    # nn.Embedding lookups -> gather
    node_embed = jnp.take(node_embed_table, node_idx, axis=0)  # [L, B, D]
    edge_embed = jnp.take(edge_embed_table, edge_idx, axis=0)  # [L, B, D]
    # gnn_spmm(node_val_mat, val_tok_embed).view(node_embed.shape)
    node_val_embed = (node_val_mat @ val_tok_embed).reshape(node_embed.shape)  # [L, B, D]
    node_embed = _pos_encoding(node_embed)
    edge_embed = _pos_encoding(edge_embed)
    val_embed = _pos_encoding(node_val_embed)
    return jnp.concatenate((node_embed, edge_embed, val_embed), axis=0)  # [3L, B, D]

if __name__ == "__main__":
    import jax
    _d = setup_inputs()
    print(jax.jit(kernel)(*tuple(_d.values())))

</pallas_src>

<mosaic_0001>
#map = affine_map<(d0, d1) -> (0, 0, 0)>
#map1 = affine_map<(d0, d1) -> (0, 0)>
module attributes {stable_mosaic.version = 14 : i64} {
  func.func @_sc_gather(%arg0: i32, %arg1: i32, %arg2: memref<200x2x128xi32, #tpu.memory_space<hbm>>, %arg3: memref<200x2x128xi32, #tpu.memory_space<hbm>>, %arg4: memref<100000x64xf32, #tpu.memory_space<hbm>>, %arg5: memref<1000x64xf32, #tpu.memory_space<hbm>>, %arg6: memref<102400x64xf32, #tpu.memory_space<hbm>>, %arg7: memref<2x128xi32, #tpu.memory_space<vmem>>, %arg8: memref<2x128xi32, #tpu.memory_space<vmem>>, %arg9: memref<256x64xf32, #tpu.memory_space<vmem>>, %arg10: memref<256x64xf32, #tpu.memory_space<vmem>>, %arg11: memref<!tpu.dma_semaphore, #tpu.memory_space<semaphore_mem>>) attributes {dimension_semantics = [#tpu.dimension_semantics<core_parallel>, #tpu.dimension_semantics<subcore_parallel>], iteration_bounds = array<i64: 2, 16>, scalar_prefetch = 0 : i64, scratch_operands = 5 : i64, tpu.core_type = #tpu.core_type<sc_vector_subcore>, window_params = [{transform_indices = #map}, {transform_indices = #map}, {transform_indices = #map1}, {transform_indices = #map1}, {transform_indices = #map1}]} {
    %mul3A = arith.constant 2 : i32
    %mul3A_0 = arith.muli %arg1, %mul3A : i32
    %add3A = arith.addi %mul3A_0, %arg0 : i32
    %add3A_1 = arith.constant 0 : i32
    %add3A_2 = arith.addi %add3A, %add3A_1 : i32
    %lt3A = arith.constant 200 : i32
    %lt3A_3 = arith.cmpi slt, %add3A_2, %lt3A : i32
    %convert_element_type3A = arith.extui %lt3A_3 : i1 to i32
    %cond3A = arith.constant 0 : i32
    %cond3A_4 = arith.cmpi ne, %convert_element_type3A, %cond3A : i32
    scf.if %cond3A_4 {
      %mul3A_47 = arith.constant 256 : i32
      %mul3A_48 = arith.muli %add3A_2, %mul3A_47 : i32
      "tpu.region"() ({
        %run_scoped3A = tpu.sem_alloc : memref<!tpu.dma_semaphore, #tpu.memory_space<semaphore_mem>>
        %dma_start3A_129 = arith.constant 0 : i32
        %dma_start3A_130 = arith.constant 0 : i32
        %dma_start3A_131 = tpu.memref_slice %arg2[%add3A_2, %dma_start3A_129, %dma_start3A_130] : memref<200x2x128xi32, #tpu.memory_space<hbm>> -> memref<1x2x128xi32, #tpu.memory_space<hbm>>
        %dma_start3A_132 = tpu.memref_squeeze %dma_start3A_131 : memref<1x2x128xi32, #tpu.memory_space<hbm>> -> memref<2x128xi32, #tpu.memory_space<hbm>>
        %dma_start3A_133 = arith.constant 0 : i32
        %dma_start3A_134 = arith.constant 0 : i32
        %dma_start3A_135 = tpu.memref_slice %arg2[%add3A_2, %dma_start3A_133, %dma_start3A_134] : memref<200x2x128xi32, #tpu.memory_space<hbm>> -> memref<1x2x128xi32, #tpu.memory_space<hbm>>
        %dma_start3A_136 = tpu.memref_squeeze %dma_start3A_135 : memref<1x2x128xi32, #tpu.memory_space<hbm>> -> memref<2x128xi32, #tpu.memory_space<hbm>>
        tpu.enqueue_dma source(%dma_start3A_136 : memref<2x128xi32, #tpu.memory_space<hbm>>) target(%arg7 : memref<2x128xi32, #tpu.memory_space<vmem>>) target_semaphore(%run_scoped3A : memref<!tpu.dma_semaphore, #tpu.memory_space<semaphore_mem>>)
        %dma_wait3A_137 = arith.constant 0 : i32
        %dma_wait3A_138 = arith.constant 0 : i32
        %dma_wait3A_139 = tpu.memref_slice %arg2[%add3A_2, %dma_wait3A_137, %dma_wait3A_138] : memref<200x2x128xi32, #tpu.memory_space<hbm>> -> memref<1x2x128xi32, #tpu.memory_space<hbm>>
        %dma_wait3A_140 = tpu.memref_squeeze %dma_wait3A_139 : memref<1x2x128xi32, #tpu.memory_space<hbm>> -> memref<2x128xi32, #tpu.memory_space<hbm>>
        %dma_wait3A_141 = arith.constant 0 : i32
        %dma_wait3A_142 = arith.constant 0 : i32
        %dma_wait3A_143 = tpu.memref_slice %arg2[%add3A_2, %dma_wait3A_141, %dma_wait3A_142] : memref<200x2x128xi32, #tpu.memory_space<hbm>> -> memref<1x2x128xi32, #tpu.memory_space<hbm>>
        %dma_wait3A_144 = tpu.memref_squeeze %dma_wait3A_143 : memref<1x2x128xi32, #tpu.memory_space<hbm>> -> memref<2x128xi32, #tpu.memory_space<hbm>>
        tpu.wait_dma2 semaphore(%run_scoped3A : memref<!tpu.dma_semaphore, #tpu.memory_space<semaphore_mem>>) src(%dma_wait3A_144 : memref<2x128xi32, #tpu.memory_space<hbm>>) dst(%arg7 : memref<2x128xi32, #tpu.memory_space<vmem>>)
        tpu.yield
      }) : () -> ()
      "tpu.region"() ({
        %run_scoped3A = tpu.sem_alloc : memref<!tpu.dma_semaphore, #tpu.memory_space<semaphore_mem>>
        %dma_start3A_129 = arith.constant 0 : i32
        %dma_start3A_130 = arith.constant 0 : i32
        %dma_start3A_131 = tpu.memref_slice %arg3[%add3A_2, %dma_start3A_129, %dma_start3A_130] : memref<200x2x128xi32, #tpu.memory_space<hbm>> -> memref<1x2x128xi32, #tpu.memory_space<hbm>>
        %dma_start3A_132 = tpu.memref_squeeze %dma_start3A_131 : memref<1x2x128xi32, #tpu.memory_space<hbm>> -> memref<2x128xi32, #tpu.memory_space<hbm>>
        %dma_start3A_133 = arith.constant 0 : i32
        %dma_start3A_134 = arith.constant 0 : i32
        %dma_start3A_135 = tpu.memref_slice %arg3[%add3A_2, %dma_start3A_133, %dma_start3A_134] : memref<200x2x128xi32, #tpu.memory_space<hbm>> -> memref<1x2x128xi32, #tpu.memory_space<hbm>>
        %dma_start3A_136 = tpu.memref_squeeze %dma_start3A_135 : memref<1x2x128xi32, #tpu.memory_space<hbm>> -> memref<2x128xi32, #tpu.memory_space<hbm>>
        tpu.enqueue_dma source(%dma_start3A_136 : memref<2x128xi32, #tpu.memory_space<hbm>>) target(%arg8 : memref<2x128xi32, #tpu.memory_space<vmem>>) target_semaphore(%run_scoped3A : memref<!tpu.dma_semaphore, #tpu.memory_space<semaphore_mem>>)
        %dma_wait3A_137 = arith.constant 0 : i32
        %dma_wait3A_138 = arith.constant 0 : i32
        %dma_wait3A_139 = tpu.memref_slice %arg3[%add3A_2, %dma_wait3A_137, %dma_wait3A_138] : memref<200x2x128xi32, #tpu.memory_space<hbm>> -> memref<1x2x128xi32, #tpu.memory_space<hbm>>
        %dma_wait3A_140 = tpu.memref_squeeze %dma_wait3A_139 : memref<1x2x128xi32, #tpu.memory_space<hbm>> -> memref<2x128xi32, #tpu.memory_space<hbm>>
        %dma_wait3A_141 = arith.constant 0 : i32
        %dma_wait3A_142 = arith.constant 0 : i32
        %dma_wait3A_143 = tpu.memref_slice %arg3[%add3A_2, %dma_wait3A_141, %dma_wait3A_142] : memref<200x2x128xi32, #tpu.memory_space<hbm>> -> memref<1x2x128xi32, #tpu.memory_space<hbm>>
        %dma_wait3A_144 = tpu.memref_squeeze %dma_wait3A_143 : memref<1x2x128xi32, #tpu.memory_space<hbm>> -> memref<2x128xi32, #tpu.memory_space<hbm>>
        tpu.wait_dma2 semaphore(%run_scoped3A : memref<!tpu.dma_semaphore, #tpu.memory_space<semaphore_mem>>) src(%dma_wait3A_144 : memref<2x128xi32, #tpu.memory_space<hbm>>) dst(%arg8 : memref<2x128xi32, #tpu.memory_space<vmem>>)
        tpu.yield
      }) : () -> ()
      %dma_start3A = arith.constant 0 : i32
      %dma_start3A_49 = arith.constant 0 : i32
      %dma_start3A_50 = arith.constant 0 : i32
      %dma_start3A_51 = tpu.memref_slice %arg9[%dma_start3A_49, %dma_start3A_50] : memref<256x64xf32, #tpu.memory_space<vmem>> -> memref<128x64xf32, #tpu.memory_space<vmem>>
      %dma_start3A_52 = arith.constant 0 : i32
      %dma_start3A_53 = tpu.memref_slice %arg7[%dma_start3A, %dma_start3A_52] : memref<2x128xi32, #tpu.memory_space<vmem>> -> memref<1x128xi32, #tpu.memory_space<vmem>>
      %dma_start3A_54 = tpu.memref_squeeze %dma_start3A_53 : memref<1x128xi32, #tpu.memory_space<vmem>> -> memref<128xi32, #tpu.memory_space<vmem>>
      %dma_start3A_55 = arith.constant 0 : i32
      %dma_start3A_56 = arith.constant 0 : i32
      %dma_start3A_57 = tpu.memref_slice %arg4[%dma_start3A_55, %dma_start3A_56] : memref<100000x64xf32, #tpu.memory_space<hbm>> -> memref<100000x64xf32, #tpu.memory_space<hbm>>
      tpu.enqueue_indirect_dma source(%dma_start3A_57 : memref<100000x64xf32, #tpu.memory_space<hbm>>) target(%dma_start3A_51 : memref<128x64xf32, #tpu.memory_space<vmem>>) offsets(%dma_start3A_54 : memref<128xi32, #tpu.memory_space<vmem>>) semaphore(%arg11 : memref<!tpu.dma_semaphore, #tpu.memory_space<semaphore_mem>>)
      %dma_start3A_58 = arith.constant 0 : i32
      %dma_start3A_59 = arith.constant 0 : i32
      %dma_start3A_60 = arith.constant 0 : i32
      %dma_start3A_61 = tpu.memref_slice %arg10[%dma_start3A_59, %dma_start3A_60] : memref<256x64xf32, #tpu.memory_space<vmem>> -> memref<128x64xf32, #tpu.memory_space<vmem>>
      %dma_start3A_62 = arith.constant 0 : i32
      %dma_start3A_63 = tpu.memref_slice %arg8[%dma_start3A_58, %dma_start3A_62] : memref<2x128xi32, #tpu.memory_space<vmem>> -> memref<1x128xi32, #tpu.memory_space<vmem>>
      %dma_start3A_64 = tpu.memref_squeeze %dma_start3A_63 : memref<1x128xi32, #tpu.memory_space<vmem>> -> memref<128xi32, #tpu.memory_space<vmem>>
      %dma_start3A_65 = arith.constant 0 : i32
      %dma_start3A_66 = arith.constant 0 : i32
      %dma_start3A_67 = tpu.memref_slice %arg5[%dma_start3A_65, %dma_start3A_66] : memref<1000x64xf32, #tpu.memory_space<hbm>> -> memref<1000x64xf32, #tpu.memory_space<hbm>>
      tpu.enqueue_indirect_dma source(%dma_start3A_67 : memref<1000x64xf32, #tpu.memory_space<hbm>>) target(%dma_start3A_61 : memref<128x64xf32, #tpu.memory_space<vmem>>) offsets(%dma_start3A_64 : memref<128xi32, #tpu.memory_space<vmem>>) semaphore(%arg11 : memref<!tpu.dma_semaphore, #tpu.memory_space<semaphore_mem>>)
      %dma_start3A_68 = arith.constant 1 : i32
      %dma_start3A_69 = arith.constant 128 : i32
      %dma_start3A_70 = arith.constant 0 : i32
      %dma_start3A_71 = tpu.memref_slice %arg9[%dma_start3A_69, %dma_start3A_70] : memref<256x64xf32, #tpu.memory_space<vmem>> -> memref<128x64xf32, #tpu.memory_space<vmem>>
      %dma_start3A_72 = arith.constant 0 : i32
      %dma_start3A_73 = tpu.memref_slice %arg7[%dma_start3A_68, %dma_start3A_72] : memref<2x128xi32, #tpu.memory_space<vmem>> -> memref<1x128xi32, #tpu.memory_space<vmem>>
      %dma_start3A_74 = tpu.memref_squeeze %dma_start3A_73 : memref<1x128xi32, #tpu.memory_space<vmem>> -> memref<128xi32, #tpu.memory_space<vmem>>
      %dma_start3A_75 = arith.constant 0 : i32
      %dma_start3A_76 = arith.constant 0 : i32
      %dma_start3A_77 = tpu.memref_slice %arg4[%dma_start3A_75, %dma_start3A_76] : memref<100000x64xf32, #tpu.memory_space<hbm>> -> memref<100000x64xf32, #tpu.memory_space<hbm>>
      tpu.enqueue_indirect_dma source(%dma_start3A_77 : memref<100000x64xf32, #tpu.memory_space<hbm>>) target(%dma_start3A_71 : memref<128x64xf32, #tpu.memory_space<vmem>>) offsets(%dma_start3A_74 : memref<128xi32, #tpu.memory_space<vmem>>) semaphore(%arg11 : memref<!tpu.dma_semaphore, #tpu.memory_space<semaphore_mem>>)
      %dma_start3A_78 = arith.constant 1 : i32
      %dma_start3A_79 = arith.constant 128 : i32
      %dma_start3A_80 = arith.constant 0 : i32
      %dma_start3A_81 = tpu.memref_slice %arg10[%dma_start3A_79, %dma_start3A_80] : memref<256x64xf32, #tpu.memory_space<vmem>> -> memref<128x64xf32, #tpu.memory_space<vmem>>
      %dma_start3A_82 = arith.constant 0 : i32
      %dma_start3A_83 = tpu.memref_slice %arg8[%dma_start3A_78, %dma_start3A_82] : memref<2x128xi32, #tpu.memory_space<vmem>> -> memref<1x128xi32, #tpu.memory_space<vmem>>
      %dma_start3A_84 = tpu.memref_squeeze %dma_start3A_83 : memref<1x128xi32, #tpu.memory_space<vmem>> -> memref<128xi32, #tpu.memory_space<vmem>>
      %dma_start3A_85 = arith.constant 0 : i32
      %dma_start3A_86 = arith.constant 0 : i32
      %dma_start3A_87 = tpu.memref_slice %arg5[%dma_start3A_85, %dma_start3A_86] : memref<1000x64xf32, #tpu.memory_space<hbm>> -> memref<1000x64xf32, #tpu.memory_space<hbm>>
      tpu.enqueue_indirect_dma source(%dma_start3A_87 : memref<1000x64xf32, #tpu.memory_space<hbm>>) target(%dma_start3A_81 : memref<128x64xf32, #tpu.memory_space<vmem>>) offsets(%dma_start3A_84 : memref<128xi32, #tpu.memory_space<vmem>>) semaphore(%arg11 : memref<!tpu.dma_semaphore, #tpu.memory_space<semaphore_mem>>)
      %dma_wait3A = arith.constant 0 : i32
      %dma_wait3A_88 = arith.constant 0 : i32
      %dma_wait3A_89 = arith.constant 0 : i32
      %dma_wait3A_90 = tpu.memref_slice %arg9[%dma_wait3A_88, %dma_wait3A_89] : memref<256x64xf32, #tpu.memory_space<vmem>> -> memref<128x64xf32, #tpu.memory_space<vmem>>
      %dma_wait3A_91 = arith.constant 0 : i32
      %dma_wait3A_92 = tpu.memref_slice %arg7[%dma_wait3A, %dma_wait3A_91] : memref<2x128xi32, #tpu.memory_space<vmem>> -> memref<1x128xi32, #tpu.memory_space<vmem>>
      %dma_wait3A_93 = tpu.memref_squeeze %dma_wait3A_92 : memref<1x128xi32, #tpu.memory_space<vmem>> -> memref<128xi32, #tpu.memory_space<vmem>>
      %dma_wait3A_94 = arith.constant 0 : i32
      %dma_wait3A_95 = arith.constant 0 : i32
      %dma_wait3A_96 = tpu.memref_slice %arg4[%dma_wait3A_94, %dma_wait3A_95] : memref<100000x64xf32, #tpu.memory_space<hbm>> -> memref<100000x64xf32, #tpu.memory_space<hbm>>
      tpu.wait_indirect_dma semaphore(%arg11 : memref<!tpu.dma_semaphore, #tpu.memory_space<semaphore_mem>>) src(%dma_wait3A_96 : memref<100000x64xf32, #tpu.memory_space<hbm>>) dst(%dma_wait3A_90 : memref<128x64xf32, #tpu.memory_space<vmem>>)
      %dma_wait3A_97 = arith.constant 0 : i32
      %dma_wait3A_98 = arith.constant 0 : i32
      %dma_wait3A_99 = arith.constant 0 : i32
      %dma_wait3A_100 = tpu.memref_slice %arg10[%dma_wait3A_98, %dma_wait3A_99] : memref<256x64xf32, #tpu.memory_space<vmem>> -> memref<128x64xf32, #tpu.memory_space<vmem>>
      %dma_wait3A_101 = arith.constant 0 : i32
      %dma_wait3A_102 = tpu.memref_slice %arg8[%dma_wait3A_97, %dma_wait3A_101] : memref<2x128xi32, #tpu.memory_space<vmem>> -> memref<1x128xi32, #tpu.memory_space<vmem>>
      %dma_wait3A_103 = tpu.memref_squeeze %dma_wait3A_102 : memref<1x128xi32, #tpu.memory_space<vmem>> -> memref<128xi32, #tpu.memory_space<vmem>>
      %dma_wait3A_104 = arith.constant 0 : i32
      %dma_wait3A_105 = arith.constant 0 : i32
      %dma_wait3A_106 = tpu.memref_slice %arg5[%dma_wait3A_104, %dma_wait3A_105] : memref<1000x64xf32, #tpu.memory_space<hbm>> -> memref<1000x64xf32, #tpu.memory_space<hbm>>
      tpu.wait_indirect_dma semaphore(%arg11 : memref<!tpu.dma_semaphore, #tpu.memory_space<semaphore_mem>>) src(%dma_wait3A_106 : memref<1000x64xf32, #tpu.memory_space<hbm>>) dst(%dma_wait3A_100 : memref<128x64xf32, #tpu.memory_space<vmem>>)
      %dma_wait3A_107 = arith.constant 1 : i32
      %dma_wait3A_108 = arith.constant 128 : i32
      %dma_wait3A_109 = arith.constant 0 : i32
      %dma_wait3A_110 = tpu.memref_slice %arg9[%dma_wait3A_108, %dma_wait3A_109] : memref<256x64xf32, #tpu.memory_space<vmem>> -> memref<128x64xf32, #tpu.memory_space<vmem>>
      %dma_wait3A_111 = arith.constant 0 : i32
      %dma_wait3A_112 = tpu.memref_slice %arg7[%dma_wait3A_107, %dma_wait3A_111] : memref<2x128xi32, #tpu.memory_space<vmem>> -> memref<1x128xi32, #tpu.memory_space<vmem>>
      %dma_wait3A_113 = tpu.memref_squeeze %dma_wait3A_112 : memref<1x128xi32, #tpu.memory_space<vmem>> -> memref<128xi32, #tpu.memory_space<vmem>>
      %dma_wait3A_114 = arith.constant 0 : i32
      %dma_wait3A_115 = arith.constant 0 : i32
      %dma_wait3A_116 = tpu.memref_slice %arg4[%dma_wait3A_114, %dma_wait3A_115] : memref<100000x64xf32, #tpu.memory_space<hbm>> -> memref<100000x64xf32, #tpu.memory_space<hbm>>
      tpu.wait_indirect_dma semaphore(%arg11 : memref<!tpu.dma_semaphore, #tpu.memory_space<semaphore_mem>>) src(%dma_wait3A_116 : memref<100000x64xf32, #tpu.memory_space<hbm>>) dst(%dma_wait3A_110 : memref<128x64xf32, #tpu.memory_space<vmem>>)
      %dma_wait3A_117 = arith.constant 1 : i32
      %dma_wait3A_118 = arith.constant 128 : i32
      %dma_wait3A_119 = arith.constant 0 : i32
      %dma_wait3A_120 = tpu.memref_slice %arg10[%dma_wait3A_118, %dma_wait3A_119] : memref<256x64xf32, #tpu.memory_space<vmem>> -> memref<128x64xf32, #tpu.memory_space<vmem>>
      %dma_wait3A_121 = arith.constant 0 : i32
      %dma_wait3A_122 = tpu.memref_slice %arg8[%dma_wait3A_117, %dma_wait3A_121] : memref<2x128xi32, #tpu.memory_space<vmem>> -> memref<1x128xi32, #tpu.memory_space<vmem>>
      %dma_wait3A_123 = tpu.memref_squeeze %dma_wait3A_122 : memref<1x128xi32, #tpu.memory_space<vmem>> -> memref<128xi32, #tpu.memory_space<vmem>>
      %dma_wait3A_124 = arith.constant 0 : i32
      %dma_wait3A_125 = arith.constant 0 : i32
      %dma_wait3A_126 = tpu.memref_slice %arg5[%dma_wait3A_124, %dma_wait3A_125] : memref<1000x64xf32, #tpu.memory_space<hbm>> -> memref<1000x64xf32, #tpu.memory_space<hbm>>
      tpu.wait_indirect_dma semaphore(%arg11 : memref<!tpu.dma_semaphore, #tpu.memory_space<semaphore_mem>>) src(%dma_wait3A_126 : memref<1000x64xf32, #tpu.memory_space<hbm>>) dst(%dma_wait3A_120 : memref<128x64xf32, #tpu.memory_space<vmem>>)
      "tpu.region"() ({
        %run_scoped3A = tpu.sem_alloc : memref<!tpu.dma_semaphore, #tpu.memory_space<semaphore_mem>>
        %dma_start3A_129 = arith.constant 0 : i32
        %dma_start3A_130 = tpu.memref_slice %arg6[%mul3A_48, %dma_start3A_129] : memref<102400x64xf32, #tpu.memory_space<hbm>> -> memref<256x64xf32, #tpu.memory_space<hbm>>
        %dma_start3A_131 = arith.constant 0 : i32
        %dma_start3A_132 = tpu.memref_slice %arg6[%mul3A_48, %dma_start3A_131] : memref<102400x64xf32, #tpu.memory_space<hbm>> -> memref<256x64xf32, #tpu.memory_space<hbm>>
        tpu.enqueue_dma source(%arg9 : memref<256x64xf32, #tpu.memory_space<vmem>>) target(%dma_start3A_132 : memref<256x64xf32, #tpu.memory_space<hbm>>) target_semaphore(%run_scoped3A : memref<!tpu.dma_semaphore, #tpu.memory_space<semaphore_mem>>)
        %dma_wait3A_133 = arith.constant 0 : i32
        %dma_wait3A_134 = tpu.memref_slice %arg6[%mul3A_48, %dma_wait3A_133] : memref<102400x64xf32, #tpu.memory_space<hbm>> -> memref<256x64xf32, #tpu.memory_space<hbm>>
        %dma_wait3A_135 = arith.constant 0 : i32
        %dma_wait3A_136 = tpu.memref_slice %arg6[%mul3A_48, %dma_wait3A_135] : memref<102400x64xf32, #tpu.memory_space<hbm>> -> memref<256x64xf32, #tpu.memory_space<hbm>>
        tpu.wait_dma2 semaphore(%run_scoped3A : memref<!tpu.dma_semaphore, #tpu.memory_space<semaphore_mem>>) src(%arg9 : memref<256x64xf32, #tpu.memory_space<vmem>>) dst(%dma_wait3A_136 : memref<256x64xf32, #tpu.memory_space<hbm>>)
        tpu.yield
      }) : () -> ()
      %add3A_127 = arith.constant 51200 : i32
      %add3A_128 = arith.addi %add3A_127, %mul3A_48 : i32
      "tpu.region"() ({
        %run_scoped3A = tpu.sem_alloc : memref<!tpu.dma_semaphore, #tpu.memory_space<semaphore_mem>>
        %dma_start3A_129 = arith.constant 0 : i32
        %dma_start3A_130 = tpu.memref_slice %arg6[%add3A_128, %dma_start3A_129] : memref<102400x64xf32, #tpu.memory_space<hbm>> -> memref<256x64xf32, #tpu.memory_space<hbm>>
        %dma_start3A_131 = arith.constant 0 : i32
        %dma_start3A_132 = tpu.memref_slice %arg6[%add3A_128, %dma_start3A_131] : memref<102400x64xf32, #tpu.memory_space<hbm>> -> memref<256x64xf32, #tpu.memory_space<hbm>>
        tpu.enqueue_dma source(%arg10 : memref<256x64xf32, #tpu.memory_space<vmem>>) target(%dma_start3A_132 : memref<256x64xf32, #tpu.memory_space<hbm>>) target_semaphore(%run_scoped3A : memref<!tpu.dma_semaphore, #tpu.memory_space<semaphore_mem>>)
        %dma_wait3A_133 = arith.constant 0 : i32
        %dma_wait3A_134 = tpu.memref_slice %arg6[%add3A_128, %dma_wait3A_133] : memref<102400x64xf32, #tpu.memory_space<hbm>> -> memref<256x64xf32, #tpu.memory_space<hbm>>
        %dma_wait3A_135 = arith.constant 0 : i32
        %dma_wait3A_136 = tpu.memref_slice %arg6[%add3A_128, %dma_wait3A_135] : memref<102400x64xf32, #tpu.memory_space<hbm>> -> memref<256x64xf32, #tpu.memory_space<hbm>>
        tpu.wait_dma2 semaphore(%run_scoped3A : memref<!tpu.dma_semaphore, #tpu.memory_space<semaphore_mem>>) src(%arg10 : memref<256x64xf32, #tpu.memory_space<vmem>>) dst(%dma_wait3A_136 : memref<256x64xf32, #tpu.memory_space<hbm>>)
        tpu.yield
      }) : () -> ()
    } else {
    }
    %add3A_5 = arith.constant 32 : i32
    %add3A_6 = arith.addi %add3A, %add3A_5 : i32
    %lt3A_7 = arith.constant 200 : i32
    %lt3A_8 = arith.cmpi slt, %add3A_6, %lt3A_7 : i32
    %convert_element_type3A_9 = arith.extui %lt3A_8 : i1 to i32
    %cond3A_10 = arith.constant 0 : i32
    %cond3A_11 = arith.cmpi ne, %convert_element_type3A_9, %cond3A_10 : i32
    scf.if %cond3A_11 {
      %mul3A_47 = arith.constant 256 : i32
      %mul3A_48 = arith.muli %add3A_6, %mul3A_47 : i32
      "tpu.region"() ({
        %run_scoped3A = tpu.sem_alloc : memref<!tpu.dma_semaphore, #tpu.memory_space<semaphore_mem>>
        %dma_start3A_129 = arith.constant 0 : i32
        %dma_start3A_130 = arith.constant 0 : i32
        %dma_start3A_131 = tpu.memref_slice %arg2[%add3A_6, %dma_start3A_129, %dma_start3A_130] : memref<200x2x128xi32, #tpu.memory_space<hbm>> -> memref<1x2x128xi32, #tpu.memory_space<hbm>>
        %dma_start3A_132 = tpu.memref_squeeze %dma_start3A_131 : memref<1x2x128xi32, #tpu.memory_space<hbm>> -> memref<2x128xi32, #tpu.memory_space<hbm>>
        %dma_start3A_133 = arith.constant 0 : i32
        %dma_start3A_134 = arith.constant 0 : i32
        %dma_start3A_135 = tpu.memref_slice %arg2[%add3A_6, %dma_start3A_133, %dma_start3A_134] : memref<200x2x128xi32, #tpu.memory_space<hbm>> -> memref<1x2x128xi32, #tpu.memory_space<hbm>>
        %dma_start3A_136 = tpu.memref_squeeze %dma_start3A_135 : memref<1x2x128xi32, #tpu.memory_space<hbm>> -> memref<2x128xi32, #tpu.memory_space<hbm>>
        tpu.enqueue_dma source(%dma_start3A_136 : memref<2x128xi32, #tpu.memory_space<hbm>>) target(%arg7 : memref<2x128xi32, #tpu.memory_space<vmem>>) target_semaphore(%run_scoped3A : memref<!tpu.dma_semaphore, #tpu.memory_space<semaphore_mem>>)
        %dma_wait3A_137 = arith.constant 0 : i32
        %dma_wait3A_138 = arith.constant 0 : i32
        %dma_wait3A_139 = tpu.memref_slice %arg2[%add3A_6, %dma_wait3A_137, %dma_wait3A_138] : memref<200x2x128xi32, #tpu.memory_space<hbm>> -> memref<1x2x128xi32, #tpu.memory_space<hbm>>
        %dma_wait3A_140 = tpu.memref_squeeze %dma_wait3A_139 : memref<1x2x128xi32, #tpu.memory_space<hbm>> -> memref<2x128xi32, #tpu.memory_space<hbm>>
        %dma_wait3A_141 = arith.constant 0 : i32
        %dma_wait3A_142 = arith.constant 0 : i32
        %dma_wait3A_143 = tpu.memref_slice %arg2[%add3A_6, %dma_wait3A_141, %dma_wait3A_142] : memref<200x2x128xi32, #tpu.memory_space<hbm>> -> memref<1x2x128xi32, #tpu.memory_space<hbm>>
        %dma_wait3A_144 = tpu.memref_squeeze %dma_wait3A_143 : memref<1x2x128xi32, #tpu.memory_space<hbm>> -> memref<2x128xi32, #tpu.memory_space<hbm>>
        tpu.wait_dma2 semaphore(%run_scoped3A : memref<!tpu.dma_semaphore, #tpu.memory_space<semaphore_mem>>) src(%dma_wait3A_144 : memref<2x128xi32, #tpu.memory_space<hbm>>) dst(%arg7 : memref<2x128xi32, #tpu.memory_space<vmem>>)
        tpu.yield
      }) : () -> ()
      "tpu.region"() ({
        %run_scoped3A = tpu.sem_alloc : memref<!tpu.dma_semaphore, #tpu.memory_space<semaphore_mem>>
        %dma_start3A_129 = arith.constant 0 : i32
        %dma_start3A_130 = arith.constant 0 : i32
        %dma_start3A_131 = tpu.memref_slice %arg3[%add3A_6, %dma_start3A_129, %dma_start3A_130] : memref<200x2x128xi32, #tpu.memory_space<hbm>> -> memref<1x2x128xi32, #tpu.memory_space<hbm>>
        %dma_start3A_132 = tpu.memref_squeeze %dma_start3A_131 : memref<1x2x128xi32, #tpu.memory_space<hbm>> -> memref<2x128xi32, #tpu.memory_space<hbm>>
        %dma_start3A_133 = arith.constant 0 : i32
        %dma_start3A_134 = arith.constant 0 : i32
        %dma_start3A_135 = tpu.memref_slice %arg3[%add3A_6, %dma_start3A_133, %dma_start3A_134] : memref<200x2x128xi32, #tpu.memory_space<hbm>> -> memref<1x2x128xi32, #tpu.memory_space<hbm>>
        %dma_start3A_136 = tpu.memref_squeeze %dma_start3A_135 : memref<1x2x128xi32, #tpu.memory_space<hbm>> -> memref<2x128xi32, #tpu.memory_space<hbm>>
        tpu.enqueue_dma source(%dma_start3A_136 : memref<2x128xi32, #tpu.memory_space<hbm>>) target(%arg8 : memref<2x128xi32, #tpu.memory_space<vmem>>) target_semaphore(%run_scoped3A : memref<!tpu.dma_semaphore, #tpu.memory_space<semaphore_mem>>)
        %dma_wait3A_137 = arith.constant 0 : i32
        %dma_wait3A_138 = arith.constant 0 : i32
        %dma_wait3A_139 = tpu.memref_slice %arg3[%add3A_6, %dma_wait3A_137, %dma_wait3A_138] : memref<200x2x128xi32, #tpu.memory_space<hbm>> -> memref<1x2x128xi32, #tpu.memory_space<hbm>>
        %dma_wait3A_140 = tpu.memref_squeeze %dma_wait3A_139 : memref<1x2x128xi32, #tpu.memory_space<hbm>> -> memref<2x128xi32, #tpu.memory_space<hbm>>
        %dma_wait3A_141 = arith.constant 0 : i32
        %dma_wait3A_142 = arith.constant 0 : i32
        %dma_wait3A_143 = tpu.memref_slice %arg3[%add3A_6, %dma_wait3A_141, %dma_wait3A_142] : memref<200x2x128xi32, #tpu.memory_space<hbm>> -> memref<1x2x128xi32, #tpu.memory_space<hbm>>
        %dma_wait3A_144 = tpu.memref_squeeze %dma_wait3A_143 : memref<1x2x128xi32, #tpu.memory_space<hbm>> -> memref<2x128xi32, #tpu.memory_space<hbm>>
        tpu.wait_dma2 semaphore(%run_scoped3A : memref<!tpu.dma_semaphore, #tpu.memory_space<semaphore_mem>>) src(%dma_wait3A_144 : memref<2x128xi32, #tpu.memory_space<hbm>>) dst(%arg8 : memref<2x128xi32, #tpu.memory_space<vmem>>)
        tpu.yield
      }) : () -> ()
      %dma_start3A = arith.constant 0 : i32
      %dma_start3A_49 = arith.constant 0 : i32
      %dma_start3A_50 = arith.constant 0 : i32
      %dma_start3A_51 = tpu.memref_slice %arg9[%dma_start3A_49, %dma_start3A_50] : memref<256x64xf32, #tpu.memory_space<vmem>> -> memref<128x64xf32, #tpu.memory_space<vmem>>
      %dma_start3A_52 = arith.constant 0 : i32
      %dma_start3A_53 = tpu.memref_slice %arg7[%dma_start3A, %dma_start3A_52] : memref<2x128xi32, #tpu.memory_space<vmem>> -> memref<1x128xi32, #tpu.memory_space<vmem>>
      %dma_start3A_54 = tpu.memref_squeeze %dma_start3A_53 : memref<1x128xi32, #tpu.memory_space<vmem>> -> memref<128xi32, #tpu.memory_space<vmem>>
      %dma_start3A_55 = arith.constant 0 : i32
      %dma_start3A_56 = arith.constant 0 : i32
      %dma_start3A_57 = tpu.memref_slice %arg4[%dma_start3A_55, %dma_start3A_56] : memref<100000x64xf32, #tpu.memory_space<hbm>> -> memref<100000x64xf32, #tpu.memory_space<hbm>>
      tpu.enqueue_indirect_dma source(%dma_start3A_57 : memref<100000x64xf32, #tpu.memory_space<hbm>>) target(%dma_start3A_51 : memref<128x64xf32, #tpu.memory_space<vmem>>) offsets(%dma_start3A_54 : memref<128xi32, #tpu.memory_space<vmem>>) semaphore(%arg11 : memref<!tpu.dma_semaphore, #tpu.memory_space<semaphore_mem>>)
      %dma_start3A_58 = arith.constant 0 : i32
      %dma_start3A_59 = arith.constant 0 : i32
      %dma_start3A_60 = arith.constant 0 : i32
      %dma_start3A_61 = tpu.memref_slice %arg10[%dma_start3A_59, %dma_start3A_60] : memref<256x64xf32, #tpu.memory_space<vmem>> -> memref<128x64xf32, #tpu.memory_space<vmem>>
      %dma_start3A_62 = arith.constant 0 : i32
      %dma_start3A_63 = tpu.memref_slice %arg8[%dma_start3A_58, %dma_start3A_62] : memref<2x128xi32, #tpu.memory_space<vmem>> -> memref<1x128xi32, #tpu.memory_space<vmem>>
      %dma_start3A_64 = tpu.memref_squeeze %dma_start3A_63 : memref<1x128xi32, #tpu.memory_space<vmem>> -> memref<128xi32, #tpu.memory_space<vmem>>
      %dma_start3A_65 = arith.constant 0 : i32
      %dma_start3A_66 = arith.constant 0 : i32
      %dma_start3A_67 = tpu.memref_slice %arg5[%dma_start3A_65, %dma_start3A_66] : memref<1000x64xf32, #tpu.memory_space<hbm>> -> memref<1000x64xf32, #tpu.memory_space<hbm>>
      tpu.enqueue_indirect_dma source(%dma_start3A_67 : memref<1000x64xf32, #tpu.memory_space<hbm>>) target(%dma_start3A_61 : memref<128x64xf32, #tpu.memory_space<vmem>>) offsets(%dma_start3A_64 : memref<128xi32, #tpu.memory_space<vmem>>) semaphore(%arg11 : memref<!tpu.dma_semaphore, #tpu.memory_space<semaphore_mem>>)
      %dma_start3A_68 = arith.constant 1 : i32
      %dma_start3A_69 = arith.constant 128 : i32
      %dma_start3A_70 = arith.constant 0 : i32
      %dma_start3A_71 = tpu.memref_slice %arg9[%dma_start3A_69, %dma_start3A_70] : memref<256x64xf32, #tpu.memory_space<vmem>> -> memref<128x64xf32, #tpu.memory_space<vmem>>
      %dma_start3A_72 = arith.constant 0 : i32
      %dma_start3A_73 = tpu.memref_slice %arg7[%dma_start3A_68, %dma_start3A_72] : memref<2x128xi32, #tpu.memory_space<vmem>> -> memref<1x128xi32, #tpu.memory_space<vmem>>
      %dma_start3A_74 = tpu.memref_squeeze %dma_start3A_73 : memref<1x128xi32, #tpu.memory_space<vmem>> -> memref<128xi32, #tpu.memory_space<vmem>>
      %dma_start3A_75 = arith.constant 0 : i32
      %dma_start3A_76 = arith.constant 0 : i32
      %dma_start3A_77 = tpu.memref_slice %arg4[%dma_start3A_75, %dma_start3A_76] : memref<100000x64xf32, #tpu.memory_space<hbm>> -> memref<100000x64xf32, #tpu.memory_space<hbm>>
      tpu.enqueue_indirect_dma source(%dma_start3A_77 : memref<100000x64xf32, #tpu.memory_space<hbm>>) target(%dma_start3A_71 : memref<128x64xf32, #tpu.memory_space<vmem>>) offsets(%dma_start3A_74 : memref<128xi32, #tpu.memory_space<vmem>>) semaphore(%arg11 : memref<!tpu.dma_semaphore, #tpu.memory_space<semaphore_mem>>)
      %dma_start3A_78 = arith.constant 1 : i32
      %dma_start3A_79 = arith.constant 128 : i32
      %dma_start3A_80 = arith.constant 0 : i32
      %dma_start3A_81 = tpu.memref_slice %arg10[%dma_start3A_79, %dma_start3A_80] : memref<256x64xf32, #tpu.memory_space<vmem>> -> memref<128x64xf32, #tpu.memory_space<vmem>>
      %dma_start3A_82 = arith.constant 0 : i32
      %dma_start3A_83 = tpu.memref_slice %arg8[%dma_start3A_78, %dma_start3A_82] : memref<2x128xi32, #tpu.memory_space<vmem>> -> memref<1x128xi32, #tpu.memory_space<vmem>>
      %dma_start3A_84 = tpu.memref_squeeze %dma_start3A_83 : memref<1x128xi32, #tpu.memory_space<vmem>> -> memref<128xi32, #tpu.memory_space<vmem>>
      %dma_start3A_85 = arith.constant 0 : i32
      %dma_start3A_86 = arith.constant 0 : i32
      %dma_start3A_87 = tpu.memref_slice %arg5[%dma_start3A_85, %dma_start3A_86] : memref<1000x64xf32, #tpu.memory_space<hbm>> -> memref<1000x64xf32, #tpu.memory_space<hbm>>
      tpu.enqueue_indirect_dma source(%dma_start3A_87 : memref<1000x64xf32, #tpu.memory_space<hbm>>) target(%dma_start3A_81 : memref<128x64xf32, #tpu.memory_space<vmem>>) offsets(%dma_start3A_84 : memref<128xi32, #tpu.memory_space<vmem>>) semaphore(%arg11 : memref<!tpu.dma_semaphore, #tpu.memory_space<semaphore_mem>>)
      %dma_wait3A = arith.constant 0 : i32
      %dma_wait3A_88 = arith.constant 0 : i32
      %dma_wait3A_89 = arith.constant 0 : i32
      %dma_wait3A_90 = tpu.memref_slice %arg9[%dma_wait3A_88, %dma_wait3A_89] : memref<256x64xf32, #tpu.memory_space<vmem>> -> memref<128x64xf32, #tpu.memory_space<vmem>>
      %dma_wait3A_91 = arith.constant 0 : i32
      %dma_wait3A_92 = tpu.memref_slice %arg7[%dma_wait3A, %dma_wait3A_91] : memref<2x128xi32, #tpu.memory_space<vmem>> -> memref<1x128xi32, #tpu.memory_space<vmem>>
      %dma_wait3A_93 = tpu.memref_squeeze %dma_wait3A_92 : memref<1x128xi32, #tpu.memory_space<vmem>> -> memref<128xi32, #tpu.memory_space<vmem>>
      %dma_wait3A_94 = arith.constant 0 : i32
      %dma_wait3A_95 = arith.constant 0 : i32
      %dma_wait3A_96 = tpu.memref_slice %arg4[%dma_wait3A_94, %dma_wait3A_95] : memref<100000x64xf32, #tpu.memory_space<hbm>> -> memref<100000x64xf32, #tpu.memory_space<hbm>>
      tpu.wait_indirect_dma semaphore(%arg11 : memref<!tpu.dma_semaphore, #tpu.memory_space<semaphore_mem>>) src(%dma_wait3A_96 : memref<100000x64xf32, #tpu.memory_space<hbm>>) dst(%dma_wait3A_90 : memref<128x64xf32, #tpu.memory_space<vmem>>)
      %dma_wait3A_97 = arith.constant 0 : i32
      %dma_wait3A_98 = arith.constant 0 : i32
      %dma_wait3A_99 = arith.constant 0 : i32
      %dma_wait3A_100 = tpu.memref_slice %arg10[%dma_wait3A_98, %dma_wait3A_99] : memref<256x64xf32, #tpu.memory_space<vmem>> -> memref<128x64xf32, #tpu.memory_space<vmem>>
      %dma_wait3A_101 = arith.constant 0 : i32
      %dma_wait3A_102 = tpu.memref_slice %arg8[%dma_wait3A_97, %dma_wait3A_101] : memref<2x128xi32, #tpu.memory_space<vmem>> -> memref<1x128xi32, #tpu.memory_space<vmem>>
      %dma_wait3A_103 = tpu.memref_squeeze %dma_wait3A_102 : memref<1x128xi32, #tpu.memory_space<vmem>> -> memref<128xi32, #tpu.memory_space<vmem>>
      %dma_wait3A_104 = arith.constant 0 : i32
      %dma_wait3A_105 = arith.constant 0 : i32
      %dma_wait3A_106 = tpu.memref_slice %arg5[%dma_wait3A_104, %dma_wait3A_105] : memref<1000x64xf32, #tpu.memory_space<hbm>> -> memref<1000x64xf32, #tpu.memory_space<hbm>>
      tpu.wait_indirect_dma semaphore(%arg11 : memref<!tpu.dma_semaphore, #tpu.memory_space<semaphore_mem>>) src(%dma_wait3A_106 : memref<1000x64xf32, #tpu.memory_space<hbm>>) dst(%dma_wait3A_100 : memref<128x64xf32, #tpu.memory_space<vmem>>)
      %dma_wait3A_107 = arith.constant 1 : i32
      %dma_wait3A_108 = arith.constant 128 : i32
      %dma_wait3A_109 = arith.constant 0 : i32
      %dma_wait3A_110 = tpu.memref_slice %arg9[%dma_wait3A_108, %dma_wait3A_109] : memref<256x64xf32, #tpu.memory_space<vmem>> -> memref<128x64xf32, #tpu.memory_space<vmem>>
      %dma_wait3A_111 = arith.constant 0 : i32
      %dma_wait3A_112 = tpu.memref_slice %arg7[%dma_wait3A_107, %dma_wait3A_111] : memref<2x128xi32, #tpu.memory_space<vmem>> -> memref<1x128xi32, #tpu.memory_space<vmem>>
      %dma_wait3A_113 = tpu.memref_squeeze %dma_wait3A_112 : memref<1x128xi32, #tpu.memory_space<vmem>> -> memref<128xi32, #tpu.memory_space<vmem>>
      %dma_wait3A_114 = arith.constant 0 : i32
      %dma_wait3A_115 = arith.constant 0 : i32
      %dma_wait3A_116 = tpu.memref_slice %arg4[%dma_wait3A_114, %dma_wait3A_115] : memref<100000x64xf32, #tpu.memory_space<hbm>> -> memref<100000x64xf32, #tpu.memory_space<hbm>>
      tpu.wait_indirect_dma semaphore(%arg11 : memref<!tpu.dma_semaphore, #tpu.memory_space<semaphore_mem>>) src(%dma_wait3A_116 : memref<100000x64xf32, #tpu.memory_space<hbm>>) dst(%dma_wait3A_110 : memref<128x64xf32, #tpu.memory_space<vmem>>)
      %dma_wait3A_117 = arith.constant 1 : i32
      %dma_wait3A_118 = arith.constant 128 : i32
      %dma_wait3A_119 = arith.constant 0 : i32
      %dma_wait3A_120 = tpu.memref_slice %arg10[%dma_wait3A_118, %dma_wait3A_119] : memref<256x64xf32, #tpu.memory_space<vmem>> -> memref<128x64xf32, #tpu.memory_space<vmem>>
      %dma_wait3A_121 = arith.constant 0 : i32
      %dma_wait3A_122 = tpu.memref_slice %arg8[%dma_wait3A_117, %dma_wait3A_121] : memref<2x128xi32, #tpu.memory_space<vmem>> -> memref<1x128xi32, #tpu.memory_space<vmem>>
      %dma_wait3A_123 = tpu.memref_squeeze %dma_wait3A_122 : memref<1x128xi32, #tpu.memory_space<vmem>> -> memref<128xi32, #tpu.memory_space<vmem>>
      %dma_wait3A_124 = arith.constant 0 : i32
      %dma_wait3A_125 = arith.constant 0 : i32
      %dma_wait3A_126 = tpu.memref_slice %arg5[%dma_wait3A_124, %dma_wait3A_125] : memref<1000x64xf32, #tpu.memory_space<hbm>> -> memref<1000x64xf32, #tpu.memory_space<hbm>>
      tpu.wait_indirect_dma semaphore(%arg11 : memref<!tpu.dma_semaphore, #tpu.memory_space<semaphore_mem>>) src(%dma_wait3A_126 : memref<1000x64xf32, #tpu.memory_space<hbm>>) dst(%dma_wait3A_120 : memref<128x64xf32, #tpu.memory_space<vmem>>)
      "tpu.region"() ({
        %run_scoped3A = tpu.sem_alloc : memref<!tpu.dma_semaphore, #tpu.memory_space<semaphore_mem>>
        %dma_start3A_129 = arith.constant 0 : i32
        %dma_start3A_130 = tpu.memref_slice %arg6[%mul3A_48, %dma_start3A_129] : memref<102400x64xf32, #tpu.memory_space<hbm>> -> memref<256x64xf32, #tpu.memory_space<hbm>>
        %dma_start3A_131 = arith.constant 0 : i32
        %dma_start3A_132 = tpu.memref_slice %arg6[%mul3A_48, %dma_start3A_131] : memref<102400x64xf32, #tpu.memory_space<hbm>> -> memref<256x64xf32, #tpu.memory_space<hbm>>
        tpu.enqueue_dma source(%arg9 : memref<256x64xf32, #tpu.memory_space<vmem>>) target(%dma_start3A_132 : memref<256x64xf32, #tpu.memory_space<hbm>>) target_semaphore(%run_scoped3A : memref<!tpu.dma_semaphore, #tpu.memory_space<semaphore_mem>>)
        %dma_wait3A_133 = arith.constant 0 : i32
        %dma_wait3A_134 = tpu.memref_slice %arg6[%mul3A_48, %dma_wait3A_133] : memref<102400x64xf32, #tpu.memory_space<hbm>> -> memref<256x64xf32, #tpu.memory_space<hbm>>
        %dma_wait3A_135 = arith.constant 0 : i32
        %dma_wait3A_136 = tpu.memref_slice %arg6[%mul3A_48, %dma_wait3A_135] : memref<102400x64xf32, #tpu.memory_space<hbm>> -> memref<256x64xf32, #tpu.memory_space<hbm>>
        tpu.wait_dma2 semaphore(%run_scoped3A : memref<!tpu.dma_semaphore, #tpu.memory_space<semaphore_mem>>) src(%arg9 : memref<256x64xf32, #tpu.memory_space<vmem>>) dst(%dma_wait3A_136 : memref<256x64xf32, #tpu.memory_space<hbm>>)
        tpu.yield
      }) : () -> ()
      %add3A_127 = arith.constant 51200 : i32
      %add3A_128 = arith.addi %add3A_127, %mul3A_48 : i32
      "tpu.region"() ({
        %run_scoped3A = tpu.sem_alloc : memref<!tpu.dma_semaphore, #tpu.memory_space<semaphore_mem>>
        %dma_start3A_129 = arith.constant 0 : i32
        %dma_start3A_130 = tpu.memref_slice %arg6[%add3A_128, %dma_start3A_129] : memref<102400x64xf32, #tpu.memory_space<hbm>> -> memref<256x64xf32, #tpu.memory_space<hbm>>
        %dma_start3A_131 = arith.constant 0 : i32
        %dma_start3A_132 = tpu.memref_slice %arg6[%add3A_128, %dma_start3A_131] : memref<102400x64xf32, #tpu.memory_space<hbm>> -> memref<256x64xf32, #tpu.memory_space<hbm>>
        tpu.enqueue_dma source(%arg10 : memref<256x64xf32, #tpu.memory_space<vmem>>) target(%dma_start3A_132 : memref<256x64xf32, #tpu.memory_space<hbm>>) target_semaphore(%run_scoped3A : memref<!tpu.dma_semaphore, #tpu.memory_space<semaphore_mem>>)
        %dma_wait3A_133 = arith.constant 0 : i32
        %dma_wait3A_134 = tpu.memref_slice %arg6[%add3A_128, %dma_wait3A_133] : memref<102400x64xf32, #tpu.memory_space<hbm>> -> memref<256x64xf32, #tpu.memory_space<hbm>>
        %dma_wait3A_135 = arith.constant 0 : i32
        %dma_wait3A_136 = tpu.memref_slice %arg6[%add3A_128, %dma_wait3A_135] : memref<102400x64xf32, #tpu.memory_space<hbm>> -> memref<256x64xf32, #tpu.memory_space<hbm>>
        tpu.wait_dma2 semaphore(%run_scoped3A : memref<!tpu.dma_semaphore, #tpu.memory_space<semaphore_mem>>) src(%arg10 : memref<256x64xf32, #tpu.memory_space<vmem>>) dst(%dma_wait3A_136 : memref<256x64xf32, #tpu.memory_space<hbm>>)
        tpu.yield
      }) : () -> ()
    } else {
    }
    %add3A_12 = arith.constant 64 : i32
    %add3A_13 = arith.addi %add3A, %add3A_12 : i32
    %lt3A_14 = arith.constant 200 : i32
    %lt3A_15 = arith.cmpi slt, %add3A_13, %lt3A_14 : i32
    %convert_element_type3A_16 = arith.extui %lt3A_15 : i1 to i32
    %cond3A_17 = arith.constant 0 : i32
    %cond3A_18 = arith.cmpi ne, %convert_element_type3A_16, %cond3A_17 : i32
    scf.if %cond3A_18 {
      %mul3A_47 = arith.constant 256 : i32
      %mul3A_48 = arith.muli %add3A_13, %mul3A_47 : i32
      "tpu.region"() ({
        %run_scoped3A = tpu.sem_alloc : memref<!tpu.dma_semaphore, #tpu.memory_space<semaphore_mem>>
        %dma_start3A_129 = arith.constant 0 : i32
        %dma_start3A_130 = arith.constant 0 : i32
        %dma_start3A_131 = tpu.memref_slice %arg2[%add3A_13, %dma_start3A_129, %dma_start3A_130] : memref<200x2x128xi32, #tpu.memory_space<hbm>> -> memref<1x2x128xi32, #tpu.memory_space<hbm>>
        %dma_start3A_132 = tpu.memref_squeeze %dma_start3A_131 : memref<1x2x128xi32, #tpu.memory_space<hbm>> -> memref<2x128xi32, #tpu.memory_space<hbm>>
        %dma_start3A_133 = arith.constant 0 : i32
        %dma_start3A_134 = arith.constant 0 : i32
        %dma_start3A_135 = tpu.memref_slice %arg2[%add3A_13, %dma_start3A_133, %dma_start3A_134] : memref<200x2x128xi32, #tpu.memory_space<hbm>> -> memref<1x2x128xi32, #tpu.memory_space<hbm>>
        %dma_start3A_136 = tpu.memref_squeeze %dma_start3A_135 : memref<1x2x128xi32, #tpu.memory_space<hbm>> -> memref<2x128xi32, #tpu.memory_space<hbm>>
        tpu.enqueue_dma source(%dma_start3A_136 : memref<2x128xi32, #tpu.memory_space<hbm>>) target(%arg7 : memref<2x128xi32, #tpu.memory_space<vmem>>) target_semaphore(%run_scoped3A : memref<!tpu.dma_semaphore, #tpu.memory_space<semaphore_mem>>)
        %dma_wait3A_137 = arith.constant 0 : i32
        %dma_wait3A_138 = arith.constant 0 : i32
        %dma_wait3A_139 = tpu.memref_slice %arg2[%add3A_13, %dma_wait3A_137, %dma_wait3A_138] : memref<200x2x128xi32, #tpu.memory_space<hbm>> -> memref<1x2x128xi32, #tpu.memory_space<hbm>>
        %dma_wait3A_140 = tpu.memref_squeeze %dma_wait3A_139 : memref<1x2x128xi32, #tpu.memory_space<hbm>> -> memref<2x128xi32, #tpu.memory_space<hbm>>
        %dma_wait3A_141 = arith.constant 0 : i32
        %dma_wait3A_142 = arith.constant 0 : i32
        %dma_wait3A_143 = tpu.memref_slice %arg2[%add3A_13, %dma_wait3A_141, %dma_wait3A_142] : memref<200x2x128xi32, #tpu.memory_space<hbm>> -> memref<1x2x128xi32, #tpu.memory_space<hbm>>
        %dma_wait3A_144 = tpu.memref_squeeze %dma_wait3A_143 : memref<1x2x128xi32, #tpu.memory_space<hbm>> -> memref<2x128xi32, #tpu.memory_space<hbm>>
        tpu.wait_dma2 semaphore(%run_scoped3A : memref<!tpu.dma_semaphore, #tpu.memory_space<semaphore_mem>>) src(%dma_wait3A_144 : memref<2x128xi32, #tpu.memory_space<hbm>>) dst(%arg7 : memref<2x128xi32, #tpu.memory_space<vmem>>)
        tpu.yield
      }) : () -> ()
      "tpu.region"() ({
        %run_scoped3A = tpu.sem_alloc : memref<!tpu.dma_semaphore, #tpu.memory_space<semaphore_mem>>
        %dma_start3A_129 = arith.constant 0 : i32
        %dma_start3A_130 = arith.constant 0 : i32
        %dma_start3A_131 = tpu.memref_slice %arg3[%add3A_13, %dma_start3A_129, %dma_start3A_130] : memref<200x2x128xi32, #tpu.memory_space<hbm>> -> memref<1x2x128xi32, #tpu.memory_space<hbm>>
        %dma_start3A_132 = tpu.memref_squeeze %dma_start3A_131 : memref<1x2x128xi32, #tpu.memory_space<hbm>> -> memref<2x128xi32, #tpu.memory_space<hbm>>
        %dma_start3A_133 = arith.constant 0 : i32
        %dma_start3A_134 = arith.constant 0 : i32
        %dma_start3A_135 = tpu.memref_slice %arg3[%add3A_13, %dma_start3A_133, %dma_start3A_134] : memref<200x2x128xi32, #tpu.memory_space<hbm>> -> memref<1x2x128xi32, #tpu.memory_space<hbm>>
        %dma_start3A_136 = tpu.memref_squeeze %dma_start3A_135 : memref<1x2x128xi32, #tpu.memory_space<hbm>> -> memref<2x128xi32, #tpu.memory_space<hbm>>
        tpu.enqueue_dma source(%dma_start3A_136 : memref<2x128xi32, #tpu.memory_space<hbm>>) target(%arg8 : memref<2x128xi32, #tpu.memory_space<vmem>>) target_semaphore(%run_scoped3A : memref<!tpu.dma_semaphore, #tpu.memory_space<semaphore_mem>>)
        %dma_wait3A_137 = arith.constant 0 : i32
        %dma_wait3A_138 = arith.constant 0 : i32
        %dma_wait3A_139 = tpu.memref_slice %arg3[%add3A_13, %dma_wait3A_137, %dma_wait3A_138] : memref<200x2x128xi32, #tpu.memory_space<hbm>> -> memref<1x2x128xi32, #tpu.memory_space<hbm>>
        %dma_wait3A_140 = tpu.memref_squeeze %dma_wait3A_139 : memref<1x2x128xi32, #tpu.memory_space<hbm>> -> memref<2x128xi32, #tpu.memory_space<hbm>>
        %dma_wait3A_141 = arith.constant 0 : i32
        %dma_wait3A_142 = arith.constant 0 : i32
        %dma_wait3A_143 = tpu.memref_slice %arg3[%add3A_13, %dma_wait3A_141, %dma_wait3A_142] : memref<200x2x128xi32, #tpu.memory_space<hbm>> -> memref<1x2x128xi32, #tpu.memory_space<hbm>>
        %dma_wait3A_144 = tpu.memref_squeeze %dma_wait3A_143 : memref<1x2x128xi32, #tpu.memory_space<hbm>> -> memref<2x128xi32, #tpu.memory_space<hbm>>
        tpu.wait_dma2 semaphore(%run_scoped3A : memref<!tpu.dma_semaphore, #tpu.memory_space<semaphore_mem>>) src(%dma_wait3A_144 : memref<2x128xi32, #tpu.memory_space<hbm>>) dst(%arg8 : memref<2x128xi32, #tpu.memory_space<vmem>>)
        tpu.yield
      }) : () -> ()
      %dma_start3A = arith.constant 0 : i32
      %dma_start3A_49 = arith.constant 0 : i32
      %dma_start3A_50 = arith.constant 0 : i32
      %dma_start3A_51 = tpu.memref_slice %arg9[%dma_start3A_49, %dma_start3A_50] : memref<256x64xf32, #tpu.memory_space<vmem>> -> memref<128x64xf32, #tpu.memory_space<vmem>>
      %dma_start3A_52 = arith.constant 0 : i32
      %dma_start3A_53 = tpu.memref_slice %arg7[%dma_start3A, %dma_start3A_52] : memref<2x128xi32, #tpu.memory_space<vmem>> -> memref<1x128xi32, #tpu.memory_space<vmem>>
      %dma_start3A_54 = tpu.memref_squeeze %dma_start3A_53 : memref<1x128xi32, #tpu.memory_space<vmem>> -> memref<128xi32, #tpu.memory_space<vmem>>
      %dma_start3A_55 = arith.constant 0 : i32
      %dma_start3A_56 = arith.constant 0 : i32
      %dma_start3A_57 = tpu.memref_slice %arg4[%dma_start3A_55, %dma_start3A_56] : memref<100000x64xf32, #tpu.memory_space<hbm>> -> memref<100000x64xf32, #tpu.memory_space<hbm>>
      tpu.enqueue_indirect_dma source(%dma_start3A_57 : memref<100000x64xf32, #tpu.memory_space<hbm>>) target(%dma_start3A_51 : memref<128x64xf32, #tpu.memory_space<vmem>>) offsets(%dma_start3A_54 : memref<128xi32, #tpu.memory_space<vmem>>) semaphore(%arg11 : memref<!tpu.dma_semaphore, #tpu.memory_space<semaphore_mem>>)
      %dma_start3A_58 = arith.constant 0 : i32
      %dma_start3A_59 = arith.constant 0 : i32
      %dma_start3A_60 = arith.constant 0 : i32
      %dma_start3A_61 = tpu.memref_slice %arg10[%dma_start3A_59, %dma_start3A_60] : memref<256x64xf32, #tpu.memory_space<vmem>> -> memref<128x64xf32, #tpu.memory_space<vmem>>
      %dma_start3A_62 = arith.constant 0 : i32
      %dma_start3A_63 = tpu.memref_slice %arg8[%dma_start3A_58, %dma_start3A_62] : memref<2x128xi32, #tpu.memory_space<vmem>> -> memref<1x128xi32, #tpu.memory_space<vmem>>
      %dma_start3A_64 = tpu.memref_squeeze %dma_start3A_63 : memref<1x128xi32, #tpu.memory_space<vmem>> -> memref<128xi32, #tpu.memory_space<vmem>>
      %dma_start3A_65 = arith.constant 0 : i32
      %dma_start3A_66 = arith.constant 0 : i32
      %dma_start3A_67 = tpu.memref_slice %arg5[%dma_start3A_65, %dma_start3A_66] : memref<1000x64xf32, #tpu.memory_space<hbm>> -> memref<1000x64xf32, #tpu.memory_space<hbm>>
      tpu.enqueue_indirect_dma source(%dma_start3A_67 : memref<1000x64xf32, #tpu.memory_space<hbm>>) target(%dma_start3A_61 : memref<128x64xf32, #tpu.memory_space<vmem>>) offsets(%dma_start3A_64 : memref<128xi32, #tpu.memory_space<vmem>>) semaphore(%arg11 : memref<!tpu.dma_semaphore, #tpu.memory_space<semaphore_mem>>)
      %dma_start3A_68 = arith.constant 1 : i32
      %dma_start3A_69 = arith.constant 128 : i32
      %dma_start3A_70 = arith.constant 0 : i32
      %dma_start3A_71 = tpu.memref_slice %arg9[%dma_start3A_69, %dma_start3A_70] : memref<256x64xf32, #tpu.memory_space<vmem>> -> memref<128x64xf32, #tpu.memory_space<vmem>>
      %dma_start3A_72 = arith.constant 0 : i32
      %dma_start3A_73 = tpu.memref_slice %arg7[%dma_start3A_68, %dma_start3A_72] : memref<2x128xi32, #tpu.memory_space<vmem>> -> memref<1x128xi32, #tpu.memory_space<vmem>>
      %dma_start3A_74 = tpu.memref_squeeze %dma_start3A_73 : memref<1x128xi32, #tpu.memory_space<vmem>> -> memref<128xi32, #tpu.memory_space<vmem>>
      %dma_start3A_75 = arith.constant 0 : i32
      %dma_start3A_76 = arith.constant 0 : i32
      %dma_start3A_77 = tpu.memref_slice %arg4[%dma_start3A_75, %dma_start3A_76] : memref<100000x64xf32, #tpu.memory_space<hbm>> -> memref<100000x64xf32, #tpu.memory_space<hbm>>
      tpu.enqueue_indirect_dma source(%dma_start3A_77 : memref<100000x64xf32, #tpu.memory_space<hbm>>) target(%dma_start3A_71 : memref<128x64xf32, #tpu.memory_space<vmem>>) offsets(%dma_start3A_74 : memref<128xi32, #tpu.memory_space<vmem>>) semaphore(%arg11 : memref<!tpu.dma_semaphore, #tpu.memory_space<semaphore_mem>>)
      %dma_start3A_78 = arith.constant 1 : i32
      %dma_start3A_79 = arith.constant 128 : i32
      %dma_start3A_80 = arith.constant 0 : i32
      %dma_start3A_81 = tpu.memref_slice %arg10[%dma_start3A_79, %dma_start3A_80] : memref<256x64xf32, #tpu.memory_space<vmem>> -> memref<128x64xf32, #tpu.memory_space<vmem>>
      %dma_start3A_82 = arith.constant 0 : i32
      %dma_start3A_83 = tpu.memref_slice %arg8[%dma_start3A_78, %dma_start3A_82] : memref<2x128xi32, #tpu.memory_space<vmem>> -> memref<1x128xi32, #tpu.memory_space<vmem>>
      %dma_start3A_84 = tpu.memref_squeeze %dma_start3A_83 : memref<1x128xi32, #tpu.memory_space<vmem>> -> memref<128xi32, #tpu.memory_space<vmem>>
      %dma_start3A_85 = arith.constant 0 : i32
      %dma_start3A_86 = arith.constant 0 : i32
      %dma_start3A_87 = tpu.memref_slice %arg5[%dma_start3A_85, %dma_start3A_86] : memref<1000x64xf32, #tpu.memory_space<hbm>> -> memref<1000x64xf32, #tpu.memory_space<hbm>>
      tpu.enqueue_indirect_dma source(%dma_start3A_87 : memref<1000x64xf32, #tpu.memory_space<hbm>>) target(%dma_start3A_81 : memref<128x64xf32, #tpu.memory_space<vmem>>) offsets(%dma_start3A_84 : memref<128xi32, #tpu.memory_space<vmem>>) semaphore(%arg11 : memref<!tpu.dma_semaphore, #tpu.memory_space<semaphore_mem>>)
      %dma_wait3A = arith.constant 0 : i32
      %dma_wait3A_88 = arith.constant 0 : i32
      %dma_wait3A_89 = arith.constant 0 : i32
      %dma_wait3A_90 = tpu.memref_slice %arg9[%dma_wait3A_88, %dma_wait3A_89] : memref<256x64xf32, #tpu.memory_space<vmem>> -> memref<128x64xf32, #tpu.memory_space<vmem>>
      %dma_wait3A_91 = arith.constant 0 : i32
      %dma_wait3A_92 = tpu.memref_slice %arg7[%dma_wait3A, %dma_wait3A_91] : memref<2x128xi32, #tpu.memory_space<vmem>> -> memref<1x128xi32, #tpu.memory_space<vmem>>
      %dma_wait3A_93 = tpu.memref_squeeze %dma_wait3A_92 : memref<1x128xi32, #tpu.memory_space<vmem>> -> memref<128xi32, #tpu.memory_space<vmem>>
      %dma_wait3A_94 = arith.constant 0 : i32
      %dma_wait3A_95 = arith.constant 0 : i32
      %dma_wait3A_96 = tpu.memref_slice %arg4[%dma_wait3A_94, %dma_wait3A_95] : memref<100000x64xf32, #tpu.memory_space<hbm>> -> memref<100000x64xf32, #tpu.memory_space<hbm>>
      tpu.wait_indirect_dma semaphore(%arg11 : memref<!tpu.dma_semaphore, #tpu.memory_space<semaphore_mem>>) src(%dma_wait3A_96 : memref<100000x64xf32, #tpu.memory_space<hbm>>) dst(%dma_wait3A_90 : memref<128x64xf32, #tpu.memory_space<vmem>>)
      %dma_wait3A_97 = arith.constant 0 : i32
      %dma_wait3A_98 = arith.constant 0 : i32
      %dma_wait3A_99 = arith.constant 0 : i32
      %dma_wait3A_100 = tpu.memref_slice %arg10[%dma_wait3A_98, %dma_wait3A_99] : memref<256x64xf32, #tpu.memory_space<vmem>> -> memref<128x64xf32, #tpu.memory_space<vmem>>
      %dma_wait3A_101 = arith.constant 0 : i32
      %dma_wait3A_102 = tpu.memref_slice %arg8[%dma_wait3A_97, %dma_wait3A_101] : memref<2x128xi32, #tpu.memory_space<vmem>> -> memref<1x128xi32, #tpu.memory_space<vmem>>
      %dma_wait3A_103 = tpu.memref_squeeze %dma_wait3A_102 : memref<1x128xi32, #tpu.memory_space<vmem>> -> memref<128xi32, #tpu.memory_space<vmem>>
      %dma_wait3A_104 = arith.constant 0 : i32
      %dma_wait3A_105 = arith.constant 0 : i32
      %dma_wait3A_106 = tpu.memref_slice %arg5[%dma_wait3A_104, %dma_wait3A_105] : memref<1000x64xf32, #tpu.memory_space<hbm>> -> memref<1000x64xf32, #tpu.memory_space<hbm>>
      tpu.wait_indirect_dma semaphore(%arg11 : memref<!tpu.dma_semaphore, #tpu.memory_space<semaphore_mem>>) src(%dma_wait3A_106 : memref<1000x64xf32, #tpu.memory_space<hbm>>) dst(%dma_wait3A_100 : memref<128x64xf32, #tpu.memory_space<vmem>>)
      %dma_wait3A_107 = arith.constant 1 : i32
      %dma_wait3A_108 = arith.constant 128 : i32
      %dma_wait3A_109 = arith.constant 0 : i32
      %dma_wait3A_110 = tpu.memref_slice %arg9[%dma_wait3A_108, %dma_wait3A_109] : memref<256x64xf32, #tpu.memory_space<vmem>> -> memref<128x64xf32, #tpu.memory_space<vmem>>
      %dma_wait3A_111 = arith.constant 0 : i32
      %dma_wait3A_112 = tpu.memref_slice %arg7[%dma_wait3A_107, %dma_wait3A_111] : memref<2x128xi32, #tpu.memory_space<vmem>> -> memref<1x128xi32, #tpu.memory_space<vmem>>
      %dma_wait3A_113 = tpu.memref_squeeze %dma_wait3A_112 : memref<1x128xi32, #tpu.memory_space<vmem>> -> memref<128xi32, #tpu.memory_space<vmem>>
      %dma_wait3A_114 = arith.constant 0 : i32
      %dma_wait3A_115 = arith.constant 0 : i32
      %dma_wait3A_116 = tpu.memref_slice %arg4[%dma_wait3A_114, %dma_wait3A_115] : memref<100000x64xf32, #tpu.memory_space<hbm>> -> memref<100000x64xf32, #tpu.memory_space<hbm>>
      tpu.wait_indirect_dma semaphore(%arg11 : memref<!tpu.dma_semaphore, #tpu.memory_space<semaphore_mem>>) src(%dma_wait3A_116 : memref<100000x64xf32, #tpu.memory_space<hbm>>) dst(%dma_wait3A_110 : memref<128x64xf32, #tpu.memory_space<vmem>>)
      %dma_wait3A_117 = arith.constant 1 : i32
      %dma_wait3A_118 = arith.constant 128 : i32
      %dma_wait3A_119 = arith.constant 0 : i32
      %dma_wait3A_120 = tpu.memref_slice %arg10[%dma_wait3A_118, %dma_wait3A_119] : memref<256x64xf32, #tpu.memory_space<vmem>> -> memref<128x64xf32, #tpu.memory_space<vmem>>
      %dma_wait3A_121 = arith.constant 0 : i32
      %dma_wait3A_122 = tpu.memref_slice %arg8[%dma_wait3A_117, %dma_wait3A_121] : memref<2x128xi32, #tpu.memory_space<vmem>> -> memref<1x128xi32, #tpu.memory_space<vmem>>
      %dma_wait3A_123 = tpu.memref_squeeze %dma_wait3A_122 : memref<1x128xi32, #tpu.memory_space<vmem>> -> memref<128xi32, #tpu.memory_space<vmem>>
      %dma_wait3A_124 = arith.constant 0 : i32
      %dma_wait3A_125 = arith.constant 0 : i32
      %dma_wait3A_126 = tpu.memref_slice %arg5[%dma_wait3A_124, %dma_wait3A_125] : memref<1000x64xf32, #tpu.memory_space<hbm>> -> memref<1000x64xf32, #tpu.memory_space<hbm>>
      tpu.wait_indirect_dma semaphore(%arg11 : memref<!tpu.dma_semaphore, #tpu.memory_space<semaphore_mem>>) src(%dma_wait3A_126 : memref<1000x64xf32, #tpu.memory_space<hbm>>) dst(%dma_wait3A_120 : memref<128x64xf32, #tpu.memory_space<vmem>>)
      "tpu.region"() ({
        %run_scoped3A = tpu.sem_alloc : memref<!tpu.dma_semaphore, #tpu.memory_space<semaphore_mem>>
        %dma_start3A_129 = arith.constant 0 : i32
        %dma_start3A_130 = tpu.memref_slice %arg6[%mul3A_48, %dma_start3A_129] : memref<102400x64xf32, #tpu.memory_space<hbm>> -> memref<256x64xf32, #tpu.memory_space<hbm>>
        %dma_start3A_131 = arith.constant 0 : i32
        %dma_start3A_132 = tpu.memref_slice %arg6[%mul3A_48, %dma_start3A_131] : memref<102400x64xf32, #tpu.memory_space<hbm>> -> memref<256x64xf32, #tpu.memory_space<hbm>>
        tpu.enqueue_dma source(%arg9 : memref<256x64xf32, #tpu.memory_space<vmem>>) target(%dma_start3A_132 : memref<256x64xf32, #tpu.memory_space<hbm>>) target_semaphore(%run_scoped3A : memref<!tpu.dma_semaphore, #tpu.memory_space<semaphore_mem>>)
        %dma_wait3A_133 = arith.constant 0 : i32
        %dma_wait3A_134 = tpu.memref_slice %arg6[%mul3A_48, %dma_wait3A_133] : memref<102400x64xf32, #tpu.memory_space<hbm>> -> memref<256x64xf32, #tpu.memory_space<hbm>>
        %dma_wait3A_135 = arith.constant 0 : i32
        %dma_wait3A_136 = tpu.memref_slice %arg6[%mul3A_48, %dma_wait3A_135] : memref<102400x64xf32, #tpu.memory_space<hbm>> -> memref<256x64xf32, #tpu.memory_space<hbm>>
        tpu.wait_dma2 semaphore(%run_scoped3A : memref<!tpu.dma_semaphore, #tpu.memory_space<semaphore_mem>>) src(%arg9 : memref<256x64xf32, #tpu.memory_space<vmem>>) dst(%dma_wait3A_136 : memref<256x64xf32, #tpu.memory_space<hbm>>)
        tpu.yield
      }) : () -> ()
      %add3A_127 = arith.constant 51200 : i32
      %add3A_128 = arith.addi %add3A_127, %mul3A_48 : i32
      "tpu.region"() ({
        %run_scoped3A = tpu.sem_alloc : memref<!tpu.dma_semaphore, #tpu.memory_space<semaphore_mem>>
        %dma_start3A_129 = arith.constant 0 : i32
        %dma_start3A_130 = tpu.memref_slice %arg6[%add3A_128, %dma_start3A_129] : memref<102400x64xf32, #tpu.memory_space<hbm>> -> memref<256x64xf32, #tpu.memory_space<hbm>>
        %dma_start3A_131 = arith.constant 0 : i32
        %dma_start3A_132 = tpu.memref_slice %arg6[%add3A_128, %dma_start3A_131] : memref<102400x64xf32, #tpu.memory_space<hbm>> -> memref<256x64xf32, #tpu.memory_space<hbm>>
        tpu.enqueue_dma source(%arg10 : memref<256x64xf32, #tpu.memory_space<vmem>>) target(%dma_start3A_132 : memref<256x64xf32, #tpu.memory_space<hbm>>) target_semaphore(%run_scoped3A : memref<!tpu.dma_semaphore, #tpu.memory_space<semaphore_mem>>)
        %dma_wait3A_133 = arith.constant 0 : i32
        %dma_wait3A_134 = tpu.memref_slice %arg6[%add3A_128, %dma_wait3A_133] : memref<102400x64xf32, #tpu.memory_space<hbm>> -> memref<256x64xf32, #tpu.memory_space<hbm>>
        %dma_wait3A_135 = arith.constant 0 : i32
        %dma_wait3A_136 = tpu.memref_slice %arg6[%add3A_128, %dma_wait3A_135] : memref<102400x64xf32, #tpu.memory_space<hbm>> -> memref<256x64xf32, #tpu.memory_space<hbm>>
        tpu.wait_dma2 semaphore(%run_scoped3A : memref<!tpu.dma_semaphore, #tpu.memory_space<semaphore_mem>>) src(%arg10 : memref<256x64xf32, #tpu.memory_space<vmem>>) dst(%dma_wait3A_136 : memref<256x64xf32, #tpu.memory_space<hbm>>)
        tpu.yield
      }) : () -> ()
    } else {
    }
    %add3A_19 = arith.constant 96 : i32
    %add3A_20 = arith.addi %add3A, %add3A_19 : i32
    %lt3A_21 = arith.constant 200 : i32
    %lt3A_22 = arith.cmpi slt, %add3A_20, %lt3A_21 : i32
    %convert_element_type3A_23 = arith.extui %lt3A_22 : i1 to i32
    %cond3A_24 = arith.constant 0 : i32
    %cond3A_25 = arith.cmpi ne, %convert_element_type3A_23, %cond3A_24 : i32
    scf.if %cond3A_25 {
      %mul3A_47 = arith.constant 256 : i32
      %mul3A_48 = arith.muli %add3A_20, %mul3A_47 : i32
      "tpu.region"() ({
        %run_scoped3A = tpu.sem_alloc : memref<!tpu.dma_semaphore, #tpu.memory_space<semaphore_mem>>
        %dma_start3A_129 = arith.constant 0 : i32
        %dma_start3A_130 = arith.constant 0 : i32
        %dma_start3A_131 = tpu.memref_slice %arg2[%add3A_20, %dma_start3A_129, %dma_start3A_130] : memref<200x2x128xi32, #tpu.memory_space<hbm>> -> memref<1x2x128xi32, #tpu.memory_space<hbm>>
        %dma_start3A_132 = tpu.memref_squeeze %dma_start3A_131 : memref<1x2x128xi32, #tpu.memory_space<hbm>> -> memref<2x128xi32, #tpu.memory_space<hbm>>
        %dma_start3A_133 = arith.constant 0 : i32
        %dma_start3A_134 = arith.constant 0 : i32
        %dma_start3A_135 = tpu.memref_slice %arg2[%add3A_20, %dma_start3A_133, %dma_start3A_134] : memref<200x2x128xi32, #tpu.memory_space<hbm>> -> memref<1x2x128xi32, #tpu.memory_space<hbm>>
        %dma_start3A_136 = tpu.memref_squeeze %dma_start3A_135 : memref<1x2x128xi32, #tpu.memory_space<hbm>> -> memref<2x128xi32, #tpu.memory_space<hbm>>
        tpu.enqueue_dma source(%dma_start3A_136 : memref<2x128xi32, #tpu.memory_space<hbm>>) target(%arg7 : memref<2x128xi32, #tpu.memory_space<vmem>>) target_semaphore(%run_scoped3A : memref<!tpu.dma_semaphore, #tpu.memory_space<semaphore_mem>>)
        %dma_wait3A_137 = arith.constant 0 : i32
        %dma_wait3A_138 = arith.constant 0 : i32
        %dma_wait3A_139 = tpu.memref_slice %arg2[%add3A_20, %dma_wait3A_137, %dma_wait3A_138] : memref<200x2x128xi32, #tpu.memory_space<hbm>> -> memref<1x2x128xi32, #tpu.memory_space<hbm>>
        %dma_wait3A_140 = tpu.memref_squeeze %dma_wait3A_139 : memref<1x2x128xi32, #tpu.memory_space<hbm>> -> memref<2x128xi32, #tpu.memory_space<hbm>>
        %dma_wait3A_141 = arith.constant 0 : i32
        %dma_wait3A_142 = arith.constant 0 : i32
        %dma_wait3A_143 = tpu.memref_slice %arg2[%add3A_20, %dma_wait3A_141, %dma_wait3A_142] : memref<200x2x128xi32, #tpu.memory_space<hbm>> -> memref<1x2x128xi32, #tpu.memory_space<hbm>>
        %dma_wait3A_144 = tpu.memref_squeeze %dma_wait3A_143 : memref<1x2x128xi32, #tpu.memory_space<hbm>> -> memref<2x128xi32, #tpu.memory_space<hbm>>
        tpu.wait_dma2 semaphore(%run_scoped3A : memref<!tpu.dma_semaphore, #tpu.memory_space<semaphore_mem>>) src(%dma_wait3A_144 : memref<2x128xi32, #tpu.memory_space<hbm>>) dst(%arg7 : memref<2x128xi32, #tpu.memory_space<vmem>>)
        tpu.yield
      }) : () -> ()
      "tpu.region"() ({
        %run_scoped3A = tpu.sem_alloc : memref<!tpu.dma_semaphore, #tpu.memory_space<semaphore_mem>>
        %dma_start3A_129 = arith.constant 0 : i32
        %dma_start3A_130 = arith.constant 0 : i32
        %dma_start3A_131 = tpu.memref_slice %arg3[%add3A_20, %dma_start3A_129, %dma_start3A_130] : memref<200x2x128xi32, #tpu.memory_space<hbm>> -> memref<1x2x128xi32, #tpu.memory_space<hbm>>
        %dma_start3A_132 = tpu.memref_squeeze %dma_start3A_131 : memref<1x2x128xi32, #tpu.memory_space<hbm>> -> memref<2x128xi32, #tpu.memory_space<hbm>>
        %dma_start3A_133 = arith.constant 0 : i32
        %dma_start3A_134 = arith.constant 0 : i32
        %dma_start3A_135 = tpu.memref_slice %arg3[%add3A_20, %dma_start3A_133, %dma_start3A_134] : memref<200x2x128xi32, #tpu.memory_space<hbm>> -> memref<1x2x128xi32, #tpu.memory_space<hbm>>
        %dma_start3A_136 = tpu.memref_squeeze %dma_start3A_135 : memref<1x2x128xi32, #tpu.memory_space<hbm>> -> memref<2x128xi32, #tpu.memory_space<hbm>>
        tpu.enqueue_dma source(%dma_start3A_136 : memref<2x128xi32, #tpu.memory_space<hbm>>) target(%arg8 : memref<2x128xi32, #tpu.memory_space<vmem>>) target_semaphore(%run_scoped3A : memref<!tpu.dma_semaphore, #tpu.memory_space<semaphore_mem>>)
        %dma_wait3A_137 = arith.constant 0 : i32
        %dma_wait3A_138 = arith.constant 0 : i32
        %dma_wait3A_139 = tpu.memref_slice %arg3[%add3A_20, %dma_wait3A_137, %dma_wait3A_138] : memref<200x2x128xi32, #tpu.memory_space<hbm>> -> memref<1x2x128xi32, #tpu.memory_space<hbm>>
        %dma_wait3A_140 = tpu.memref_squeeze %dma_wait3A_139 : memref<1x2x128xi32, #tpu.memory_space<hbm>> -> memref<2x128xi32, #tpu.memory_space<hbm>>
        %dma_wait3A_141 = arith.constant 0 : i32
        %dma_wait3A_142 = arith.constant 0 : i32
        %dma_wait3A_143 = tpu.memref_slice %arg3[%add3A_20, %dma_wait3A_141, %dma_wait3A_142] : memref<200x2x128xi32, #tpu.memory_space<hbm>> -> memref<1x2x128xi32, #tpu.memory_space<hbm>>
        %dma_wait3A_144 = tpu.memref_squeeze %dma_wait3A_143 : memref<1x2x128xi32, #tpu.memory_space<hbm>> -> memref<2x128xi32, #tpu.memory_space<hbm>>
        tpu.wait_dma2 semaphore(%run_scoped3A : memref<!tpu.dma_semaphore, #tpu.memory_space<semaphore_mem>>) src(%dma_wait3A_144 : memref<2x128xi32, #tpu.memory_space<hbm>>) dst(%arg8 : memref<2x128xi32, #tpu.memory_space<vmem>>)
        tpu.yield
      }) : () -> ()
      %dma_start3A = arith.constant 0 : i32
      %dma_start3A_49 = arith.constant 0 : i32
      %dma_start3A_50 = arith.constant 0 : i32
      %dma_start3A_51 = tpu.memref_slice %arg9[%dma_start3A_49, %dma_start3A_50] : memref<256x64xf32, #tpu.memory_space<vmem>> -> memref<128x64xf32, #tpu.memory_space<vmem>>
      %dma_start3A_52 = arith.constant 0 : i32
      %dma_start3A_53 = tpu.memref_slice %arg7[%dma_start3A, %dma_start3A_52] : memref<2x128xi32, #tpu.memory_space<vmem>> -> memref<1x128xi32, #tpu.memory_space<vmem>>
      %dma_start3A_54 = tpu.memref_squeeze %dma_start3A_53 : memref<1x128xi32, #tpu.memory_space<vmem>> -> memref<128xi32, #tpu.memory_space<vmem>>
      %dma_start3A_55 = arith.constant 0 : i32
      %dma_start3A_56 = arith.constant 0 : i32
      %dma_start3A_57 = tpu.memref_slice %arg4[%dma_start3A_55, %dma_start3A_56] : memref<100000x64xf32, #tpu.memory_space<hbm>> -> memref<100000x64xf32, #tpu.memory_space<hbm>>
      tpu.enqueue_indirect_dma source(%dma_start3A_57 : memref<100000x64xf32, #tpu.memory_space<hbm>>) target(%dma_start3A_51 : memref<128x64xf32, #tpu.memory_space<vmem>>) offsets(%dma_start3A_54 : memref<128xi32, #tpu.memory_space<vmem>>) semaphore(%arg11 : memref<!tpu.dma_semaphore, #tpu.memory_space<semaphore_mem>>)
      %dma_start3A_58 = arith.constant 0 : i32
      %dma_start3A_59 = arith.constant 0 : i32
      %dma_start3A_60 = arith.constant 0 : i32
      %dma_start3A_61 = tpu.memref_slice %arg10[%dma_start3A_59, %dma_start3A_60] : memref<256x64xf32, #tpu.memory_space<vmem>> -> memref<128x64xf32, #tpu.memory_space<vmem>>
      %dma_start3A_62 = arith.constant 0 : i32
      %dma_start3A_63 = tpu.memref_slice %arg8[%dma_start3A_58, %dma_start3A_62] : memref<2x128xi32, #tpu.memory_space<vmem>> -> memref<1x128xi32, #tpu.memory_space<vmem>>
      %dma_start3A_64 = tpu.memref_squeeze %dma_start3A_63 : memref<1x128xi32, #tpu.memory_space<vmem>> -> memref<128xi32, #tpu.memory_space<vmem>>
      %dma_start3A_65 = arith.constant 0 : i32
      %dma_start3A_66 = arith.constant 0 : i32
      %dma_start3A_67 = tpu.memref_slice %arg5[%dma_start3A_65, %dma_start3A_66] : memref<1000x64xf32, #tpu.memory_space<hbm>> -> memref<1000x64xf32, #tpu.memory_space<hbm>>
      tpu.enqueue_indirect_dma source(%dma_start3A_67 : memref<1000x64xf32, #tpu.memory_space<hbm>>) target(%dma_start3A_61 : memref<128x64xf32, #tpu.memory_space<vmem>>) offsets(%dma_start3A_64 : memref<128xi32, #tpu.memory_space<vmem>>) semaphore(%arg11 : memref<!tpu.dma_semaphore, #tpu.memory_space<semaphore_mem>>)
      %dma_start3A_68 = arith.constant 1 : i32
      %dma_start3A_69 = arith.constant 128 : i32
      %dma_start3A_70 = arith.constant 0 : i32
      %dma_start3A_71 = tpu.memref_slice %arg9[%dma_start3A_69, %dma_start3A_70] : memref<256x64xf32, #tpu.memory_space<vmem>> -> memref<128x64xf32, #tpu.memory_space<vmem>>
      %dma_start3A_72 = arith.constant 0 : i32
      %dma_start3A_73 = tpu.memref_slice %arg7[%dma_start3A_68, %dma_start3A_72] : memref<2x128xi32, #tpu.memory_space<vmem>> -> memref<1x128xi32, #tpu.memory_space<vmem>>
      %dma_start3A_74 = tpu.memref_squeeze %dma_start3A_73 : memref<1x128xi32, #tpu.memory_space<vmem>> -> memref<128xi32, #tpu.memory_space<vmem>>
      %dma_start3A_75 = arith.constant 0 : i32
      %dma_start3A_76 = arith.constant 0 : i32
      %dma_start3A_77 = tpu.memref_slice %arg4[%dma_start3A_75, %dma_start3A_76] : memref<100000x64xf32, #tpu.memory_space<hbm>> -> memref<100000x64xf32, #tpu.memory_space<hbm>>
      tpu.enqueue_indirect_dma source(%dma_start3A_77 : memref<100000x64xf32, #tpu.memory_space<hbm>>) target(%dma_start3A_71 : memref<128x64xf32, #tpu.memory_space<vmem>>) offsets(%dma_start3A_74 : memref<128xi32, #tpu.memory_space<vmem>>) semaphore(%arg11 : memref<!tpu.dma_semaphore, #tpu.memory_space<semaphore_mem>>)
      %dma_start3A_78 = arith.constant 1 : i32
      %dma_start3A_79 = arith.constant 128 : i32
      %dma_start3A_80 = arith.constant 0 : i32
      %dma_start3A_81 = tpu.memref_slice %arg10[%dma_start3A_79, %dma_start3A_80] : memref<256x64xf32, #tpu.memory_space<vmem>> -> memref<128x64xf32, #tpu.memory_space<vmem>>
      %dma_start3A_82 = arith.constant 0 : i32
      %dma_start3A_83 = tpu.memref_slice %arg8[%dma_start3A_78, %dma_start3A_82] : memref<2x128xi32, #tpu.memory_space<vmem>> -> memref<1x128xi32, #tpu.memory_space<vmem>>
      %dma_start3A_84 = tpu.memref_squeeze %dma_start3A_83 : memref<1x128xi32, #tpu.memory_space<vmem>> -> memref<128xi32, #tpu.memory_space<vmem>>
      %dma_start3A_85 = arith.constant 0 : i32
      %dma_start3A_86 = arith.constant 0 : i32
      %dma_start3A_87 = tpu.memref_slice %arg5[%dma_start3A_85, %dma_start3A_86] : memref<1000x64xf32, #tpu.memory_space<hbm>> -> memref<1000x64xf32, #tpu.memory_space<hbm>>
      tpu.enqueue_indirect_dma source(%dma_start3A_87 : memref<1000x64xf32, #tpu.memory_space<hbm>>) target(%dma_start3A_81 : memref<128x64xf32, #tpu.memory_space<vmem>>) offsets(%dma_start3A_84 : memref<128xi32, #tpu.memory_space<vmem>>) semaphore(%arg11 : memref<!tpu.dma_semaphore, #tpu.memory_space<semaphore_mem>>)
      %dma_wait3A = arith.constant 0 : i32
      %dma_wait3A_88 = arith.constant 0 : i32
      %dma_wait3A_89 = arith.constant 0 : i32
      %dma_wait3A_90 = tpu.memref_slice %arg9[%dma_wait3A_88, %dma_wait3A_89] : memref<256x64xf32, #tpu.memory_space<vmem>> -> memref<128x64xf32, #tpu.memory_space<vmem>>
      %dma_wait3A_91 = arith.constant 0 : i32
      %dma_wait3A_92 = tpu.memref_slice %arg7[%dma_wait3A, %dma_wait3A_91] : memref<2x128xi32, #tpu.memory_space<vmem>> -> memref<1x128xi32, #tpu.memory_space<vmem>>
      %dma_wait3A_93 = tpu.memref_squeeze %dma_wait3A_92 : memref<1x128xi32, #tpu.memory_space<vmem>> -> memref<128xi32, #tpu.memory_space<vmem>>
      %dma_wait3A_94 = arith.constant 0 : i32
      %dma_wait3A_95 = arith.constant 0 : i32
      %dma_wait3A_96 = tpu.memref_slice %arg4[%dma_wait3A_94, %dma_wait3A_95] : memref<100000x64xf32, #tpu.memory_space<hbm>> -> memref<100000x64xf32, #tpu.memory_space<hbm>>
      tpu.wait_indirect_dma semaphore(%arg11 : memref<!tpu.dma_semaphore, #tpu.memory_space<semaphore_mem>>) src(%dma_wait3A_96 : memref<100000x64xf32, #tpu.memory_space<hbm>>) dst(%dma_wait3A_90 : memref<128x64xf32, #tpu.memory_space<vmem>>)
      %dma_wait3A_97 = arith.constant 0 : i32
      %dma_wait3A_98 = arith.constant 0 : i32
      %dma_wait3A_99 = arith.constant 0 : i32
      %dma_wait3A_100 = tpu.memref_slice %arg10[%dma_wait3A_98, %dma_wait3A_99] : memref<256x64xf32, #tpu.memory_space<vmem>> -> memref<128x64xf32, #tpu.memory_space<vmem>>
      %dma_wait3A_101 = arith.constant 0 : i32
      %dma_wait3A_102 = tpu.memref_slice %arg8[%dma_wait3A_97, %dma_wait3A_101] : memref<2x128xi32, #tpu.memory_space<vmem>> -> memref<1x128xi32, #tpu.memory_space<vmem>>
      %dma_wait3A_103 = tpu.memref_squeeze %dma_wait3A_102 : memref<1x128xi32, #tpu.memory_space<vmem>> -> memref<128xi32, #tpu.memory_space<vmem>>
      %dma_wait3A_104 = arith.constant 0 : i32
      %dma_wait3A_105 = arith.constant 0 : i32
      %dma_wait3A_106 = tpu.memref_slice %arg5[%dma_wait3A_104, %dma_wait3A_105] : memref<1000x64xf32, #tpu.memory_space<hbm>> -> memref<1000x64xf32, #tpu.memory_space<hbm>>
      tpu.wait_indirect_dma semaphore(%arg11 : memref<!tpu.dma_semaphore, #tpu.memory_space<semaphore_mem>>) src(%dma_wait3A_106 : memref<1000x64xf32, #tpu.memory_space<hbm>>) dst(%dma_wait3A_100 : memref<128x64xf32, #tpu.memory_space<vmem>>)
      %dma_wait3A_107 = arith.constant 1 : i32
      %dma_wait3A_108 = arith.constant 128 : i32
      %dma_wait3A_109 = arith.constant 0 : i32
      %dma_wait3A_110 = tpu.memref_slice %arg9[%dma_wait3A_108, %dma_wait3A_109] : memref<256x64xf32, #tpu.memory_space<vmem>> -> memref<128x64xf32, #tpu.memory_space<vmem>>
      %dma_wait3A_111 = arith.constant 0 : i32
      %dma_wait3A_112 = tpu.memref_slice %arg7[%dma_wait3A_107, %dma_wait3A_111] : memref<2x128xi32, #tpu.memory_space<vmem>> -> memref<1x128xi32, #tpu.memory_space<vmem>>
      %dma_wait3A_113 = tpu.memref_squeeze %dma_wait3A_112 : memref<1x128xi32, #tpu.memory_space<vmem>> -> memref<128xi32, #tpu.memory_space<vmem>>
      %dma_wait3A_114 = arith.constant 0 : i32
      %dma_wait3A_115 = arith.constant 0 : i32
      %dma_wait3A_116 = tpu.memref_slice %arg4[%dma_wait3A_114, %dma_wait3A_115] : memref<100000x64xf32, #tpu.memory_space<hbm>> -> memref<100000x64xf32, #tpu.memory_space<hbm>>
      tpu.wait_indirect_dma semaphore(%arg11 : memref<!tpu.dma_semaphore, #tpu.memory_space<semaphore_mem>>) src(%dma_wait3A_116 : memref<100000x64xf32, #tpu.memory_space<hbm>>) dst(%dma_wait3A_110 : memref<128x64xf32, #tpu.memory_space<vmem>>)
      %dma_wait3A_117 = arith.constant 1 : i32
      %dma_wait3A_118 = arith.constant 128 : i32
      %dma_wait3A_119 = arith.constant 0 : i32
      %dma_wait3A_120 = tpu.memref_slice %arg10[%dma_wait3A_118, %dma_wait3A_119] : memref<256x64xf32, #tpu.memory_space<vmem>> -> memref<128x64xf32, #tpu.memory_space<vmem>>
      %dma_wait3A_121 = arith.constant 0 : i32
      %dma_wait3A_122 = tpu.memref_slice %arg8[%dma_wait3A_117, %dma_wait3A_121] : memref<2x128xi32, #tpu.memory_space<vmem>> -> memref<1x128xi32, #tpu.memory_space<vmem>>
      %dma_wait3A_123 = tpu.memref_squeeze %dma_wait3A_122 : memref<1x128xi32, #tpu.memory_space<vmem>> -> memref<128xi32, #tpu.memory_space<vmem>>
      %dma_wait3A_124 = arith.constant 0 : i32
      %dma_wait3A_125 = arith.constant 0 : i32
      %dma_wait3A_126 = tpu.memref_slice %arg5[%dma_wait3A_124, %dma_wait3A_125] : memref<1000x64xf32, #tpu.memory_space<hbm>> -> memref<1000x64xf32, #tpu.memory_space<hbm>>
      tpu.wait_indirect_dma semaphore(%arg11 : memref<!tpu.dma_semaphore, #tpu.memory_space<semaphore_mem>>) src(%dma_wait3A_126 : memref<1000x64xf32, #tpu.memory_space<hbm>>) dst(%dma_wait3A_120 : memref<128x64xf32, #tpu.memory_space<vmem>>)
      "tpu.region"() ({
        %run_scoped3A = tpu.sem_alloc : memref<!tpu.dma_semaphore, #tpu.memory_space<semaphore_mem>>
        %dma_start3A_129 = arith.constant 0 : i32
        %dma_start3A_130 = tpu.memref_slice %arg6[%mul3A_48, %dma_start3A_129] : memref<102400x64xf32, #tpu.memory_space<hbm>> -> memref<256x64xf32, #tpu.memory_space<hbm>>
        %dma_start3A_131 = arith.constant 0 : i32
        %dma_start3A_132 = tpu.memref_slice %arg6[%mul3A_48, %dma_start3A_131] : memref<102400x64xf32, #tpu.memory_space<hbm>> -> memref<256x64xf32, #tpu.memory_space<hbm>>
        tpu.enqueue_dma source(%arg9 : memref<256x64xf32, #tpu.memory_space<vmem>>) target(%dma_start3A_132 : memref<256x64xf32, #tpu.memory_space<hbm>>) target_semaphore(%run_scoped3A : memref<!tpu.dma_semaphore, #tpu.memory_space<semaphore_mem>>)
        %dma_wait3A_133 = arith.constant 0 : i32
        %dma_wait3A_134 = tpu.memref_slice %arg6[%mul3A_48, %dma_wait3A_133] : memref<102400x64xf32, #tpu.memory_space<hbm>> -> memref<256x64xf32, #tpu.memory_space<hbm>>
        %dma_wait3A_135 = arith.constant 0 : i32
        %dma_wait3A_136 = tpu.memref_slice %arg6[%mul3A_48, %dma_wait3A_135] : memref<102400x64xf32, #tpu.memory_space<hbm>> -> memref<256x64xf32, #tpu.memory_space<hbm>>
        tpu.wait_dma2 semaphore(%run_scoped3A : memref<!tpu.dma_semaphore, #tpu.memory_space<semaphore_mem>>) src(%arg9 : memref<256x64xf32, #tpu.memory_space<vmem>>) dst(%dma_wait3A_136 : memref<256x64xf32, #tpu.memory_space<hbm>>)
        tpu.yield
      }) : () -> ()
      %add3A_127 = arith.constant 51200 : i32
      %add3A_128 = arith.addi %add3A_127, %mul3A_48 : i32
      "tpu.region"() ({
        %run_scoped3A = tpu.sem_alloc : memref<!tpu.dma_semaphore, #tpu.memory_space<semaphore_mem>>
        %dma_start3A_129 = arith.constant 0 : i32
        %dma_start3A_130 = tpu.memref_slice %arg6[%add3A_128, %dma_start3A_129] : memref<102400x64xf32, #tpu.memory_space<hbm>> -> memref<256x64xf32, #tpu.memory_space<hbm>>
        %dma_start3A_131 = arith.constant 0 : i32
        %dma_start3A_132 = tpu.memref_slice %arg6[%add3A_128, %dma_start3A_131] : memref<102400x64xf32, #tpu.memory_space<hbm>> -> memref<256x64xf32, #tpu.memory_space<hbm>>
        tpu.enqueue_dma source(%arg10 : memref<256x64xf32, #tpu.memory_space<vmem>>) target(%dma_start3A_132 : memref<256x64xf32, #tpu.memory_space<hbm>>) target_semaphore(%run_scoped3A : memref<!tpu.dma_semaphore, #tpu.memory_space<semaphore_mem>>)
        %dma_wait3A_133 = arith.constant 0 : i32
        %dma_wait3A_134 = tpu.memref_slice %arg6[%add3A_128, %dma_wait3A_133] : memref<102400x64xf32, #tpu.memory_space<hbm>> -> memref<256x64xf32, #tpu.memory_space<hbm>>
        %dma_wait3A_135 = arith.constant 0 : i32
        %dma_wait3A_136 = tpu.memref_slice %arg6[%add3A_128, %dma_wait3A_135] : memref<102400x64xf32, #tpu.memory_space<hbm>> -> memref<256x64xf32, #tpu.memory_space<hbm>>
        tpu.wait_dma2 semaphore(%run_scoped3A : memref<!tpu.dma_semaphore, #tpu.memory_space<semaphore_mem>>) src(%arg10 : memref<256x64xf32, #tpu.memory_space<vmem>>) dst(%dma_wait3A_136 : memref<256x64xf32, #tpu.memory_space<hbm>>)
        tpu.yield
      }) : () -> ()
    } else {
    }
    %add3A_26 = arith.constant 128 : i32
    %add3A_27 = arith.addi %add3A, %add3A_26 : i32
    %lt3A_28 = arith.constant 200 : i32
    %lt3A_29 = arith.cmpi slt, %add3A_27, %lt3A_28 : i32
    %convert_element_type3A_30 = arith.extui %lt3A_29 : i1 to i32
    %cond3A_31 = arith.constant 0 : i32
    %cond3A_32 = arith.cmpi ne, %convert_element_type3A_30, %cond3A_31 : i32
    scf.if %cond3A_32 {
      %mul3A_47 = arith.constant 256 : i32
      %mul3A_48 = arith.muli %add3A_27, %mul3A_47 : i32
      "tpu.region"() ({
        %run_scoped3A = tpu.sem_alloc : memref<!tpu.dma_semaphore, #tpu.memory_space<semaphore_mem>>
        %dma_start3A_129 = arith.constant 0 : i32
        %dma_start3A_130 = arith.constant 0 : i32
        %dma_start3A_131 = tpu.memref_slice %arg2[%add3A_27, %dma_start3A_129, %dma_start3A_130] : memref<200x2x128xi32, #tpu.memory_space<hbm>> -> memref<1x2x128xi32, #tpu.memory_space<hbm>>
        %dma_start3A_132 = tpu.memref_squeeze %dma_start3A_131 : memref<1x2x128xi32, #tpu.memory_space<hbm>> -> memref<2x128xi32, #tpu.memory_space<hbm>>
        %dma_start3A_133 = arith.constant 0 : i32
        %dma_start3A_134 = arith.constant 0 : i32
        %dma_start3A_135 = tpu.memref_slice %arg2[%add3A_27, %dma_start3A_133, %dma_start3A_134] : memref<200x2x128xi32, #tpu.memory_space<hbm>> -> memref<1x2x128xi32, #tpu.memory_space<hbm>>
        %dma_start3A_136 = tpu.memref_squeeze %dma_start3A_135 : memref<1x2x128xi32, #tpu.memory_space<hbm>> -> memref<2x128xi32, #tpu.memory_space<hbm>>
        tpu.enqueue_dma source(%dma_start3A_136 : memref<2x128xi32, #tpu.memory_space<hbm>>) target(%arg7 : memref<2x128xi32, #tpu.memory_space<vmem>>) target_semaphore(%run_scoped3A : memref<!tpu.dma_semaphore, #tpu.memory_space<semaphore_mem>>)
        %dma_wait3A_137 = arith.constant 0 : i32
        %dma_wait3A_138 = arith.constant 0 : i32
        %dma_wait3A_139 = tpu.memref_slice %arg2[%add3A_27, %dma_wait3A_137, %dma_wait3A_138] : memref<200x2x128xi32, #tpu.memory_space<hbm>> -> memref<1x2x128xi32, #tpu.memory_space<hbm>>
        %dma_wait3A_140 = tpu.memref_squeeze %dma_wait3A_139 : memref<1x2x128xi32, #tpu.memory_space<hbm>> -> memref<2x128xi32, #tpu.memory_space<hbm>>
        %dma_wait3A_141 = arith.constant 0 : i32
        %dma_wait3A_142 = arith.constant 0 : i32
        %dma_wait3A_143 = tpu.memref_slice %arg2[%add3A_27, %dma_wait3A_141, %dma_wait3A_142] : memref<200x2x128xi32, #tpu.memory_space<hbm>> -> memref<1x2x128xi32, #tpu.memory_space<hbm>>
        %dma_wait3A_144 = tpu.memref_squeeze %dma_wait3A_143 : memref<1x2x128xi32, #tpu.memory_space<hbm>> -> memref<2x128xi32, #tpu.memory_space<hbm>>
        tpu.wait_dma2 semaphore(%run_scoped3A : memref<!tpu.dma_semaphore, #tpu.memory_space<semaphore_mem>>) src(%dma_wait3A_144 : memref<2x128xi32, #tpu.memory_space<hbm>>) dst(%arg7 : memref<2x128xi32, #tpu.memory_space<vmem>>)
        tpu.yield
      }) : () -> ()
      "tpu.region"() ({
        %run_scoped3A = tpu.sem_alloc : memref<!tpu.dma_semaphore, #tpu.memory_space<semaphore_mem>>
        %dma_start3A_129 = arith.constant 0 : i32
        %dma_start3A_130 = arith.constant 0 : i32
        %dma_start3A_131 = tpu.memref_slice %arg3[%add3A_27, %dma_start3A_129, %dma_start3A_130] : memref<200x2x128xi32, #tpu.memory_space<hbm>> -> memref<1x2x128xi32, #tpu.memory_space<hbm>>
        %dma_start3A_132 = tpu.memref_squeeze %dma_start3A_131 : memref<1x2x128xi32, #tpu.memory_space<hbm>> -> memref<2x128xi32, #tpu.memory_space<hbm>>
        %dma_start3A_133 = arith.constant 0 : i32
        %dma_start3A_134 = arith.constant 0 : i32
        %dma_start3A_135 = tpu.memref_slice %arg3[%add3A_27, %dma_start3A_133, %dma_start3A_134] : memref<200x2x128xi32, #tpu.memory_space<hbm>> -> memref<1x2x128xi32, #tpu.memory_space<hbm>>
        %dma_start3A_136 = tpu.memref_squeeze %dma_start3A_135 : memref<1x2x128xi32, #tpu.memory_space<hbm>> -> memref<2x128xi32, #tpu.memory_space<hbm>>
        tpu.enqueue_dma source(%dma_start3A_136 : memref<2x128xi32, #tpu.memory_space<hbm>>) target(%arg8 : memref<2x128xi32, #tpu.memory_space<vmem>>) target_semaphore(%run_scoped3A : memref<!tpu.dma_semaphore, #tpu.memory_space<semaphore_mem>>)
        %dma_wait3A_137 = arith.constant 0 : i32
        %dma_wait3A_138 = arith.constant 0 : i32
        %dma_wait3A_139 = tpu.memref_slice %arg3[%add3A_27, %dma_wait3A_137, %dma_wait3A_138] : memref<200x2x128xi32, #tpu.memory_space<hbm>> -> memref<1x2x128xi32, #tpu.memory_space<hbm>>
        %dma_wait3A_140 = tpu.memref_squeeze %dma_wait3A_139 : memref<1x2x128xi32, #tpu.memory_space<hbm>> -> memref<2x128xi32, #tpu.memory_space<hbm>>
        %dma_wait3A_141 = arith.constant 0 : i32
        %dma_wait3A_142 = arith.constant 0 : i32
        %dma_wait3A_143 = tpu.memref_slice %arg3[%add3A_27, %dma_wait3A_141, %dma_wait3A_142] : memref<200x2x128xi32, #tpu.memory_space<hbm>> -> memref<1x2x128xi32, #tpu.memory_space<hbm>>
        %dma_wait3A_144 = tpu.memref_squeeze %dma_wait3A_143 : memref<1x2x128xi32, #tpu.memory_space<hbm>> -> memref<2x128xi32, #tpu.memory_space<hbm>>
        tpu.wait_dma2 semaphore(%run_scoped3A : memref<!tpu.dma_semaphore, #tpu.memory_space<semaphore_mem>>) src(%dma_wait3A_144 : memref<2x128xi32, #tpu.memory_space<hbm>>) dst(%arg8 : memref<2x128xi32, #tpu.memory_space<vmem>>)
        tpu.yield
      }) : () -> ()
      %dma_start3A = arith.constant 0 : i32
      %dma_start3A_49 = arith.constant 0 : i32
      %dma_start3A_50 = arith.constant 0 : i32
      %dma_start3A_51 = tpu.memref_slice %arg9[%dma_start3A_49, %dma_start3A_50] : memref<256x64xf32, #tpu.memory_space<vmem>> -> memref<128x64xf32, #tpu.memory_space<vmem>>
      %dma_start3A_52 = arith.constant 0 : i32
      %dma_start3A_53 = tpu.memref_slice %arg7[%dma_start3A, %dma_start3A_52] : memref<2x128xi32, #tpu.memory_space<vmem>> -> memref<1x128xi32, #tpu.memory_space<vmem>>
      %dma_start3A_54 = tpu.memref_squeeze %dma_start3A_53 : memref<1x128xi32, #tpu.memory_space<vmem>> -> memref<128xi32, #tpu.memory_space<vmem>>
      %dma_start3A_55 = arith.constant 0 : i32
      %dma_start3A_56 = arith.constant 0 : i32
      %dma_start3A_57 = tpu.memref_slice %arg4[%dma_start3A_55, %dma_start3A_56] : memref<100000x64xf32, #tpu.memory_space<hbm>> -> memref<100000x64xf32, #tpu.memory_space<hbm>>
      tpu.enqueue_indirect_dma source(%dma_start3A_57 : memref<100000x64xf32, #tpu.memory_space<hbm>>) target(%dma_start3A_51 : memref<128x64xf32, #tpu.memory_space<vmem>>) offsets(%dma_start3A_54 : memref<128xi32, #tpu.memory_space<vmem>>) semaphore(%arg11 : memref<!tpu.dma_semaphore, #tpu.memory_space<semaphore_mem>>)
      %dma_start3A_58 = arith.constant 0 : i32
      %dma_start3A_59 = arith.constant 0 : i32
      %dma_start3A_60 = arith.constant 0 : i32
      %dma_start3A_61 = tpu.memref_slice %arg10[%dma_start3A_59, %dma_start3A_60] : memref<256x64xf32, #tpu.memory_space<vmem>> -> memref<128x64xf32, #tpu.memory_space<vmem>>
      %dma_start3A_62 = arith.constant 0 : i32
      %dma_start3A_63 = tpu.memref_slice %arg8[%dma_start3A_58, %dma_start3A_62] : memref<2x128xi32, #tpu.memory_space<vmem>> -> memref<1x128xi32, #tpu.memory_space<vmem>>
      %dma_start3A_64 = tpu.memref_squeeze %dma_start3A_63 : memref<1x128xi32, #tpu.memory_space<vmem>> -> memref<128xi32, #tpu.memory_space<vmem>>
      %dma_start3A_65 = arith.constant 0 : i32
      %dma_start3A_66 = arith.constant 0 : i32
      %dma_start3A_67 = tpu.memref_slice %arg5[%dma_start3A_65, %dma_start3A_66] : memref<1000x64xf32, #tpu.memory_space<hbm>> -> memref<1000x64xf32, #tpu.memory_space<hbm>>
      tpu.enqueue_indirect_dma source(%dma_start3A_67 : memref<1000x64xf32, #tpu.memory_space<hbm>>) target(%dma_start3A_61 : memref<128x64xf32, #tpu.memory_space<vmem>>) offsets(%dma_start3A_64 : memref<128xi32, #tpu.memory_space<vmem>>) semaphore(%arg11 : memref<!tpu.dma_semaphore, #tpu.memory_space<semaphore_mem>>)
      %dma_start3A_68 = arith.constant 1 : i32
      %dma_start3A_69 = arith.constant 128 : i32
      %dma_start3A_70 = arith.constant 0 : i32
      %dma_start3A_71 = tpu.memref_slice %arg9[%dma_start3A_69, %dma_start3A_70] : memref<256x64xf32, #tpu.memory_space<vmem>> -> memref<128x64xf32, #tpu.memory_space<vmem>>
      %dma_start3A_72 = arith.constant 0 : i32
      %dma_start3A_73 = tpu.memref_slice %arg7[%dma_start3A_68, %dma_start3A_72] : memref<2x128xi32, #tpu.memory_space<vmem>> -> memref<1x128xi32, #tpu.memory_space<vmem>>
      %dma_start3A_74 = tpu.memref_squeeze %dma_start3A_73 : memref<1x128xi32, #tpu.memory_space<vmem>> -> memref<128xi32, #tpu.memory_space<vmem>>
      %dma_start3A_75 = arith.constant 0 : i32
      %dma_start3A_76 = arith.constant 0 : i32
      %dma_start3A_77 = tpu.memref_slice %arg4[%dma_start3A_75, %dma_start3A_76] : memref<100000x64xf32, #tpu.memory_space<hbm>> -> memref<100000x64xf32, #tpu.memory_space<hbm>>
      tpu.enqueue_indirect_dma source(%dma_start3A_77 : memref<100000x64xf32, #tpu.memory_space<hbm>>) target(%dma_start3A_71 : memref<128x64xf32, #tpu.memory_space<vmem>>) offsets(%dma_start3A_74 : memref<128xi32, #tpu.memory_space<vmem>>) semaphore(%arg11 : memref<!tpu.dma_semaphore, #tpu.memory_space<semaphore_mem>>)
      %dma_start3A_78 = arith.constant 1 : i32
      %dma_start3A_79 = arith.constant 128 : i32
      %dma_start3A_80 = arith.constant 0 : i32
      %dma_start3A_81 = tpu.memref_slice %arg10[%dma_start3A_79, %dma_start3A_80] : memref<256x64xf32, #tpu.memory_space<vmem>> -> memref<128x64xf32, #tpu.memory_space<vmem>>
      %dma_start3A_82 = arith.constant 0 : i32
      %dma_start3A_83 = tpu.memref_slice %arg8[%dma_start3A_78, %dma_start3A_82] : memref<2x128xi32, #tpu.memory_space<vmem>> -> memref<1x128xi32, #tpu.memory_space<vmem>>
      %dma_start3A_84 = tpu.memref_squeeze %dma_start3A_83 : memref<1x128xi32, #tpu.memory_space<vmem>> -> memref<128xi32, #tpu.memory_space<vmem>>
      %dma_start3A_85 = arith.constant 0 : i32
      %dma_start3A_86 = arith.constant 0 : i32
      %dma_start3A_87 = tpu.memref_slice %arg5[%dma_start3A_85, %dma_start3A_86] : memref<1000x64xf32, #tpu.memory_space<hbm>> -> memref<1000x64xf32, #tpu.memory_space<hbm>>
      tpu.enqueue_indirect_dma source(%dma_start3A_87 : memref<1000x64xf32, #tpu.memory_space<hbm>>) target(%dma_start3A_81 : memref<128x64xf32, #tpu.memory_space<vmem>>) offsets(%dma_start3A_84 : memref<128xi32, #tpu.memory_space<vmem>>) semaphore(%arg11 : memref<!tpu.dma_semaphore, #tpu.memory_space<semaphore_mem>>)
      %dma_wait3A = arith.constant 0 : i32
      %dma_wait3A_88 = arith.constant 0 : i32
      %dma_wait3A_89 = arith.constant 0 : i32
      %dma_wait3A_90 = tpu.memref_slice %arg9[%dma_wait3A_88, %dma_wait3A_89] : memref<256x64xf32, #tpu.memory_space<vmem>> -> memref<128x64xf32, #tpu.memory_space<vmem>>
      %dma_wait3A_91 = arith.constant 0 : i32
      %dma_wait3A_92 = tpu.memref_slice %arg7[%dma_wait3A, %dma_wait3A_91] : memref<2x128xi32, #tpu.memory_space<vmem>> -> memref<1x128xi32, #tpu.memory_space<vmem>>
      %dma_wait3A_93 = tpu.memref_squeeze %dma_wait3A_92 : memref<1x128xi32, #tpu.memory_space<vmem>> -> memref<128xi32, #tpu.memory_space<vmem>>
      %dma_wait3A_94 = arith.constant 0 : i32
      %dma_wait3A_95 = arith.constant 0 : i32
      %dma_wait3A_96 = tpu.memref_slice %arg4[%dma_wait3A_94, %dma_wait3A_95] : memref<100000x64xf32, #tpu.memory_space<hbm>> -> memref<100000x64xf32, #tpu.memory_space<hbm>>
      tpu.wait_indirect_dma semaphore(%arg11 : memref<!tpu.dma_semaphore, #tpu.memory_space<semaphore_mem>>) src(%dma_wait3A_96 : memref<100000x64xf32, #tpu.memory_space<hbm>>) dst(%dma_wait3A_90 : memref<128x64xf32, #tpu.memory_space<vmem>>)
      %dma_wait3A_97 = arith.constant 0 : i32
      %dma_wait3A_98 = arith.constant 0 : i32
      %dma_wait3A_99 = arith.constant 0 : i32
      %dma_wait3A_100 = tpu.memref_slice %arg10[%dma_wait3A_98, %dma_wait3A_99] : memref<256x64xf32, #tpu.memory_space<vmem>> -> memref<128x64xf32, #tpu.memory_space<vmem>>
      %dma_wait3A_101 = arith.constant 0 : i32
      %dma_wait3A_102 = tpu.memref_slice %arg8[%dma_wait3A_97, %dma_wait3A_101] : memref<2x128xi32, #tpu.memory_space<vmem>> -> memref<1x128xi32, #tpu.memory_space<vmem>>
      %dma_wait3A_103 = tpu.memref_squeeze %dma_wait3A_102 : memref<1x128xi32, #tpu.memory_space<vmem>> -> memref<128xi32, #tpu.memory_space<vmem>>
      %dma_wait3A_104 = arith.constant 0 : i32
      %dma_wait3A_105 = arith.constant 0 : i32
      %dma_wait3A_106 = tpu.memref_slice %arg5[%dma_wait3A_104, %dma_wait3A_105] : memref<1000x64xf32, #tpu.memory_space<hbm>> -> memref<1000x64xf32, #tpu.memory_space<hbm>>
      tpu.wait_indirect_dma semaphore(%arg11 : memref<!tpu.dma_semaphore, #tpu.memory_space<semaphore_mem>>) src(%dma_wait3A_106 : memref<1000x64xf32, #tpu.memory_space<hbm>>) dst(%dma_wait3A_100 : memref<128x64xf32, #tpu.memory_space<vmem>>)
      %dma_wait3A_107 = arith.constant 1 : i32
      %dma_wait3A_108 = arith.constant 128 : i32
      %dma_wait3A_109 = arith.constant 0 : i32
      %dma_wait3A_110 = tpu.memref_slice %arg9[%dma_wait3A_108, %dma_wait3A_109] : memref<256x64xf32, #tpu.memory_space<vmem>> -> memref<128x64xf32, #tpu.memory_space<vmem>>
      %dma_wait3A_111 = arith.constant 0 : i32
      %dma_wait3A_112 = tpu.memref_slice %arg7[%dma_wait3A_107, %dma_wait3A_111] : memref<2x128xi32, #tpu.memory_space<vmem>> -> memref<1x128xi32, #tpu.memory_space<vmem>>
      %dma_wait3A_113 = tpu.memref_squeeze %dma_wait3A_112 : memref<1x128xi32, #tpu.memory_space<vmem>> -> memref<128xi32, #tpu.memory_space<vmem>>
      %dma_wait3A_114 = arith.constant 0 : i32
      %dma_wait3A_115 = arith.constant 0 : i32
      %dma_wait3A_116 = tpu.memref_slice %arg4[%dma_wait3A_114, %dma_wait3A_115] : memref<100000x64xf32, #tpu.memory_space<hbm>> -> memref<100000x64xf32, #tpu.memory_space<hbm>>
      tpu.wait_indirect_dma semaphore(%arg11 : memref<!tpu.dma_semaphore, #tpu.memory_space<semaphore_mem>>) src(%dma_wait3A_116 : memref<100000x64xf32, #tpu.memory_space<hbm>>) dst(%dma_wait3A_110 : memref<128x64xf32, #tpu.memory_space<vmem>>)
      %dma_wait3A_117 = arith.constant 1 : i32
      %dma_wait3A_118 = arith.constant 128 : i32
      %dma_wait3A_119 = arith.constant 0 : i32
      %dma_wait3A_120 = tpu.memref_slice %arg10[%dma_wait3A_118, %dma_wait3A_119] : memref<256x64xf32, #tpu.memory_space<vmem>> -> memref<128x64xf32, #tpu.memory_space<vmem>>
      %dma_wait3A_121 = arith.constant 0 : i32
      %dma_wait3A_122 = tpu.memref_slice %arg8[%dma_wait3A_117, %dma_wait3A_121] : memref<2x128xi32, #tpu.memory_space<vmem>> -> memref<1x128xi32, #tpu.memory_space<vmem>>
      %dma_wait3A_123 = tpu.memref_squeeze %dma_wait3A_122 : memref<1x128xi32, #tpu.memory_space<vmem>> -> memref<128xi32, #tpu.memory_space<vmem>>
      %dma_wait3A_124 = arith.constant 0 : i32
      %dma_wait3A_125 = arith.constant 0 : i32
      %dma_wait3A_126 = tpu.memref_slice %arg5[%dma_wait3A_124, %dma_wait3A_125] : memref<1000x64xf32, #tpu.memory_space<hbm>> -> memref<1000x64xf32, #tpu.memory_space<hbm>>
      tpu.wait_indirect_dma semaphore(%arg11 : memref<!tpu.dma_semaphore, #tpu.memory_space<semaphore_mem>>) src(%dma_wait3A_126 : memref<1000x64xf32, #tpu.memory_space<hbm>>) dst(%dma_wait3A_120 : memref<128x64xf32, #tpu.memory_space<vmem>>)
      "tpu.region"() ({
        %run_scoped3A = tpu.sem_alloc : memref<!tpu.dma_semaphore, #tpu.memory_space<semaphore_mem>>
        %dma_start3A_129 = arith.constant 0 : i32
        %dma_start3A_130 = tpu.memref_slice %arg6[%mul3A_48, %dma_start3A_129] : memref<102400x64xf32, #tpu.memory_space<hbm>> -> memref<256x64xf32, #tpu.memory_space<hbm>>
        %dma_start3A_131 = arith.constant 0 : i32
        %dma_start3A_132 = tpu.memref_slice %arg6[%mul3A_48, %dma_start3A_131] : memref<102400x64xf32, #tpu.memory_space<hbm>> -> memref<256x64xf32, #tpu.memory_space<hbm>>
        tpu.enqueue_dma source(%arg9 : memref<256x64xf32, #tpu.memory_space<vmem>>) target(%dma_start3A_132 : memref<256x64xf32, #tpu.memory_space<hbm>>) target_semaphore(%run_scoped3A : memref<!tpu.dma_semaphore, #tpu.memory_space<semaphore_mem>>)
        %dma_wait3A_133 = arith.constant 0 : i32
        %dma_wait3A_134 = tpu.memref_slice %arg6[%mul3A_48, %dma_wait3A_133] : memref<102400x64xf32, #tpu.memory_space<hbm>> -> memref<256x64xf32, #tpu.memory_space<hbm>>
        %dma_wait3A_135 = arith.constant 0 : i32
        %dma_wait3A_136 = tpu.memref_slice %arg6[%mul3A_48, %dma_wait3A_135] : memref<102400x64xf32, #tpu.memory_space<hbm>> -> memref<256x64xf32, #tpu.memory_space<hbm>>
        tpu.wait_dma2 semaphore(%run_scoped3A : memref<!tpu.dma_semaphore, #tpu.memory_space<semaphore_mem>>) src(%arg9 : memref<256x64xf32, #tpu.memory_space<vmem>>) dst(%dma_wait3A_136 : memref<256x64xf32, #tpu.memory_space<hbm>>)
        tpu.yield
      }) : () -> ()
      %add3A_127 = arith.constant 51200 : i32
      %add3A_128 = arith.addi %add3A_127, %mul3A_48 : i32
      "tpu.region"() ({
        %run_scoped3A = tpu.sem_alloc : memref<!tpu.dma_semaphore, #tpu.memory_space<semaphore_mem>>
        %dma_start3A_129 = arith.constant 0 : i32
        %dma_start3A_130 = tpu.memref_slice %arg6[%add3A_128, %dma_start3A_129] : memref<102400x64xf32, #tpu.memory_space<hbm>> -> memref<256x64xf32, #tpu.memory_space<hbm>>
        %dma_start3A_131 = arith.constant 0 : i32
        %dma_start3A_132 = tpu.memref_slice %arg6[%add3A_128, %dma_start3A_131] : memref<102400x64xf32, #tpu.memory_space<hbm>> -> memref<256x64xf32, #tpu.memory_space<hbm>>
        tpu.enqueue_dma source(%arg10 : memref<256x64xf32, #tpu.memory_space<vmem>>) target(%dma_start3A_132 : memref<256x64xf32, #tpu.memory_space<hbm>>) target_semaphore(%run_scoped3A : memref<!tpu.dma_semaphore, #tpu.memory_space<semaphore_mem>>)
        %dma_wait3A_133 = arith.constant 0 : i32
        %dma_wait3A_134 = tpu.memref_slice %arg6[%add3A_128, %dma_wait3A_133] : memref<102400x64xf32, #tpu.memory_space<hbm>> -> memref<256x64xf32, #tpu.memory_space<hbm>>
        %dma_wait3A_135 = arith.constant 0 : i32
        %dma_wait3A_136 = tpu.memref_slice %arg6[%add3A_128, %dma_wait3A_135] : memref<102400x64xf32, #tpu.memory_space<hbm>> -> memref<256x64xf32, #tpu.memory_space<hbm>>
        tpu.wait_dma2 semaphore(%run_scoped3A : memref<!tpu.dma_semaphore, #tpu.memory_space<semaphore_mem>>) src(%arg10 : memref<256x64xf32, #tpu.memory_space<vmem>>) dst(%dma_wait3A_136 : memref<256x64xf32, #tpu.memory_space<hbm>>)
        tpu.yield
      }) : () -> ()
    } else {
    }
    %add3A_33 = arith.constant 160 : i32
    %add3A_34 = arith.addi %add3A, %add3A_33 : i32
    %lt3A_35 = arith.constant 200 : i32
    %lt3A_36 = arith.cmpi slt, %add3A_34, %lt3A_35 : i32
    %convert_element_type3A_37 = arith.extui %lt3A_36 : i1 to i32
    %cond3A_38 = arith.constant 0 : i32
    %cond3A_39 = arith.cmpi ne, %convert_element_type3A_37, %cond3A_38 : i32
    scf.if %cond3A_39 {
      %mul3A_47 = arith.constant 256 : i32
      %mul3A_48 = arith.muli %add3A_34, %mul3A_47 : i32
      "tpu.region"() ({
        %run_scoped3A = tpu.sem_alloc : memref<!tpu.dma_semaphore, #tpu.memory_space<semaphore_mem>>
        %dma_start3A_129 = arith.constant 0 : i32
        %dma_start3A_130 = arith.constant 0 : i32
        %dma_start3A_131 = tpu.memref_slice %arg2[%add3A_34, %dma_start3A_129, %dma_start3A_130] : memref<200x2x128xi32, #tpu.memory_space<hbm>> -> memref<1x2x128xi32, #tpu.memory_space<hbm>>
        %dma_start3A_132 = tpu.memref_squeeze %dma_start3A_131 : memref<1x2x128xi32, #tpu.memory_space<hbm>> -> memref<2x128xi32, #tpu.memory_space<hbm>>
        %dma_start3A_133 = arith.constant 0 : i32
        %dma_start3A_134 = arith.constant 0 : i32
        %dma_start3A_135 = tpu.memref_slice %arg2[%add3A_34, %dma_start3A_133, %dma_start3A_134] : memref<200x2x128xi32, #tpu.memory_space<hbm>> -> memref<1x2x128xi32, #tpu.memory_space<hbm>>
        %dma_start3A_136 = tpu.memref_squeeze %dma_start3A_135 : memref<1x2x128xi32, #tpu.memory_space<hbm>> -> memref<2x128xi32, #tpu.memory_space<hbm>>
        tpu.enqueue_dma source(%dma_start3A_136 : memref<2x128xi32, #tpu.memory_space<hbm>>) target(%arg7 : memref<2x128xi32, #tpu.memory_space<vmem>>) target_semaphore(%run_scoped3A : memref<!tpu.dma_semaphore, #tpu.memory_space<semaphore_mem>>)
        %dma_wait3A_137 = arith.constant 0 : i32
        %dma_wait3A_138 = arith.constant 0 : i32
        %dma_wait3A_139 = tpu.memref_slice %arg2[%add3A_34, %dma_wait3A_137, %dma_wait3A_138] : memref<200x2x128xi32, #tpu.memory_space<hbm>> -> memref<1x2x128xi32, #tpu.memory_space<hbm>>
        %dma_wait3A_140 = tpu.memref_squeeze %dma_wait3A_139 : memref<1x2x128xi32, #tpu.memory_space<hbm>> -> memref<2x128xi32, #tpu.memory_space<hbm>>
        %dma_wait3A_141 = arith.constant 0 : i32
        %dma_wait3A_142 = arith.constant 0 : i32
        %dma_wait3A_143 = tpu.memref_slice %arg2[%add3A_34, %dma_wait3A_141, %dma_wait3A_142] : memref<200x2x128xi32, #tpu.memory_space<hbm>> -> memref<1x2x128xi32, #tpu.memory_space<hbm>>
        %dma_wait3A_144 = tpu.memref_squeeze %dma_wait3A_143 : memref<1x2x128xi32, #tpu.memory_space<hbm>> -> memref<2x128xi32, #tpu.memory_space<hbm>>
        tpu.wait_dma2 semaphore(%run_scoped3A : memref<!tpu.dma_semaphore, #tpu.memory_space<semaphore_mem>>) src(%dma_wait3A_144 : memref<2x128xi32, #tpu.memory_space<hbm>>) dst(%arg7 : memref<2x128xi32, #tpu.memory_space<vmem>>)
        tpu.yield
      }) : () -> ()
      "tpu.region"() ({
        %run_scoped3A = tpu.sem_alloc : memref<!tpu.dma_semaphore, #tpu.memory_space<semaphore_mem>>
        %dma_start3A_129 = arith.constant 0 : i32
        %dma_start3A_130 = arith.constant 0 : i32
        %dma_start3A_131 = tpu.memref_slice %arg3[%add3A_34, %dma_start3A_129, %dma_start3A_130] : memref<200x2x128xi32, #tpu.memory_space<hbm>> -> memref<1x2x128xi32, #tpu.memory_space<hbm>>
        %dma_start3A_132 = tpu.memref_squeeze %dma_start3A_131 : memref<1x2x128xi32, #tpu.memory_space<hbm>> -> memref<2x128xi32, #tpu.memory_space<hbm>>
        %dma_start3A_133 = arith.constant 0 : i32
        %dma_start3A_134 = arith.constant 0 : i32
        %dma_start3A_135 = tpu.memref_slice %arg3[%add3A_34, %dma_start3A_133, %dma_start3A_134] : memref<200x2x128xi32, #tpu.memory_space<hbm>> -> memref<1x2x128xi32, #tpu.memory_space<hbm>>
        %dma_start3A_136 = tpu.memref_squeeze %dma_start3A_135 : memref<1x2x128xi32, #tpu.memory_space<hbm>> -> memref<2x128xi32, #tpu.memory_space<hbm>>
        tpu.enqueue_dma source(%dma_start3A_136 : memref<2x128xi32, #tpu.memory_space<hbm>>) target(%arg8 : memref<2x128xi32, #tpu.memory_space<vmem>>) target_semaphore(%run_scoped3A : memref<!tpu.dma_semaphore, #tpu.memory_space<semaphore_mem>>)
        %dma_wait3A_137 = arith.constant 0 : i32
        %dma_wait3A_138 = arith.constant 0 : i32
        %dma_wait3A_139 = tpu.memref_slice %arg3[%add3A_34, %dma_wait3A_137, %dma_wait3A_138] : memref<200x2x128xi32, #tpu.memory_space<hbm>> -> memref<1x2x128xi32, #tpu.memory_space<hbm>>
        %dma_wait3A_140 = tpu.memref_squeeze %dma_wait3A_139 : memref<1x2x128xi32, #tpu.memory_space<hbm>> -> memref<2x128xi32, #tpu.memory_space<hbm>>
        %dma_wait3A_141 = arith.constant 0 : i32
        %dma_wait3A_142 = arith.constant 0 : i32
        %dma_wait3A_143 = tpu.memref_slice %arg3[%add3A_34, %dma_wait3A_141, %dma_wait3A_142] : memref<200x2x128xi32, #tpu.memory_space<hbm>> -> memref<1x2x128xi32, #tpu.memory_space<hbm>>
        %dma_wait3A_144 = tpu.memref_squeeze %dma_wait3A_143 : memref<1x2x128xi32, #tpu.memory_space<hbm>> -> memref<2x128xi32, #tpu.memory_space<hbm>>
        tpu.wait_dma2 semaphore(%run_scoped3A : memref<!tpu.dma_semaphore, #tpu.memory_space<semaphore_mem>>) src(%dma_wait3A_144 : memref<2x128xi32, #tpu.memory_space<hbm>>) dst(%arg8 : memref<2x128xi32, #tpu.memory_space<vmem>>)
        tpu.yield
      }) : () -> ()
      %dma_start3A = arith.constant 0 : i32
      %dma_start3A_49 = arith.constant 0 : i32
      %dma_start3A_50 = arith.constant 0 : i32
      %dma_start3A_51 = tpu.memref_slice %arg9[%dma_start3A_49, %dma_start3A_50] : memref<256x64xf32, #tpu.memory_space<vmem>> -> memref<128x64xf32, #tpu.memory_space<vmem>>
      %dma_start3A_52 = arith.constant 0 : i32
      %dma_start3A_53 = tpu.memref_slice %arg7[%dma_start3A, %dma_start3A_52] : memref<2x128xi32, #tpu.memory_space<vmem>> -> memref<1x128xi32, #tpu.memory_space<vmem>>
      %dma_start3A_54 = tpu.memref_squeeze %dma_start3A_53 : memref<1x128xi32, #tpu.memory_space<vmem>> -> memref<128xi32, #tpu.memory_space<vmem>>
      %dma_start3A_55 = arith.constant 0 : i32
      %dma_start3A_56 = arith.constant 0 : i32
      %dma_start3A_57 = tpu.memref_slice %arg4[%dma_start3A_55, %dma_start3A_56] : memref<100000x64xf32, #tpu.memory_space<hbm>> -> memref<100000x64xf32, #tpu.memory_space<hbm>>
      tpu.enqueue_indirect_dma source(%dma_start3A_57 : memref<100000x64xf32, #tpu.memory_space<hbm>>) target(%dma_start3A_51 : memref<128x64xf32, #tpu.memory_space<vmem>>) offsets(%dma_start3A_54 : memref<128xi32, #tpu.memory_space<vmem>>) semaphore(%arg11 : memref<!tpu.dma_semaphore, #tpu.memory_space<semaphore_mem>>)
      %dma_start3A_58 = arith.constant 0 : i32
      %dma_start3A_59 = arith.constant 0 : i32
      %dma_start3A_60 = arith.constant 0 : i32
      %dma_start3A_61 = tpu.memref_slice %arg10[%dma_start3A_59, %dma_start3A_60] : memref<256x64xf32, #tpu.memory_space<vmem>> -> memref<128x64xf32, #tpu.memory_space<vmem>>
      %dma_start3A_62 = arith.constant 0 : i32
      %dma_start3A_63 = tpu.memref_slice %arg8[%dma_start3A_58, %dma_start3A_62] : memref<2x128xi32, #tpu.memory_space<vmem>> -> memref<1x128xi32, #tpu.memory_space<vmem>>
      %dma_start3A_64 = tpu.memref_squeeze %dma_start3A_63 : memref<1x128xi32, #tpu.memory_space<vmem>> -> memref<128xi32, #tpu.memory_space<vmem>>
      %dma_start3A_65 = arith.constant 0 : i32
      %dma_start3A_66 = arith.constant 0 : i32
      %dma_start3A_67 = tpu.memref_slice %arg5[%dma_start3A_65, %dma_start3A_66] : memref<1000x64xf32, #tpu.memory_space<hbm>> -> memref<1000x64xf32, #tpu.memory_space<hbm>>
      tpu.enqueue_indirect_dma source(%dma_start3A_67 : memref<1000x64xf32, #tpu.memory_space<hbm>>) target(%dma_start3A_61 : memref<128x64xf32, #tpu.memory_space<vmem>>) offsets(%dma_start3A_64 : memref<128xi32, #tpu.memory_space<vmem>>) semaphore(%arg11 : memref<!tpu.dma_semaphore, #tpu.memory_space<semaphore_mem>>)
      %dma_start3A_68 = arith.constant 1 : i32
      %dma_start3A_69 = arith.constant 128 : i32
      %dma_start3A_70 = arith.constant 0 : i32
      %dma_start3A_71 = tpu.memref_slice %arg9[%dma_start3A_69, %dma_start3A_70] : memref<256x64xf32, #tpu.memory_space<vmem>> -> memref<128x64xf32, #tpu.memory_space<vmem>>
      %dma_start3A_72 = arith.constant 0 : i32
      %dma_start3A_73 = tpu.memref_slice %arg7[%dma_start3A_68, %dma_start3A_72] : memref<2x128xi32, #tpu.memory_space<vmem>> -> memref<1x128xi32, #tpu.memory_space<vmem>>
      %dma_start3A_74 = tpu.memref_squeeze %dma_start3A_73 : memref<1x128xi32, #tpu.memory_space<vmem>> -> memref<128xi32, #tpu.memory_space<vmem>>
      %dma_start3A_75 = arith.constant 0 : i32
      %dma_start3A_76 = arith.constant 0 : i32
      %dma_start3A_77 = tpu.memref_slice %arg4[%dma_start3A_75, %dma_start3A_76] : memref<100000x64xf32, #tpu.memory_space<hbm>> -> memref<100000x64xf32, #tpu.memory_space<hbm>>
      tpu.enqueue_indirect_dma source(%dma_start3A_77 : memref<100000x64xf32, #tpu.memory_space<hbm>>) target(%dma_start3A_71 : memref<128x64xf32, #tpu.memory_space<vmem>>) offsets(%dma_start3A_74 : memref<128xi32, #tpu.memory_space<vmem>>) semaphore(%arg11 : memref<!tpu.dma_semaphore, #tpu.memory_space<semaphore_mem>>)
      %dma_start3A_78 = arith.constant 1 : i32
      %dma_start3A_79 = arith.constant 128 : i32
      %dma_start3A_80 = arith.constant 0 : i32
      %dma_start3A_81 = tpu.memref_slice %arg10[%dma_start3A_79, %dma_start3A_80] : memref<256x64xf32, #tpu.memory_space<vmem>> -> memref<128x64xf32, #tpu.memory_space<vmem>>
      %dma_start3A_82 = arith.constant 0 : i32
      %dma_start3A_83 = tpu.memref_slice %arg8[%dma_start3A_78, %dma_start3A_82] : memref<2x128xi32, #tpu.memory_space<vmem>> -> memref<1x128xi32, #tpu.memory_space<vmem>>
      %dma_start3A_84 = tpu.memref_squeeze %dma_start3A_83 : memref<1x128xi32, #tpu.memory_space<vmem>> -> memref<128xi32, #tpu.memory_space<vmem>>
      %dma_start3A_85 = arith.constant 0 : i32
      %dma_start3A_86 = arith.constant 0 : i32
      %dma_start3A_87 = tpu.memref_slice %arg5[%dma_start3A_85, %dma_start3A_86] : memref<1000x64xf32, #tpu.memory_space<hbm>> -> memref<1000x64xf32, #tpu.memory_space<hbm>>
      tpu.enqueue_indirect_dma source(%dma_start3A_87 : memref<1000x64xf32, #tpu.memory_space<hbm>>) target(%dma_start3A_81 : memref<128x64xf32, #tpu.memory_space<vmem>>) offsets(%dma_start3A_84 : memref<128xi32, #tpu.memory_space<vmem>>) semaphore(%arg11 : memref<!tpu.dma_semaphore, #tpu.memory_space<semaphore_mem>>)
      %dma_wait3A = arith.constant 0 : i32
      %dma_wait3A_88 = arith.constant 0 : i32
      %dma_wait3A_89 = arith.constant 0 : i32
      %dma_wait3A_90 = tpu.memref_slice %arg9[%dma_wait3A_88, %dma_wait3A_89] : memref<256x64xf32, #tpu.memory_space<vmem>> -> memref<128x64xf32, #tpu.memory_space<vmem>>
      %dma_wait3A_91 = arith.constant 0 : i32
      %dma_wait3A_92 = tpu.memref_slice %arg7[%dma_wait3A, %dma_wait3A_91] : memref<2x128xi32, #tpu.memory_space<vmem>> -> memref<1x128xi32, #tpu.memory_space<vmem>>
      %dma_wait3A_93 = tpu.memref_squeeze %dma_wait3A_92 : memref<1x128xi32, #tpu.memory_space<vmem>> -> memref<128xi32, #tpu.memory_space<vmem>>
      %dma_wait3A_94 = arith.constant 0 : i32
      %dma_wait3A_95 = arith.constant 0 : i32
      %dma_wait3A_96 = tpu.memref_slice %arg4[%dma_wait3A_94, %dma_wait3A_95] : memref<100000x64xf32, #tpu.memory_space<hbm>> -> memref<100000x64xf32, #tpu.memory_space<hbm>>
      tpu.wait_indirect_dma semaphore(%arg11 : memref<!tpu.dma_semaphore, #tpu.memory_space<semaphore_mem>>) src(%dma_wait3A_96 : memref<100000x64xf32, #tpu.memory_space<hbm>>) dst(%dma_wait3A_90 : memref<128x64xf32, #tpu.memory_space<vmem>>)
      %dma_wait3A_97 = arith.constant 0 : i32
      %dma_wait3A_98 = arith.constant 0 : i32
      %dma_wait3A_99 = arith.constant 0 : i32
      %dma_wait3A_100 = tpu.memref_slice %arg10[%dma_wait3A_98, %dma_wait3A_99] : memref<256x64xf32, #tpu.memory_space<vmem>> -> memref<128x64xf32, #tpu.memory_space<vmem>>
      %dma_wait3A_101 = arith.constant 0 : i32
      %dma_wait3A_102 = tpu.memref_slice %arg8[%dma_wait3A_97, %dma_wait3A_101] : memref<2x128xi32, #tpu.memory_space<vmem>> -> memref<1x128xi32, #tpu.memory_space<vmem>>
      %dma_wait3A_103 = tpu.memref_squeeze %dma_wait3A_102 : memref<1x128xi32, #tpu.memory_space<vmem>> -> memref<128xi32, #tpu.memory_space<vmem>>
      %dma_wait3A_104 = arith.constant 0 : i32
      %dma_wait3A_105 = arith.constant 0 : i32
      %dma_wait3A_106 = tpu.memref_slice %arg5[%dma_wait3A_104, %dma_wait3A_105] : memref<1000x64xf32, #tpu.memory_space<hbm>> -> memref<1000x64xf32, #tpu.memory_space<hbm>>
      tpu.wait_indirect_dma semaphore(%arg11 : memref<!tpu.dma_semaphore, #tpu.memory_space<semaphore_mem>>) src(%dma_wait3A_106 : memref<1000x64xf32, #tpu.memory_space<hbm>>) dst(%dma_wait3A_100 : memref<128x64xf32, #tpu.memory_space<vmem>>)
      %dma_wait3A_107 = arith.constant 1 : i32
      %dma_wait3A_108 = arith.constant 128 : i32
      %dma_wait3A_109 = arith.constant 0 : i32
      %dma_wait3A_110 = tpu.memref_slice %arg9[%dma_wait3A_108, %dma_wait3A_109] : memref<256x64xf32, #tpu.memory_space<vmem>> -> memref<128x64xf32, #tpu.memory_space<vmem>>
      %dma_wait3A_111 = arith.constant 0 : i32
      %dma_wait3A_112 = tpu.memref_slice %arg7[%dma_wait3A_107, %dma_wait3A_111] : memref<2x128xi32, #tpu.memory_space<vmem>> -> memref<1x128xi32, #tpu.memory_space<vmem>>
      %dma_wait3A_113 = tpu.memref_squeeze %dma_wait3A_112 : memref<1x128xi32, #tpu.memory_space<vmem>> -> memref<128xi32, #tpu.memory_space<vmem>>
      %dma_wait3A_114 = arith.constant 0 : i32
      %dma_wait3A_115 = arith.constant 0 : i32
      %dma_wait3A_116 = tpu.memref_slice %arg4[%dma_wait3A_114, %dma_wait3A_115] : memref<100000x64xf32, #tpu.memory_space<hbm>> -> memref<100000x64xf32, #tpu.memory_space<hbm>>
      tpu.wait_indirect_dma semaphore(%arg11 : memref<!tpu.dma_semaphore, #tpu.memory_space<semaphore_mem>>) src(%dma_wait3A_116 : memref<100000x64xf32, #tpu.memory_space<hbm>>) dst(%dma_wait3A_110 : memref<128x64xf32, #tpu.memory_space<vmem>>)
      %dma_wait3A_117 = arith.constant 1 : i32
      %dma_wait3A_118 = arith.constant 128 : i32
      %dma_wait3A_119 = arith.constant 0 : i32
      %dma_wait3A_120 = tpu.memref_slice %arg10[%dma_wait3A_118, %dma_wait3A_119] : memref<256x64xf32, #tpu.memory_space<vmem>> -> memref<128x64xf32, #tpu.memory_space<vmem>>
      %dma_wait3A_121 = arith.constant 0 : i32
      %dma_wait3A_122 = tpu.memref_slice %arg8[%dma_wait3A_117, %dma_wait3A_121] : memref<2x128xi32, #tpu.memory_space<vmem>> -> memref<1x128xi32, #tpu.memory_space<vmem>>
      %dma_wait3A_123 = tpu.memref_squeeze %dma_wait3A_122 : memref<1x128xi32, #tpu.memory_space<vmem>> -> memref<128xi32, #tpu.memory_space<vmem>>
      %dma_wait3A_124 = arith.constant 0 : i32
      %dma_wait3A_125 = arith.constant 0 : i32
      %dma_wait3A_126 = tpu.memref_slice %arg5[%dma_wait3A_124, %dma_wait3A_125] : memref<1000x64xf32, #tpu.memory_space<hbm>> -> memref<1000x64xf32, #tpu.memory_space<hbm>>
      tpu.wait_indirect_dma semaphore(%arg11 : memref<!tpu.dma_semaphore, #tpu.memory_space<semaphore_mem>>) src(%dma_wait3A_126 : memref<1000x64xf32, #tpu.memory_space<hbm>>) dst(%dma_wait3A_120 : memref<128x64xf32, #tpu.memory_space<vmem>>)
      "tpu.region"() ({
        %run_scoped3A = tpu.sem_alloc : memref<!tpu.dma_semaphore, #tpu.memory_space<semaphore_mem>>
        %dma_start3A_129 = arith.constant 0 : i32
        %dma_start3A_130 = tpu.memref_slice %arg6[%mul3A_48, %dma_start3A_129] : memref<102400x64xf32, #tpu.memory_space<hbm>> -> memref<256x64xf32, #tpu.memory_space<hbm>>
        %dma_start3A_131 = arith.constant 0 : i32
        %dma_start3A_132 = tpu.memref_slice %arg6[%mul3A_48, %dma_start3A_131] : memref<102400x64xf32, #tpu.memory_space<hbm>> -> memref<256x64xf32, #tpu.memory_space<hbm>>
        tpu.enqueue_dma source(%arg9 : memref<256x64xf32, #tpu.memory_space<vmem>>) target(%dma_start3A_132 : memref<256x64xf32, #tpu.memory_space<hbm>>) target_semaphore(%run_scoped3A : memref<!tpu.dma_semaphore, #tpu.memory_space<semaphore_mem>>)
        %dma_wait3A_133 = arith.constant 0 : i32
        %dma_wait3A_134 = tpu.memref_slice %arg6[%mul3A_48, %dma_wait3A_133] : memref<102400x64xf32, #tpu.memory_space<hbm>> -> memref<256x64xf32, #tpu.memory_space<hbm>>
        %dma_wait3A_135 = arith.constant 0 : i32
        %dma_wait3A_136 = tpu.memref_slice %arg6[%mul3A_48, %dma_wait3A_135] : memref<102400x64xf32, #tpu.memory_space<hbm>> -> memref<256x64xf32, #tpu.memory_space<hbm>>
        tpu.wait_dma2 semaphore(%run_scoped3A : memref<!tpu.dma_semaphore, #tpu.memory_space<semaphore_mem>>) src(%arg9 : memref<256x64xf32, #tpu.memory_space<vmem>>) dst(%dma_wait3A_136 : memref<256x64xf32, #tpu.memory_space<hbm>>)
        tpu.yield
      }) : () -> ()
      %add3A_127 = arith.constant 51200 : i32
      %add3A_128 = arith.addi %add3A_127, %mul3A_48 : i32
      "tpu.region"() ({
        %run_scoped3A = tpu.sem_alloc : memref<!tpu.dma_semaphore, #tpu.memory_space<semaphore_mem>>
        %dma_start3A_129 = arith.constant 0 : i32
        %dma_start3A_130 = tpu.memref_slice %arg6[%add3A_128, %dma_start3A_129] : memref<102400x64xf32, #tpu.memory_space<hbm>> -> memref<256x64xf32, #tpu.memory_space<hbm>>
        %dma_start3A_131 = arith.constant 0 : i32
        %dma_start3A_132 = tpu.memref_slice %arg6[%add3A_128, %dma_start3A_131] : memref<102400x64xf32, #tpu.memory_space<hbm>> -> memref<256x64xf32, #tpu.memory_space<hbm>>
        tpu.enqueue_dma source(%arg10 : memref<256x64xf32, #tpu.memory_space<vmem>>) target(%dma_start3A_132 : memref<256x64xf32, #tpu.memory_space<hbm>>) target_semaphore(%run_scoped3A : memref<!tpu.dma_semaphore, #tpu.memory_space<semaphore_mem>>)
        %dma_wait3A_133 = arith.constant 0 : i32
        %dma_wait3A_134 = tpu.memref_slice %arg6[%add3A_128, %dma_wait3A_133] : memref<102400x64xf32, #tpu.memory_space<hbm>> -> memref<256x64xf32, #tpu.memory_space<hbm>>
        %dma_wait3A_135 = arith.constant 0 : i32
        %dma_wait3A_136 = tpu.memref_slice %arg6[%add3A_128, %dma_wait3A_135] : memref<102400x64xf32, #tpu.memory_space<hbm>> -> memref<256x64xf32, #tpu.memory_space<hbm>>
        tpu.wait_dma2 semaphore(%run_scoped3A : memref<!tpu.dma_semaphore, #tpu.memory_space<semaphore_mem>>) src(%arg10 : memref<256x64xf32, #tpu.memory_space<vmem>>) dst(%dma_wait3A_136 : memref<256x64xf32, #tpu.memory_space<hbm>>)
        tpu.yield
      }) : () -> ()
    } else {
    }
    %add3A_40 = arith.constant 192 : i32
    %add3A_41 = arith.addi %add3A, %add3A_40 : i32
    %lt3A_42 = arith.constant 200 : i32
    %lt3A_43 = arith.cmpi slt, %add3A_41, %lt3A_42 : i32
    %convert_element_type3A_44 = arith.extui %lt3A_43 : i1 to i32
    %cond3A_45 = arith.constant 0 : i32
    %cond3A_46 = arith.cmpi ne, %convert_element_type3A_44, %cond3A_45 : i32
    scf.if %cond3A_46 {
      %mul3A_47 = arith.constant 256 : i32
      %mul3A_48 = arith.muli %add3A_41, %mul3A_47 : i32
      "tpu.region"() ({
        %run_scoped3A = tpu.sem_alloc : memref<!tpu.dma_semaphore, #tpu.memory_space<semaphore_mem>>
        %dma_start3A_129 = arith.constant 0 : i32
        %dma_start3A_130 = arith.constant 0 : i32
        %dma_start3A_131 = tpu.memref_slice %arg2[%add3A_41, %dma_start3A_129, %dma_start3A_130] : memref<200x2x128xi32, #tpu.memory_space<hbm>> -> memref<1x2x128xi32, #tpu.memory_space<hbm>>
        %dma_start3A_132 = tpu.memref_squeeze %dma_start3A_131 : memref<1x2x128xi32, #tpu.memory_space<hbm>> -> memref<2x128xi32, #tpu.memory_space<hbm>>
        %dma_start3A_133 = arith.constant 0 : i32
        %dma_start3A_134 = arith.constant 0 : i32
        %dma_start3A_135 = tpu.memref_slice %arg2[%add3A_41, %dma_start3A_133, %dma_start3A_134] : memref<200x2x128xi32, #tpu.memory_space<hbm>> -> memref<1x2x128xi32, #tpu.memory_space<hbm>>
        %dma_start3A_136 = tpu.memref_squeeze %dma_start3A_135 : memref<1x2x128xi32, #tpu.memory_space<hbm>> -> memref<2x128xi32, #tpu.memory_space<hbm>>
        tpu.enqueue_dma source(%dma_start3A_136 : memref<2x128xi32, #tpu.memory_space<hbm>>) target(%arg7 : memref<2x128xi32, #tpu.memory_space<vmem>>) target_semaphore(%run_scoped3A : memref<!tpu.dma_semaphore, #tpu.memory_space<semaphore_mem>>)
        %dma_wait3A_137 = arith.constant 0 : i32
        %dma_wait3A_138 = arith.constant 0 : i32
        %dma_wait3A_139 = tpu.memref_slice %arg2[%add3A_41, %dma_wait3A_137, %dma_wait3A_138] : memref<200x2x128xi32, #tpu.memory_space<hbm>> -> memref<1x2x128xi32, #tpu.memory_space<hbm>>
        %dma_wait3A_140 = tpu.memref_squeeze %dma_wait3A_139 : memref<1x2x128xi32, #tpu.memory_space<hbm>> -> memref<2x128xi32, #tpu.memory_space<hbm>>
        %dma_wait3A_141 = arith.constant 0 : i32
        %dma_wait3A_142 = arith.constant 0 : i32
        %dma_wait3A_143 = tpu.memref_slice %arg2[%add3A_41, %dma_wait3A_141, %dma_wait3A_142] : memref<200x2x128xi32, #tpu.memory_space<hbm>> -> memref<1x2x128xi32, #tpu.memory_space<hbm>>
        %dma_wait3A_144 = tpu.memref_squeeze %dma_wait3A_143 : memref<1x2x128xi32, #tpu.memory_space<hbm>> -> memref<2x128xi32, #tpu.memory_space<hbm>>
        tpu.wait_dma2 semaphore(%run_scoped3A : memref<!tpu.dma_semaphore, #tpu.memory_space<semaphore_mem>>) src(%dma_wait3A_144 : memref<2x128xi32, #tpu.memory_space<hbm>>) dst(%arg7 : memref<2x128xi32, #tpu.memory_space<vmem>>)
        tpu.yield
      }) : () -> ()
      "tpu.region"() ({
        %run_scoped3A = tpu.sem_alloc : memref<!tpu.dma_semaphore, #tpu.memory_space<semaphore_mem>>
        %dma_start3A_129 = arith.constant 0 : i32
        %dma_start3A_130 = arith.constant 0 : i32
        %dma_start3A_131 = tpu.memref_slice %arg3[%add3A_41, %dma_start3A_129, %dma_start3A_130] : memref<200x2x128xi32, #tpu.memory_space<hbm>> -> memref<1x2x128xi32, #tpu.memory_space<hbm>>
        %dma_start3A_132 = tpu.memref_squeeze %dma_start3A_131 : memref<1x2x128xi32, #tpu.memory_space<hbm>> -> memref<2x128xi32, #tpu.memory_space<hbm>>
        %dma_start3A_133 = arith.constant 0 : i32
        %dma_start3A_134 = arith.constant 0 : i32
        %dma_start3A_135 = tpu.memref_slice %arg3[%add3A_41, %dma_start3A_133, %dma_start3A_134] : memref<200x2x128xi32, #tpu.memory_space<hbm>> -> memref<1x2x128xi32, #tpu.memory_space<hbm>>
        %dma_start3A_136 = tpu.memref_squeeze %dma_start3A_135 : memref<1x2x128xi32, #tpu.memory_space<hbm>> -> memref<2x128xi32, #tpu.memory_space<hbm>>
        tpu.enqueue_dma source(%dma_start3A_136 : memref<2x128xi32, #tpu.memory_space<hbm>>) target(%arg8 : memref<2x128xi32, #tpu.memory_space<vmem>>) target_semaphore(%run_scoped3A : memref<!tpu.dma_semaphore, #tpu.memory_space<semaphore_mem>>)
        %dma_wait3A_137 = arith.constant 0 : i32
        %dma_wait3A_138 = arith.constant 0 : i32
        %dma_wait3A_139 = tpu.memref_slice %arg3[%add3A_41, %dma_wait3A_137, %dma_wait3A_138] : memref<200x2x128xi32, #tpu.memory_space<hbm>> -> memref<1x2x128xi32, #tpu.memory_space<hbm>>
        %dma_wait3A_140 = tpu.memref_squeeze %dma_wait3A_139 : memref<1x2x128xi32, #tpu.memory_space<hbm>> -> memref<2x128xi32, #tpu.memory_space<hbm>>
        %dma_wait3A_141 = arith.constant 0 : i32
        %dma_wait3A_142 = arith.constant 0 : i32
        %dma_wait3A_143 = tpu.memref_slice %arg3[%add3A_41, %dma_wait3A_141, %dma_wait3A_142] : memref<200x2x128xi32, #tpu.memory_space<hbm>> -> memref<1x2x128xi32, #tpu.memory_space<hbm>>
        %dma_wait3A_144 = tpu.memref_squeeze %dma_wait3A_143 : memref<1x2x128xi32, #tpu.memory_space<hbm>> -> memref<2x128xi32, #tpu.memory_space<hbm>>
        tpu.wait_dma2 semaphore(%run_scoped3A : memref<!tpu.dma_semaphore, #tpu.memory_space<semaphore_mem>>) src(%dma_wait3A_144 : memref<2x128xi32, #tpu.memory_space<hbm>>) dst(%arg8 : memref<2x128xi32, #tpu.memory_space<vmem>>)
        tpu.yield
      }) : () -> ()
      %dma_start3A = arith.constant 0 : i32
      %dma_start3A_49 = arith.constant 0 : i32
      %dma_start3A_50 = arith.constant 0 : i32
      %dma_start3A_51 = tpu.memref_slice %arg9[%dma_start3A_49, %dma_start3A_50] : memref<256x64xf32, #tpu.memory_space<vmem>> -> memref<128x64xf32, #tpu.memory_space<vmem>>
      %dma_start3A_52 = arith.constant 0 : i32
      %dma_start3A_53 = tpu.memref_slice %arg7[%dma_start3A, %dma_start3A_52] : memref<2x128xi32, #tpu.memory_space<vmem>> -> memref<1x128xi32, #tpu.memory_space<vmem>>
      %dma_start3A_54 = tpu.memref_squeeze %dma_start3A_53 : memref<1x128xi32, #tpu.memory_space<vmem>> -> memref<128xi32, #tpu.memory_space<vmem>>
      %dma_start3A_55 = arith.constant 0 : i32
      %dma_start3A_56 = arith.constant 0 : i32
      %dma_start3A_57 = tpu.memref_slice %arg4[%dma_start3A_55, %dma_start3A_56] : memref<100000x64xf32, #tpu.memory_space<hbm>> -> memref<100000x64xf32, #tpu.memory_space<hbm>>
      tpu.enqueue_indirect_dma source(%dma_start3A_57 : memref<100000x64xf32, #tpu.memory_space<hbm>>) target(%dma_start3A_51 : memref<128x64xf32, #tpu.memory_space<vmem>>) offsets(%dma_start3A_54 : memref<128xi32, #tpu.memory_space<vmem>>) semaphore(%arg11 : memref<!tpu.dma_semaphore, #tpu.memory_space<semaphore_mem>>)
      %dma_start3A_58 = arith.constant 0 : i32
      %dma_start3A_59 = arith.constant 0 : i32
      %dma_start3A_60 = arith.constant 0 : i32
      %dma_start3A_61 = tpu.memref_slice %arg10[%dma_start3A_59, %dma_start3A_60] : memref<256x64xf32, #tpu.memory_space<vmem>> -> memref<128x64xf32, #tpu.memory_space<vmem>>
      %dma_start3A_62 = arith.constant 0 : i32
      %dma_start3A_63 = tpu.memref_slice %arg8[%dma_start3A_58, %dma_start3A_62] : memref<2x128xi32, #tpu.memory_space<vmem>> -> memref<1x128xi32, #tpu.memory_space<vmem>>
      %dma_start3A_64 = tpu.memref_squeeze %dma_start3A_63 : memref<1x128xi32, #tpu.memory_space<vmem>> -> memref<128xi32, #tpu.memory_space<vmem>>
      %dma_start3A_65 = arith.constant 0 : i32
      %dma_start3A_66 = arith.constant 0 : i32
      %dma_start3A_67 = tpu.memref_slice %arg5[%dma_start3A_65, %dma_start3A_66] : memref<1000x64xf32, #tpu.memory_space<hbm>> -> memref<1000x64xf32, #tpu.memory_space<hbm>>
      tpu.enqueue_indirect_dma source(%dma_start3A_67 : memref<1000x64xf32, #tpu.memory_space<hbm>>) target(%dma_start3A_61 : memref<128x64xf32, #tpu.memory_space<vmem>>) offsets(%dma_start3A_64 : memref<128xi32, #tpu.memory_space<vmem>>) semaphore(%arg11 : memref<!tpu.dma_semaphore, #tpu.memory_space<semaphore_mem>>)
      %dma_start3A_68 = arith.constant 1 : i32
      %dma_start3A_69 = arith.constant 128 : i32
      %dma_start3A_70 = arith.constant 0 : i32
      %dma_start3A_71 = tpu.memref_slice %arg9[%dma_start3A_69, %dma_start3A_70] : memref<256x64xf32, #tpu.memory_space<vmem>> -> memref<128x64xf32, #tpu.memory_space<vmem>>
      %dma_start3A_72 = arith.constant 0 : i32
      %dma_start3A_73 = tpu.memref_slice %arg7[%dma_start3A_68, %dma_start3A_72] : memref<2x128xi32, #tpu.memory_space<vmem>> -> memref<1x128xi32, #tpu.memory_space<vmem>>
      %dma_start3A_74 = tpu.memref_squeeze %dma_start3A_73 : memref<1x128xi32, #tpu.memory_space<vmem>> -> memref<128xi32, #tpu.memory_space<vmem>>
      %dma_start3A_75 = arith.constant 0 : i32
      %dma_start3A_76 = arith.constant 0 : i32
      %dma_start3A_77 = tpu.memref_slice %arg4[%dma_start3A_75, %dma_start3A_76] : memref<100000x64xf32, #tpu.memory_space<hbm>> -> memref<100000x64xf32, #tpu.memory_space<hbm>>
      tpu.enqueue_indirect_dma source(%dma_start3A_77 : memref<100000x64xf32, #tpu.memory_space<hbm>>) target(%dma_start3A_71 : memref<128x64xf32, #tpu.memory_space<vmem>>) offsets(%dma_start3A_74 : memref<128xi32, #tpu.memory_space<vmem>>) semaphore(%arg11 : memref<!tpu.dma_semaphore, #tpu.memory_space<semaphore_mem>>)
      %dma_start3A_78 = arith.constant 1 : i32
      %dma_start3A_79 = arith.constant 128 : i32
      %dma_start3A_80 = arith.constant 0 : i32
      %dma_start3A_81 = tpu.memref_slice %arg10[%dma_start3A_79, %dma_start3A_80] : memref<256x64xf32, #tpu.memory_space<vmem>> -> memref<128x64xf32, #tpu.memory_space<vmem>>
      %dma_start3A_82 = arith.constant 0 : i32
      %dma_start3A_83 = tpu.memref_slice %arg8[%dma_start3A_78, %dma_start3A_82] : memref<2x128xi32, #tpu.memory_space<vmem>> -> memref<1x128xi32, #tpu.memory_space<vmem>>
      %dma_start3A_84 = tpu.memref_squeeze %dma_start3A_83 : memref<1x128xi32, #tpu.memory_space<vmem>> -> memref<128xi32, #tpu.memory_space<vmem>>
      %dma_start3A_85 = arith.constant 0 : i32
      %dma_start3A_86 = arith.constant 0 : i32
      %dma_start3A_87 = tpu.memref_slice %arg5[%dma_start3A_85, %dma_start3A_86] : memref<1000x64xf32, #tpu.memory_space<hbm>> -> memref<1000x64xf32, #tpu.memory_space<hbm>>
      tpu.enqueue_indirect_dma source(%dma_start3A_87 : memref<1000x64xf32, #tpu.memory_space<hbm>>) target(%dma_start3A_81 : memref<128x64xf32, #tpu.memory_space<vmem>>) offsets(%dma_start3A_84 : memref<128xi32, #tpu.memory_space<vmem>>) semaphore(%arg11 : memref<!tpu.dma_semaphore, #tpu.memory_space<semaphore_mem>>)
      %dma_wait3A = arith.constant 0 : i32
      %dma_wait3A_88 = arith.constant 0 : i32
      %dma_wait3A_89 = arith.constant 0 : i32
      %dma_wait3A_90 = tpu.memref_slice %arg9[%dma_wait3A_88, %dma_wait3A_89] : memref<256x64xf32, #tpu.memory_space<vmem>> -> memref<128x64xf32, #tpu.memory_space<vmem>>
      %dma_wait3A_91 = arith.constant 0 : i32
      %dma_wait3A_92 = tpu.memref_slice %arg7[%dma_wait3A, %dma_wait3A_91] : memref<2x128xi32, #tpu.memory_space<vmem>> -> memref<1x128xi32, #tpu.memory_space<vmem>>
      %dma_wait3A_93 = tpu.memref_squeeze %dma_wait3A_92 : memref<1x128xi32, #tpu.memory_space<vmem>> -> memref<128xi32, #tpu.memory_space<vmem>>
      %dma_wait3A_94 = arith.constant 0 : i32
      %dma_wait3A_95 = arith.constant 0 : i32
      %dma_wait3A_96 = tpu.memref_slice %arg4[%dma_wait3A_94, %dma_wait3A_95] : memref<100000x64xf32, #tpu.memory_space<hbm>> -> memref<100000x64xf32, #tpu.memory_space<hbm>>
      tpu.wait_indirect_dma semaphore(%arg11 : memref<!tpu.dma_semaphore, #tpu.memory_space<semaphore_mem>>) src(%dma_wait3A_96 : memref<100000x64xf32, #tpu.memory_space<hbm>>) dst(%dma_wait3A_90 : memref<128x64xf32, #tpu.memory_space<vmem>>)
      %dma_wait3A_97 = arith.constant 0 : i32
      %dma_wait3A_98 = arith.constant 0 : i32
      %dma_wait3A_99 = arith.constant 0 : i32
      %dma_wait3A_100 = tpu.memref_slice %arg10[%dma_wait3A_98, %dma_wait3A_99] : memref<256x64xf32, #tpu.memory_space<vmem>> -> memref<128x64xf32, #tpu.memory_space<vmem>>
      %dma_wait3A_101 = arith.constant 0 : i32
      %dma_wait3A_102 = tpu.memref_slice %arg8[%dma_wait3A_97, %dma_wait3A_101] : memref<2x128xi32, #tpu.memory_space<vmem>> -> memref<1x128xi32, #tpu.memory_space<vmem>>
      %dma_wait3A_103 = tpu.memref_squeeze %dma_wait3A_102 : memref<1x128xi32, #tpu.memory_space<vmem>> -> memref<128xi32, #tpu.memory_space<vmem>>
      %dma_wait3A_104 = arith.constant 0 : i32
      %dma_wait3A_105 = arith.constant 0 : i32
      %dma_wait3A_106 = tpu.memref_slice %arg5[%dma_wait3A_104, %dma_wait3A_105] : memref<1000x64xf32, #tpu.memory_space<hbm>> -> memref<1000x64xf32, #tpu.memory_space<hbm>>
      tpu.wait_indirect_dma semaphore(%arg11 : memref<!tpu.dma_semaphore, #tpu.memory_space<semaphore_mem>>) src(%dma_wait3A_106 : memref<1000x64xf32, #tpu.memory_space<hbm>>) dst(%dma_wait3A_100 : memref<128x64xf32, #tpu.memory_space<vmem>>)
      %dma_wait3A_107 = arith.constant 1 : i32
      %dma_wait3A_108 = arith.constant 128 : i32
      %dma_wait3A_109 = arith.constant 0 : i32
      %dma_wait3A_110 = tpu.memref_slice %arg9[%dma_wait3A_108, %dma_wait3A_109] : memref<256x64xf32, #tpu.memory_space<vmem>> -> memref<128x64xf32, #tpu.memory_space<vmem>>
      %dma_wait3A_111 = arith.constant 0 : i32
      %dma_wait3A_112 = tpu.memref_slice %arg7[%dma_wait3A_107, %dma_wait3A_111] : memref<2x128xi32, #tpu.memory_space<vmem>> -> memref<1x128xi32, #tpu.memory_space<vmem>>
      %dma_wait3A_113 = tpu.memref_squeeze %dma_wait3A_112 : memref<1x128xi32, #tpu.memory_space<vmem>> -> memref<128xi32, #tpu.memory_space<vmem>>
      %dma_wait3A_114 = arith.constant 0 : i32
      %dma_wait3A_115 = arith.constant 0 : i32
      %dma_wait3A_116 = tpu.memref_slice %arg4[%dma_wait3A_114, %dma_wait3A_115] : memref<100000x64xf32, #tpu.memory_space<hbm>> -> memref<100000x64xf32, #tpu.memory_space<hbm>>
      tpu.wait_indirect_dma semaphore(%arg11 : memref<!tpu.dma_semaphore, #tpu.memory_space<semaphore_mem>>) src(%dma_wait3A_116 : memref<100000x64xf32, #tpu.memory_space<hbm>>) dst(%dma_wait3A_110 : memref<128x64xf32, #tpu.memory_space<vmem>>)
      %dma_wait3A_117 = arith.constant 1 : i32
      %dma_wait3A_118 = arith.constant 128 : i32
      %dma_wait3A_119 = arith.constant 0 : i32
      %dma_wait3A_120 = tpu.memref_slice %arg10[%dma_wait3A_118, %dma_wait3A_119] : memref<256x64xf32, #tpu.memory_space<vmem>> -> memref<128x64xf32, #tpu.memory_space<vmem>>
      %dma_wait3A_121 = arith.constant 0 : i32
      %dma_wait3A_122 = tpu.memref_slice %arg8[%dma_wait3A_117, %dma_wait3A_121] : memref<2x128xi32, #tpu.memory_space<vmem>> -> memref<1x128xi32, #tpu.memory_space<vmem>>
      %dma_wait3A_123 = tpu.memref_squeeze %dma_wait3A_122 : memref<1x128xi32, #tpu.memory_space<vmem>> -> memref<128xi32, #tpu.memory_space<vmem>>
      %dma_wait3A_124 = arith.constant 0 : i32
      %dma_wait3A_125 = arith.constant 0 : i32
      %dma_wait3A_126 = tpu.memref_slice %arg5[%dma_wait3A_124, %dma_wait3A_125] : memref<1000x64xf32, #tpu.memory_space<hbm>> -> memref<1000x64xf32, #tpu.memory_space<hbm>>
      tpu.wait_indirect_dma semaphore(%arg11 : memref<!tpu.dma_semaphore, #tpu.memory_space<semaphore_mem>>) src(%dma_wait3A_126 : memref<1000x64xf32, #tpu.memory_space<hbm>>) dst(%dma_wait3A_120 : memref<128x64xf32, #tpu.memory_space<vmem>>)
      "tpu.region"() ({
        %run_scoped3A = tpu.sem_alloc : memref<!tpu.dma_semaphore, #tpu.memory_space<semaphore_mem>>
        %dma_start3A_129 = arith.constant 0 : i32
        %dma_start3A_130 = tpu.memref_slice %arg6[%mul3A_48, %dma_start3A_129] : memref<102400x64xf32, #tpu.memory_space<hbm>> -> memref<256x64xf32, #tpu.memory_space<hbm>>
        %dma_start3A_131 = arith.constant 0 : i32
        %dma_start3A_132 = tpu.memref_slice %arg6[%mul3A_48, %dma_start3A_131] : memref<102400x64xf32, #tpu.memory_space<hbm>> -> memref<256x64xf32, #tpu.memory_space<hbm>>
        tpu.enqueue_dma source(%arg9 : memref<256x64xf32, #tpu.memory_space<vmem>>) target(%dma_start3A_132 : memref<256x64xf32, #tpu.memory_space<hbm>>) target_semaphore(%run_scoped3A : memref<!tpu.dma_semaphore, #tpu.memory_space<semaphore_mem>>)
        %dma_wait3A_133 = arith.constant 0 : i32
        %dma_wait3A_134 = tpu.memref_slice %arg6[%mul3A_48, %dma_wait3A_133] : memref<102400x64xf32, #tpu.memory_space<hbm>> -> memref<256x64xf32, #tpu.memory_space<hbm>>
        %dma_wait3A_135 = arith.constant 0 : i32
        %dma_wait3A_136 = tpu.memref_slice %arg6[%mul3A_48, %dma_wait3A_135] : memref<102400x64xf32, #tpu.memory_space<hbm>> -> memref<256x64xf32, #tpu.memory_space<hbm>>
        tpu.wait_dma2 semaphore(%run_scoped3A : memref<!tpu.dma_semaphore, #tpu.memory_space<semaphore_mem>>) src(%arg9 : memref<256x64xf32, #tpu.memory_space<vmem>>) dst(%dma_wait3A_136 : memref<256x64xf32, #tpu.memory_space<hbm>>)
        tpu.yield
      }) : () -> ()
      %add3A_127 = arith.constant 51200 : i32
      %add3A_128 = arith.addi %add3A_127, %mul3A_48 : i32
      "tpu.region"() ({
        %run_scoped3A = tpu.sem_alloc : memref<!tpu.dma_semaphore, #tpu.memory_space<semaphore_mem>>
        %dma_start3A_129 = arith.constant 0 : i32
        %dma_start3A_130 = tpu.memref_slice %arg6[%add3A_128, %dma_start3A_129] : memref<102400x64xf32, #tpu.memory_space<hbm>> -> memref<256x64xf32, #tpu.memory_space<hbm>>
        %dma_start3A_131 = arith.constant 0 : i32
        %dma_start3A_132 = tpu.memref_slice %arg6[%add3A_128, %dma_start3A_131] : memref<102400x64xf32, #tpu.memory_space<hbm>> -> memref<256x64xf32, #tpu.memory_space<hbm>>
        tpu.enqueue_dma source(%arg10 : memref<256x64xf32, #tpu.memory_space<vmem>>) target(%dma_start3A_132 : memref<256x64xf32, #tpu.memory_space<hbm>>) target_semaphore(%run_scoped3A : memref<!tpu.dma_semaphore, #tpu.memory_space<semaphore_mem>>)
        %dma_wait3A_133 = arith.constant 0 : i32
        %dma_wait3A_134 = tpu.memref_slice %arg6[%add3A_128, %dma_wait3A_133] : memref<102400x64xf32, #tpu.memory_space<hbm>> -> memref<256x64xf32, #tpu.memory_space<hbm>>
        %dma_wait3A_135 = arith.constant 0 : i32
        %dma_wait3A_136 = tpu.memref_slice %arg6[%add3A_128, %dma_wait3A_135] : memref<102400x64xf32, #tpu.memory_space<hbm>> -> memref<256x64xf32, #tpu.memory_space<hbm>>
        tpu.wait_dma2 semaphore(%run_scoped3A : memref<!tpu.dma_semaphore, #tpu.memory_space<semaphore_mem>>) src(%arg10 : memref<256x64xf32, #tpu.memory_space<vmem>>) dst(%dma_wait3A_136 : memref<256x64xf32, #tpu.memory_space<hbm>>)
        tpu.yield
      }) : () -> ()
    } else {
    }
    return
  }
}

module attributes {stable_mosaic.version = 14 : i64} {
  func.func @_tc_body(%arg0: i32, %arg1: memref<1000x2048xf32, #tpu.memory_space<vmem>>, %arg2: memref<64x1000xf32, #tpu.memory_space<vmem>>, %arg3: memref<8x64x1xf32, #tpu.memory_space<vmem>>, %arg4: memref<8x64x256xf32, #tpu.memory_space<vmem>>) attributes {dimension_semantics = [#tpu.dimension_semantics<arbitrary>], iteration_bounds = array<i64: 25>, scalar_prefetch = 0 : i64, scratch_operands = 0 : i64, tpu.core_type = #tpu.core_type<tc>, window_params = [{transform_indices = @transform_0, window_bounds = array<i64: 1000, 2048>}, {pipeline_mode = #tpu.pipeline_mode<synchronous>, transform_indices = @transform_1, window_bounds = array<i64: 64, 1000>}, {transform_indices = @transform_2, window_bounds = array<i64: 8, 64, 1>}, {transform_indices = @transform_3, window_bounds = array<i64: 8, 64, 256>}]} {
    %get3A = arith.constant 0 : index
    %get3A_0 = arith.constant 0 : index
    %get3A_1 = vector.load %arg2[%get3A, %get3A_0] : memref<64x1000xf32, #tpu.memory_space<vmem>>, vector<64x1000xf32>
    %get3A_2 = arith.constant 0 : index
    %get3A_3 = arith.constant 0 : index
    %get3A_4 = vector.load %arg1[%get3A_2, %get3A_3] : memref<1000x2048xf32, #tpu.memory_space<vmem>>, vector<1000x2048xf32>
    %dot_general3A = arith.constant dense<0.000000e+00> : vector<64x2048xf32>
    %dot_general3A_5 = tpu.matmul %get3A_1, %get3A_4, %dot_general3A {dimension_numbers = #tpu.dot_dimension_numbers<[1], [0], [0], [1], [0, 0, 1, 1], [], []>, transpose_lhs_hint = false} : vector<64x1000xf32>, vector<1000x2048xf32>, vector<64x2048xf32> -> vector<64x2048xf32>
    %slice3A = vector.extract_strided_slice %dot_general3A_5 {offsets = [0, 0], sizes = [64, 256], strides = [1, 1]} : vector<64x2048xf32> to vector<64x256xf32>
    %get3A_6 = arith.constant 0 : index
    %get3A_7 = arith.constant 0 : index
    %get3A_8 = arith.constant 0 : index
    %get3A_9 = vector.load %arg3[%get3A_6, %get3A_7, %get3A_8] : memref<8x64x1xf32, #tpu.memory_space<vmem>>, vector<1x64x1xf32>
    %get3A_10 = vector.shape_cast %get3A_9 : vector<1x64x1xf32> to vector<64x1xf32>
    %add3A = vector.broadcast %get3A_10 : vector<64x1xf32> to vector<64x256xf32>
    %add3A_11 = arith.addf %slice3A, %add3A : vector<64x256xf32>
    %swap3A = arith.constant 0 : index
    %swap3A_12 = arith.constant 0 : index
    %swap3A_13 = arith.constant 0 : index
    %swap3A_14 = vector.load %arg4[%swap3A, %swap3A_12, %swap3A_13] : memref<8x64x256xf32, #tpu.memory_space<vmem>>, vector<1x64x256xf32>
    %swap3A_15 = vector.shape_cast %swap3A_14 : vector<1x64x256xf32> to vector<64x256xf32>
    %swap3A_16 = vector.shape_cast %add3A_11 : vector<64x256xf32> to vector<1x64x256xf32>
    tpu.vector_store %arg4[%swap3A, %swap3A_12, %swap3A_13], %swap3A_16 {strides = array<i32>} : memref<8x64x256xf32, #tpu.memory_space<vmem>>, vector<1x64x256xf32>,
    %slice3A_17 = vector.extract_strided_slice %dot_general3A_5 {offsets = [0, 256], sizes = [64, 256], strides = [1, 1]} : vector<64x2048xf32> to vector<64x256xf32>
    %get3A_18 = arith.constant 1 : index
    %get3A_19 = arith.constant 0 : index
    %get3A_20 = arith.constant 0 : index
    %get3A_21 = vector.load %arg3[%get3A_18, %get3A_19, %get3A_20] : memref<8x64x1xf32, #tpu.memory_space<vmem>>, vector<1x64x1xf32>
    %get3A_22 = vector.shape_cast %get3A_21 : vector<1x64x1xf32> to vector<64x1xf32>
    %add3A_23 = vector.broadcast %get3A_22 : vector<64x1xf32> to vector<64x256xf32>
    %add3A_24 = arith.addf %slice3A_17, %add3A_23 : vector<64x256xf32>
    %swap3A_25 = arith.constant 1 : index
    %swap3A_26 = arith.constant 0 : index
    %swap3A_27 = arith.constant 0 : index
    %swap3A_28 = vector.load %arg4[%swap3A_25, %swap3A_26, %swap3A_27] : memref<8x64x256xf32, #tpu.memory_space<vmem>>, vector<1x64x256xf32>
    %swap3A_29 = vector.shape_cast %swap3A_28 : vector<1x64x256xf32> to vector<64x256xf32>
    %swap3A_30 = vector.shape_cast %add3A_24 : vector<64x256xf32> to vector<1x64x256xf32>
    tpu.vector_store %arg4[%swap3A_25, %swap3A_26, %swap3A_27], %swap3A_30 {strides = array<i32>} : memref<8x64x256xf32, #tpu.memory_space<vmem>>, vector<1x64x256xf32>,
    %slice3A_31 = vector.extract_strided_slice %dot_general3A_5 {offsets = [0, 512], sizes = [64, 256], strides = [1, 1]} : vector<64x2048xf32> to vector<64x256xf32>
    %get3A_32 = arith.constant 2 : index
    %get3A_33 = arith.constant 0 : index
    %get3A_34 = arith.constant 0 : index
    %get3A_35 = vector.load %arg3[%get3A_32, %get3A_33, %get3A_34] : memref<8x64x1xf32, #tpu.memory_space<vmem>>, vector<1x64x1xf32>
    %get3A_36 = vector.shape_cast %get3A_35 : vector<1x64x1xf32> to vector<64x1xf32>
    %add3A_37 = vector.broadcast %get3A_36 : vector<64x1xf32> to vector<64x256xf32>
    %add3A_38 = arith.addf %slice3A_31, %add3A_37 : vector<64x256xf32>
    %swap3A_39 = arith.constant 2 : index
    %swap3A_40 = arith.constant 0 : index
    %swap3A_41 = arith.constant 0 : index
    %swap3A_42 = vector.load %arg4[%swap3A_39, %swap3A_40, %swap3A_41] : memref<8x64x256xf32, #tpu.memory_space<vmem>>, vector<1x64x256xf32>
    %swap3A_43 = vector.shape_cast %swap3A_42 : vector<1x64x256xf32> to vector<64x256xf32>
    %swap3A_44 = vector.shape_cast %add3A_38 : vector<64x256xf32> to vector<1x64x256xf32>
    tpu.vector_store %arg4[%swap3A_39, %swap3A_40, %swap3A_41], %swap3A_44 {strides = array<i32>} : memref<8x64x256xf32, #tpu.memory_space<vmem>>, vector<1x64x256xf32>,
    %slice3A_45 = vector.extract_strided_slice %dot_general3A_5 {offsets = [0, 768], sizes = [64, 256], strides = [1, 1]} : vector<64x2048xf32> to vector<64x256xf32>
    %get3A_46 = arith.constant 3 : index
    %get3A_47 = arith.constant 0 : index
    %get3A_48 = arith.constant 0 : index
    %get3A_49 = vector.load %arg3[%get3A_46, %get3A_47, %get3A_48] : memref<8x64x1xf32, #tpu.memory_space<vmem>>, vector<1x64x1xf32>
    %get3A_50 = vector.shape_cast %get3A_49 : vector<1x64x1xf32> to vector<64x1xf32>
    %add3A_51 = vector.broadcast %get3A_50 : vector<64x1xf32> to vector<64x256xf32>
    %add3A_52 = arith.addf %slice3A_45, %add3A_51 : vector<64x256xf32>
    %swap3A_53 = arith.constant 3 : index
    %swap3A_54 = arith.constant 0 : index
    %swap3A_55 = arith.constant 0 : index
    %swap3A_56 = vector.load %arg4[%swap3A_53, %swap3A_54, %swap3A_55] : memref<8x64x256xf32, #tpu.memory_space<vmem>>, vector<1x64x256xf32>
    %swap3A_57 = vector.shape_cast %swap3A_56 : vector<1x64x256xf32> to vector<64x256xf32>
    %swap3A_58 = vector.shape_cast %add3A_52 : vector<64x256xf32> to vector<1x64x256xf32>
    tpu.vector_store %arg4[%swap3A_53, %swap3A_54, %swap3A_55], %swap3A_58 {strides = array<i32>} : memref<8x64x256xf32, #tpu.memory_space<vmem>>, vector<1x64x256xf32>,
    %slice3A_59 = vector.extract_strided_slice %dot_general3A_5 {offsets = [0, 1024], sizes = [64, 256], strides = [1, 1]} : vector<64x2048xf32> to vector<64x256xf32>
    %get3A_60 = arith.constant 4 : index
    %get3A_61 = arith.constant 0 : index
    %get3A_62 = arith.constant 0 : index
    %get3A_63 = vector.load %arg3[%get3A_60, %get3A_61, %get3A_62] : memref<8x64x1xf32, #tpu.memory_space<vmem>>, vector<1x64x1xf32>
    %get3A_64 = vector.shape_cast %get3A_63 : vector<1x64x1xf32> to vector<64x1xf32>
    %add3A_65 = vector.broadcast %get3A_64 : vector<64x1xf32> to vector<64x256xf32>
    %add3A_66 = arith.addf %slice3A_59, %add3A_65 : vector<64x256xf32>
    %swap3A_67 = arith.constant 4 : index
    %swap3A_68 = arith.constant 0 : index
    %swap3A_69 = arith.constant 0 : index
    %swap3A_70 = vector.load %arg4[%swap3A_67, %swap3A_68, %swap3A_69] : memref<8x64x256xf32, #tpu.memory_space<vmem>>, vector<1x64x256xf32>
    %swap3A_71 = vector.shape_cast %swap3A_70 : vector<1x64x256xf32> to vector<64x256xf32>
    %swap3A_72 = vector.shape_cast %add3A_66 : vector<64x256xf32> to vector<1x64x256xf32>
    tpu.vector_store %arg4[%swap3A_67, %swap3A_68, %swap3A_69], %swap3A_72 {strides = array<i32>} : memref<8x64x256xf32, #tpu.memory_space<vmem>>, vector<1x64x256xf32>,
    %slice3A_73 = vector.extract_strided_slice %dot_general3A_5 {offsets = [0, 1280], sizes = [64, 256], strides = [1, 1]} : vector<64x2048xf32> to vector<64x256xf32>
    %get3A_74 = arith.constant 5 : index
    %get3A_75 = arith.constant 0 : index
    %get3A_76 = arith.constant 0 : index
    %get3A_77 = vector.load %arg3[%get3A_74, %get3A_75, %get3A_76] : memref<8x64x1xf32, #tpu.memory_space<vmem>>, vector<1x64x1xf32>
    %get3A_78 = vector.shape_cast %get3A_77 : vector<1x64x1xf32> to vector<64x1xf32>
    %add3A_79 = vector.broadcast %get3A_78 : vector<64x1xf32> to vector<64x256xf32>
    %add3A_80 = arith.addf %slice3A_73, %add3A_79 : vector<64x256xf32>
    %swap3A_81 = arith.constant 5 : index
    %swap3A_82 = arith.constant 0 : index
    %swap3A_83 = arith.constant 0 : index
    %swap3A_84 = vector.load %arg4[%swap3A_81, %swap3A_82, %swap3A_83] : memref<8x64x256xf32, #tpu.memory_space<vmem>>, vector<1x64x256xf32>
    %swap3A_85 = vector.shape_cast %swap3A_84 : vector<1x64x256xf32> to vector<64x256xf32>
    %swap3A_86 = vector.shape_cast %add3A_80 : vector<64x256xf32> to vector<1x64x256xf32>
    tpu.vector_store %arg4[%swap3A_81, %swap3A_82, %swap3A_83], %swap3A_86 {strides = array<i32>} : memref<8x64x256xf32, #tpu.memory_space<vmem>>, vector<1x64x256xf32>,
    %slice3A_87 = vector.extract_strided_slice %dot_general3A_5 {offsets = [0, 1536], sizes = [64, 256], strides = [1, 1]} : vector<64x2048xf32> to vector<64x256xf32>
    %get3A_88 = arith.constant 6 : index
    %get3A_89 = arith.constant 0 : index
    %get3A_90 = arith.constant 0 : index
    %get3A_91 = vector.load %arg3[%get3A_88, %get3A_89, %get3A_90] : memref<8x64x1xf32, #tpu.memory_space<vmem>>, vector<1x64x1xf32>
    %get3A_92 = vector.shape_cast %get3A_91 : vector<1x64x1xf32> to vector<64x1xf32>
    %add3A_93 = vector.broadcast %get3A_92 : vector<64x1xf32> to vector<64x256xf32>
    %add3A_94 = arith.addf %slice3A_87, %add3A_93 : vector<64x256xf32>
    %swap3A_95 = arith.constant 6 : index
    %swap3A_96 = arith.constant 0 : index
    %swap3A_97 = arith.constant 0 : index
    %swap3A_98 = vector.load %arg4[%swap3A_95, %swap3A_96, %swap3A_97] : memref<8x64x256xf32, #tpu.memory_space<vmem>>, vector<1x64x256xf32>
    %swap3A_99 = vector.shape_cast %swap3A_98 : vector<1x64x256xf32> to vector<64x256xf32>
    %swap3A_100 = vector.shape_cast %add3A_94 : vector<64x256xf32> to vector<1x64x256xf32>
    tpu.vector_store %arg4[%swap3A_95, %swap3A_96, %swap3A_97], %swap3A_100 {strides = array<i32>} : memref<8x64x256xf32, #tpu.memory_space<vmem>>, vector<1x64x256xf32>,
    %slice3A_101 = vector.extract_strided_slice %dot_general3A_5 {offsets = [0, 1792], sizes = [64, 256], strides = [1, 1]} : vector<64x2048xf32> to vector<64x256xf32>
    %get3A_102 = arith.constant 7 : index
    %get3A_103 = arith.constant 0 : index
    %get3A_104 = arith.constant 0 : index
    %get3A_105 = vector.load %arg3[%get3A_102, %get3A_103, %get3A_104] : memref<8x64x1xf32, #tpu.memory_space<vmem>>, vector<1x64x1xf32>
    %get3A_106 = vector.shape_cast %get3A_105 : vector<1x64x1xf32> to vector<64x1xf32>
    %add3A_107 = vector.broadcast %get3A_106 : vector<64x1xf32> to vector<64x256xf32>
    %add3A_108 = arith.addf %slice3A_101, %add3A_107 : vector<64x256xf32>
    %swap3A_109 = arith.constant 7 : index
    %swap3A_110 = arith.constant 0 : index
    %swap3A_111 = arith.constant 0 : index
    %swap3A_112 = vector.load %arg4[%swap3A_109, %swap3A_110, %swap3A_111] : memref<8x64x256xf32, #tpu.memory_space<vmem>>, vector<1x64x256xf32>
    %swap3A_113 = vector.shape_cast %swap3A_112 : vector<1x64x256xf32> to vector<64x256xf32>
    %swap3A_114 = vector.shape_cast %add3A_108 : vector<64x256xf32> to vector<1x64x256xf32>
    tpu.vector_store %arg4[%swap3A_109, %swap3A_110, %swap3A_111], %swap3A_114 {strides = array<i32>} : memref<8x64x256xf32, #tpu.memory_space<vmem>>, vector<1x64x256xf32>,
    return
  }
  func.func @transform_0(%arg0: i32) -> (i32, i32) {
    %c0_i32 = arith.constant 0 : i32
    %c0_i32_0 = arith.constant 0 : i32
    return %c0_i32, %arg0 : i32, i32
  }
  func.func @transform_1(%arg0: i32) -> (i32, i32) {
    %c0_i32 = arith.constant 0 : i32
    %c0_i32_0 = arith.constant 0 : i32
    %c0_i32_1 = arith.constant 0 : i32
    return %c0_i32, %c0_i32_0 : i32, i32
  }
  func.func @transform_2(%arg0: i32) -> (i32, i32, i32) {
    %c0_i32 = arith.constant 0 : i32
    %c0_i32_0 = arith.constant 0 : i32
    %c0_i32_1 = arith.constant 0 : i32
    return %arg0, %c0_i32, %c0_i32_0 : i32, i32, i32
  }
  func.func @transform_3(%arg0: i32) -> (i32, i32, i32) {
    %add3A = arith.constant 50 : i32
    %add3A_0 = arith.addi %add3A, %arg0 : i32
    %c0_i32 = arith.constant 0 : i32
    %c0_i32_1 = arith.constant 0 : i32
    %c0_i32_2 = arith.constant 0 : i32
    return %add3A_0, %c0_i32, %c0_i32_1 : i32, i32, i32
  }
}

module attributes {stable_mosaic.version = 14 : i64} {
  func.func @_unpack_body(%arg0: i32, %arg1: memref<2048x64xf32, #tpu.memory_space<vmem>>, %arg2: memref<8x64x1xf32, #tpu.memory_space<vmem>>, %arg3: memref<600x64x256xf32, #tpu.memory_space<any>>, %arg4: memref<8x64x256xf32, #tpu.memory_space<vmem>>) attributes {dimension_semantics = [#tpu.dimension_semantics<arbitrary>], iteration_bounds = array<i64: 50>, scalar_prefetch = 0 : i64, scratch_operands = 0 : i64, tpu.core_type = #tpu.core_type<tc>, window_params = [{transform_indices = @transform_0, window_bounds = array<i64: 2048, 64>}, {transform_indices = @transform_1, window_bounds = array<i64: 8, 64, 1>}, {}, {transform_indices = @transform_3, window_bounds = array<i64: 8, 64, 256>}]} {
    %get3A = arith.constant 0 : index
    %get3A_0 = arith.constant 0 : index
    %get3A_1 = vector.load %arg1[%get3A, %get3A_0] : memref<2048x64xf32, #tpu.memory_space<vmem>>, vector<256x64xf32>
    %transpose3A = tpu.transpose %get3A_1, [1, 0] : vector<256x64xf32> -> vector<64x256xf32>
    %get3A_2 = arith.constant 0 : index
    %get3A_3 = arith.constant 0 : index
    %get3A_4 = arith.constant 0 : index
    %get3A_5 = vector.load %arg2[%get3A_2, %get3A_3, %get3A_4] : memref<8x64x1xf32, #tpu.memory_space<vmem>>, vector<1x64x1xf32>
    %get3A_6 = vector.shape_cast %get3A_5 : vector<1x64x1xf32> to vector<64x1xf32>
    %add3A = vector.broadcast %get3A_6 : vector<64x1xf32> to vector<64x256xf32>
    %add3A_7 = arith.addf %transpose3A, %add3A : vector<64x256xf32>
    %swap3A = arith.constant 0 : index
    %swap3A_8 = arith.constant 0 : index
    %swap3A_9 = arith.constant 0 : index
    %swap3A_10 = vector.load %arg4[%swap3A, %swap3A_8, %swap3A_9] : memref<8x64x256xf32, #tpu.memory_space<vmem>>, vector<1x64x256xf32>
    %swap3A_11 = vector.shape_cast %swap3A_10 : vector<1x64x256xf32> to vector<64x256xf32>
    %swap3A_12 = vector.shape_cast %add3A_7 : vector<64x256xf32> to vector<1x64x256xf32>
    tpu.vector_store %arg4[%swap3A, %swap3A_8, %swap3A_9], %swap3A_12 {strides = array<i32>} : memref<8x64x256xf32, #tpu.memory_space<vmem>>, vector<1x64x256xf32>,
    %get3A_13 = arith.constant 256 : index
    %get3A_14 = arith.constant 0 : index
    %get3A_15 = vector.load %arg1[%get3A_13, %get3A_14] : memref<2048x64xf32, #tpu.memory_space<vmem>>, vector<256x64xf32>
    %transpose3A_16 = tpu.transpose %get3A_15, [1, 0] : vector<256x64xf32> -> vector<64x256xf32>
    %get3A_17 = arith.constant 1 : index
    %get3A_18 = arith.constant 0 : index
    %get3A_19 = arith.constant 0 : index
    %get3A_20 = vector.load %arg2[%get3A_17, %get3A_18, %get3A_19] : memref<8x64x1xf32, #tpu.memory_space<vmem>>, vector<1x64x1xf32>
    %get3A_21 = vector.shape_cast %get3A_20 : vector<1x64x1xf32> to vector<64x1xf32>
    %add3A_22 = vector.broadcast %get3A_21 : vector<64x1xf32> to vector<64x256xf32>
    %add3A_23 = arith.addf %transpose3A_16, %add3A_22 : vector<64x256xf32>
    %swap3A_24 = arith.constant 1 : index
    %swap3A_25 = arith.constant 0 : index
    %swap3A_26 = arith.constant 0 : index
    %swap3A_27 = vector.load %arg4[%swap3A_24, %swap3A_25, %swap3A_26] : memref<8x64x256xf32, #tpu.memory_space<vmem>>, vector<1x64x256xf32>
    %swap3A_28 = vector.shape_cast %swap3A_27 : vector<1x64x256xf32> to vector<64x256xf32>
    %swap3A_29 = vector.shape_cast %add3A_23 : vector<64x256xf32> to vector<1x64x256xf32>
    tpu.vector_store %arg4[%swap3A_24, %swap3A_25, %swap3A_26], %swap3A_29 {strides = array<i32>} : memref<8x64x256xf32, #tpu.memory_space<vmem>>, vector<1x64x256xf32>,
    %get3A_30 = arith.constant 512 : index
    %get3A_31 = arith.constant 0 : index
    %get3A_32 = vector.load %arg1[%get3A_30, %get3A_31] : memref<2048x64xf32, #tpu.memory_space<vmem>>, vector<256x64xf32>
    %transpose3A_33 = tpu.transpose %get3A_32, [1, 0] : vector<256x64xf32> -> vector<64x256xf32>
    %get3A_34 = arith.constant 2 : index
    %get3A_35 = arith.constant 0 : index
    %get3A_36 = arith.constant 0 : index
    %get3A_37 = vector.load %arg2[%get3A_34, %get3A_35, %get3A_36] : memref<8x64x1xf32, #tpu.memory_space<vmem>>, vector<1x64x1xf32>
    %get3A_38 = vector.shape_cast %get3A_37 : vector<1x64x1xf32> to vector<64x1xf32>
    %add3A_39 = vector.broadcast %get3A_38 : vector<64x1xf32> to vector<64x256xf32>
    %add3A_40 = arith.addf %transpose3A_33, %add3A_39 : vector<64x256xf32>
    %swap3A_41 = arith.constant 2 : index
    %swap3A_42 = arith.constant 0 : index
    %swap3A_43 = arith.constant 0 : index
    %swap3A_44 = vector.load %arg4[%swap3A_41, %swap3A_42, %swap3A_43] : memref<8x64x256xf32, #tpu.memory_space<vmem>>, vector<1x64x256xf32>
    %swap3A_45 = vector.shape_cast %swap3A_44 : vector<1x64x256xf32> to vector<64x256xf32>
    %swap3A_46 = vector.shape_cast %add3A_40 : vector<64x256xf32> to vector<1x64x256xf32>
    tpu.vector_store %arg4[%swap3A_41, %swap3A_42, %swap3A_43], %swap3A_46 {strides = array<i32>} : memref<8x64x256xf32, #tpu.memory_space<vmem>>, vector<1x64x256xf32>,
    %get3A_47 = arith.constant 768 : index
    %get3A_48 = arith.constant 0 : index
    %get3A_49 = vector.load %arg1[%get3A_47, %get3A_48] : memref<2048x64xf32, #tpu.memory_space<vmem>>, vector<256x64xf32>
    %transpose3A_50 = tpu.transpose %get3A_49, [1, 0] : vector<256x64xf32> -> vector<64x256xf32>
    %get3A_51 = arith.constant 3 : index
    %get3A_52 = arith.constant 0 : index
    %get3A_53 = arith.constant 0 : index
    %get3A_54 = vector.load %arg2[%get3A_51, %get3A_52, %get3A_53] : memref<8x64x1xf32, #tpu.memory_space<vmem>>, vector<1x64x1xf32>
    %get3A_55 = vector.shape_cast %get3A_54 : vector<1x64x1xf32> to vector<64x1xf32>
    %add3A_56 = vector.broadcast %get3A_55 : vector<64x1xf32> to vector<64x256xf32>
    %add3A_57 = arith.addf %transpose3A_50, %add3A_56 : vector<64x256xf32>
    %swap3A_58 = arith.constant 3 : index
    %swap3A_59 = arith.constant 0 : index
    %swap3A_60 = arith.constant 0 : index
    %swap3A_61 = vector.load %arg4[%swap3A_58, %swap3A_59, %swap3A_60] : memref<8x64x256xf32, #tpu.memory_space<vmem>>, vector<1x64x256xf32>
    %swap3A_62 = vector.shape_cast %swap3A_61 : vector<1x64x256xf32> to vector<64x256xf32>
    %swap3A_63 = vector.shape_cast %add3A_57 : vector<64x256xf32> to vector<1x64x256xf32>
    tpu.vector_store %arg4[%swap3A_58, %swap3A_59, %swap3A_60], %swap3A_63 {strides = array<i32>} : memref<8x64x256xf32, #tpu.memory_space<vmem>>, vector<1x64x256xf32>,
    %get3A_64 = arith.constant 1024 : index
    %get3A_65 = arith.constant 0 : index
    %get3A_66 = vector.load %arg1[%get3A_64, %get3A_65] : memref<2048x64xf32, #tpu.memory_space<vmem>>, vector<256x64xf32>
    %transpose3A_67 = tpu.transpose %get3A_66, [1, 0] : vector<256x64xf32> -> vector<64x256xf32>
    %get3A_68 = arith.constant 4 : index
    %get3A_69 = arith.constant 0 : index
    %get3A_70 = arith.constant 0 : index
    %get3A_71 = vector.load %arg2[%get3A_68, %get3A_69, %get3A_70] : memref<8x64x1xf32, #tpu.memory_space<vmem>>, vector<1x64x1xf32>
    %get3A_72 = vector.shape_cast %get3A_71 : vector<1x64x1xf32> to vector<64x1xf32>
    %add3A_73 = vector.broadcast %get3A_72 : vector<64x1xf32> to vector<64x256xf32>
    %add3A_74 = arith.addf %transpose3A_67, %add3A_73 : vector<64x256xf32>
    %swap3A_75 = arith.constant 4 : index
    %swap3A_76 = arith.constant 0 : index
    %swap3A_77 = arith.constant 0 : index
    %swap3A_78 = vector.load %arg4[%swap3A_75, %swap3A_76, %swap3A_77] : memref<8x64x256xf32, #tpu.memory_space<vmem>>, vector<1x64x256xf32>
    %swap3A_79 = vector.shape_cast %swap3A_78 : vector<1x64x256xf32> to vector<64x256xf32>
    %swap3A_80 = vector.shape_cast %add3A_74 : vector<64x256xf32> to vector<1x64x256xf32>
    tpu.vector_store %arg4[%swap3A_75, %swap3A_76, %swap3A_77], %swap3A_80 {strides = array<i32>} : memref<8x64x256xf32, #tpu.memory_space<vmem>>, vector<1x64x256xf32>,
    %get3A_81 = arith.constant 1280 : index
    %get3A_82 = arith.constant 0 : index
    %get3A_83 = vector.load %arg1[%get3A_81, %get3A_82] : memref<2048x64xf32, #tpu.memory_space<vmem>>, vector<256x64xf32>
    %transpose3A_84 = tpu.transpose %get3A_83, [1, 0] : vector<256x64xf32> -> vector<64x256xf32>
    %get3A_85 = arith.constant 5 : index
    %get3A_86 = arith.constant 0 : index
    %get3A_87 = arith.constant 0 : index
    %get3A_88 = vector.load %arg2[%get3A_85, %get3A_86, %get3A_87] : memref<8x64x1xf32, #tpu.memory_space<vmem>>, vector<1x64x1xf32>
    %get3A_89 = vector.shape_cast %get3A_88 : vector<1x64x1xf32> to vector<64x1xf32>
    %add3A_90 = vector.broadcast %get3A_89 : vector<64x1xf32> to vector<64x256xf32>
    %add3A_91 = arith.addf %transpose3A_84, %add3A_90 : vector<64x256xf32>
    %swap3A_92 = arith.constant 5 : index
    %swap3A_93 = arith.constant 0 : index
    %swap3A_94 = arith.constant 0 : index
    %swap3A_95 = vector.load %arg4[%swap3A_92, %swap3A_93, %swap3A_94] : memref<8x64x256xf32, #tpu.memory_space<vmem>>, vector<1x64x256xf32>
    %swap3A_96 = vector.shape_cast %swap3A_95 : vector<1x64x256xf32> to vector<64x256xf32>
    %swap3A_97 = vector.shape_cast %add3A_91 : vector<64x256xf32> to vector<1x64x256xf32>
    tpu.vector_store %arg4[%swap3A_92, %swap3A_93, %swap3A_94], %swap3A_97 {strides = array<i32>} : memref<8x64x256xf32, #tpu.memory_space<vmem>>, vector<1x64x256xf32>,
    %get3A_98 = arith.constant 1536 : index
    %get3A_99 = arith.constant 0 : index
    %get3A_100 = vector.load %arg1[%get3A_98, %get3A_99] : memref<2048x64xf32, #tpu.memory_space<vmem>>, vector<256x64xf32>
    %transpose3A_101 = tpu.transpose %get3A_100, [1, 0] : vector<256x64xf32> -> vector<64x256xf32>
    %get3A_102 = arith.constant 6 : index
    %get3A_103 = arith.constant 0 : index
    %get3A_104 = arith.constant 0 : index
    %get3A_105 = vector.load %arg2[%get3A_102, %get3A_103, %get3A_104] : memref<8x64x1xf32, #tpu.memory_space<vmem>>, vector<1x64x1xf32>
    %get3A_106 = vector.shape_cast %get3A_105 : vector<1x64x1xf32> to vector<64x1xf32>
    %add3A_107 = vector.broadcast %get3A_106 : vector<64x1xf32> to vector<64x256xf32>
    %add3A_108 = arith.addf %transpose3A_101, %add3A_107 : vector<64x256xf32>
    %swap3A_109 = arith.constant 6 : index
    %swap3A_110 = arith.constant 0 : index
    %swap3A_111 = arith.constant 0 : index
    %swap3A_112 = vector.load %arg4[%swap3A_109, %swap3A_110, %swap3A_111] : memref<8x64x256xf32, #tpu.memory_space<vmem>>, vector<1x64x256xf32>
    %swap3A_113 = vector.shape_cast %swap3A_112 : vector<1x64x256xf32> to vector<64x256xf32>
    %swap3A_114 = vector.shape_cast %add3A_108 : vector<64x256xf32> to vector<1x64x256xf32>
    tpu.vector_store %arg4[%swap3A_109, %swap3A_110, %swap3A_111], %swap3A_114 {strides = array<i32>} : memref<8x64x256xf32, #tpu.memory_space<vmem>>, vector<1x64x256xf32>,
    %get3A_115 = arith.constant 1792 : index
    %get3A_116 = arith.constant 0 : index
    %get3A_117 = vector.load %arg1[%get3A_115, %get3A_116] : memref<2048x64xf32, #tpu.memory_space<vmem>>, vector<256x64xf32>
    %transpose3A_118 = tpu.transpose %get3A_117, [1, 0] : vector<256x64xf32> -> vector<64x256xf32>
    %get3A_119 = arith.constant 7 : index
    %get3A_120 = arith.constant 0 : index
    %get3A_121 = arith.constant 0 : index
    %get3A_122 = vector.load %arg2[%get3A_119, %get3A_120, %get3A_121] : memref<8x64x1xf32, #tpu.memory_space<vmem>>, vector<1x64x1xf32>
    %get3A_123 = vector.shape_cast %get3A_122 : vector<1x64x1xf32> to vector<64x1xf32>
    %add3A_124 = vector.broadcast %get3A_123 : vector<64x1xf32> to vector<64x256xf32>
    %add3A_125 = arith.addf %transpose3A_118, %add3A_124 : vector<64x256xf32>
    %swap3A_126 = arith.constant 7 : index
    %swap3A_127 = arith.constant 0 : index
    %swap3A_128 = arith.constant 0 : index
    %swap3A_129 = vector.load %arg4[%swap3A_126, %swap3A_127, %swap3A_128] : memref<8x64x256xf32, #tpu.memory_space<vmem>>, vector<1x64x256xf32>
    %swap3A_130 = vector.shape_cast %swap3A_129 : vector<1x64x256xf32> to vector<64x256xf32>
    %swap3A_131 = vector.shape_cast %add3A_125 : vector<64x256xf32> to vector<1x64x256xf32>
    tpu.vector_store %arg4[%swap3A_126, %swap3A_127, %swap3A_128], %swap3A_131 {strides = array<i32>} : memref<8x64x256xf32, #tpu.memory_space<vmem>>, vector<1x64x256xf32>,
    return
  }
  func.func @transform_0(%arg0: i32) -> (i32, i32) {
    %c0_i32 = arith.constant 0 : i32
    %c0_i32_0 = arith.constant 0 : i32
    return %arg0, %c0_i32 : i32, i32
  }
  func.func @transform_1(%arg0: i32) -> (i32, i32, i32) {
    %jit3A = arith.constant 25 : i32
    %eq3A = arith.constant 0 : i32
    %eq3A_0 = arith.cmpi eq, %jit3A, %eq3A : i32
    %jit3A_1 = arith.constant 1 : i32
    %select_n3A = arith.select %eq3A_0, %jit3A_1, %jit3A : i32
    %rem3A = arith.remsi %arg0, %select_n3A : i32
    %ne3A = arith.constant 0 : i32
    %ne3A_2 = arith.cmpi ne, %rem3A, %ne3A : i32
    %lt3A = arith.constant 0 : i32
    %lt3A_3 = arith.cmpi slt, %rem3A, %lt3A : i32
    %lt3A_4 = arith.constant 0 : i32
    %lt3A_5 = arith.cmpi slt, %select_n3A, %lt3A_4 : i32
    %ne3A_6 = arith.xori %lt3A_3, %lt3A_5 : i1
    %and3A = arith.andi %ne3A_6, %ne3A_2 : i1
    %add3A = arith.addi %rem3A, %select_n3A : i32
    %select_n3A_7 = arith.select %and3A, %add3A, %rem3A : i32
    %c0_i32 = arith.constant 0 : i32
    %c0_i32_8 = arith.constant 0 : i32
    %c0_i32_9 = arith.constant 0 : i32
    return %select_n3A_7, %c0_i32, %c0_i32_8 : i32, i32, i32
  }
  func.func @transform_3(%arg0: i32) -> (i32, i32, i32) {
    %c0_i32 = arith.constant 0 : i32
    %c0_i32_0 = arith.constant 0 : i32
    %c0_i32_1 = arith.constant 0 : i32
    return %arg0, %c0_i32, %c0_i32_0 : i32, i32, i32
  }
}

</mosaic_0001>

<sc_bundles>
// kernel: kernel.5.cloned.1.call-start
scs
__scs_entry_jumppad:
0x0: {  	(pc) =	sbr.rel $0x88, $3  }
0x1: {  	(tag) =	ssettag $0x0;
	lr =	simm.s32 $0x1  }
0x2: {  	[smem:$0x3F9B] =	sst lr;
	_ =	strace $0xD0000000  }
0x3: {  	_ = 	snop  }
0x4: {  	_ = 	snop  }
0x5: {  	_ = 	snop  }
0x6: {  	_ = 	snop  }
0x7: {  	_ = 	snop  }
__scs_overlays_trampoline_lowered:
0x8: {  	[smem:$0x3FAA] =	sst s0  }
0x9: {  	[smem:$0x3FAB] =	sst s1  }
0xa: {  	[smem:$0x3FAC] =	sst s2  }
0xb: {  	[smem:$0x3FAD] =	sst s3  }
0xc: {  	[smem:$0x3FAE] =	sst s4  }
0xd: {  	[smem:$0x3FAF] =	sst s5  }
0xe: {  	[smem:$0x3FB0] =	sst s6  }
0xf: {  	[smem:$0x3FB1] =	sst s7  }
0x10: {  	[smem:$0x3FB2] =	sst s8  }
0x11: {  	[smem:$0x3FB3] =	sst s9;
	s0 =	simm.s32 @!p0 $0x0  }
0x12: {  	s1 =	sld [smem:$0x3F99];
	s0 =	simm.s32 @p0 $0x1  }
0x13: {  	[smem:$0x3FB4] =	sst s0;
	s0 =	simm.s32 @!p1 $0x0  }
0x14: {  	s2 =	sld [smem:$0x3F98];
	s0 =	simm.s32 @p1 $0x1  }
0x15: {  	[smem:$0x3FB5] =	sst s0;
	s0 =	simm.s32 @!p2 $0x0  }
0x16: {  	s3 =	sld [smem:$0x3FDB];
	s0 =	simm.s32 @p2 $0x1  }
0x17: {  	s4 =	simm.s32 $0x1BF5;
	[smem:$0x3FB7] =	sst s0  }
0x18: {  	s0 =	sld [smem:$0x3F9A];
	_ =	swait.ge [sflag:s4], $0x0  }
0x19: {  	s7 =	sld [smem:$0x3F9B]  }
0x1a: {  	s8 =	sadd.s32 $0xFFFFE003, lr  }
0x1b: {  	s9 =	sadd.s32 $0xFFFFFEF7, lr;
	s5 =	simm.s32 $0xFFFFFFFF;
	p2 =	slt.u32 s8, $0xFFFFF086  }
0x1c: {  	p1 =	slt.u32 s9, $0xF7A;
	s5 =	simm.s32 @!p2 $0x0  }
0x1d: {  	s5 =	simm.s32 @p1 $0x1;
	p0 =	seq.s32 s7, s2  }
0x1e: {  	s7 =	smul.u32 @!p0 $0xF7A, s2;
	p2 =	seq.s32 @!p0 s5, $0x0  }
0x1f: {  	s9 =	smul.u32 $0xF7A, s1;
	s8 =	simm.s32 @!p0 $0x1BF5;
	p2 =	por !p2, p0  }
0x20: {  	[sflag:s8] =	ssyncset.s32 @!p0 $0xFFFFF086;
	s6 =	sadd.s32 @!p0 s3, s7;
	s7 =	simm.s32 @!p0 $0x108  }
0x21: {  	s3 =	sadd.s32 s3, s9;
	s6 =	sadd.s32 @!p0 $0x88, s6;
	s7 =	simm.s32 @p2 $0x1082  }
0x22: {  	[simem:s7], [sflag:s8] =	dma.local @!p0 [hbm:s6], $0xF7A  }
0x23: {  	s9 =	sor.u32 $0xD0000000, s2;
	s6 =	simm.s32 $0x108;
	_ =	swait.ge @!p0 [sflag:s8], $0x0  }
0x24: {  	s3 =	sadd.s32 $0x88, s3;
	s6 =	simm.s32 @!p1 $0x1082;
	[sflag:s4] =	ssyncset.s32 $0xFFFFF086  }
0x25: {  	[simem:s6], [sflag:s4] =	dma.local [hbm:s3], $0xF7A  }
0x26: {  	[smem:$0x3F9B] =	sst s1;
	(tag) =	ssettag s2;
	_ =	strace s9  }
0x27: {  	s1 =	sld [smem:$0x3FAB]  }
0x28: {  	s2 =	sld [smem:$0x3FAC]  }
0x29: {  	s4 =	sld [smem:$0x3FAE]  }
0x2a: {  	p0 =	seq.s32 s5, $0x0;
	s5 =	sld [smem:$0x3FAF]  }
0x2b: {  	s6 =	sld [smem:$0x3FB0]  }
0x2c: {  	s7 =	sld [smem:$0x3FB1]  }
0x2d: {  	s3 =	simm.s32 $0x108;
	s8 =	sld [smem:$0x3FB2]  }
0x2e: {  	s3 =	simm.s32 @!p0 $0x1082;
	s9 =	sld [smem:$0x3FB3]  }
0x2f: {  	lr =	sadd.s32 s0, s3;
	s0 =	sld [smem:$0x3FAA]  }
0x30: {  	s3 =	sld [smem:$0x3FAD]  }
0x31: {  	[smem:$0x3FB6] =	sst s10  }
0x32: {  	s10 =	sld [smem:$0x3FB4];
	_ =	sdelay $0x3  }
0x33: {  	p0 =	seq.s32 s10, $0x1;
	s10 =	sld [smem:$0x3FB6];
	_ =	sdelay $0x3  }
0x34: {  	[smem:$0x3FB6] =	sst s10  }
0x35: {  	s10 =	sld [smem:$0x3FB5];
	_ =	sdelay $0x3  }
0x36: {  	p1 =	seq.s32 s10, $0x1;
	s10 =	sld [smem:$0x3FB6];
	_ =	sdelay $0x3  }
0x37: {  	[smem:$0x3FB6] =	sst s10  }
0x38: {  	s10 =	sld [smem:$0x3FB7]  }
0x39: {  	_ = 	snop;
	(pc) =	sbr.ind lr, $3  }
0x3a: {  	_ = 	snop  }
0x3b: {  	_ = 	snop  }
0x3c: {  	p2 =	seq.s32 s10, $0x1;
	s10 =	sld [smem:$0x3FB6]  }
0x3d: {  	_ =	shalt  }
0x3e: {  	_ =	shalt  }
0x3f: {  	_ =	shalt  }
0x40: {  	_ =	shalt  }
0x41: {  	_ =	shalt  }
0x42: {  	_ =	shalt  }
0x43: {  	_ =	shalt  }
0x44: {  	_ =	shalt  }
0x45: {  	_ =	shalt  }
0x46: {  	_ =	shalt  }
0x47: {  	_ =	shalt  }
0x48: {  	_ =	shalt  }
0x49: {  	_ =	shalt  }
0x4a: {  	_ =	shalt  }
0x4b: {  	_ =	shalt  }
0x4c: {  	_ =	shalt  }
0x4d: {  	_ =	shalt  }
0x4e: {  	_ =	shalt  }
0x4f: {  	_ =	shalt  }
0x50: {  	_ =	shalt  }
0x51: {  	_ =	shalt  }
0x52: {  	_ =	shalt  }
0x53: {  	_ =	shalt  }
0x54: {  	_ =	shalt  }
0x55: {  	_ =	shalt  }
0x56: {  	_ =	shalt  }
0x57: {  	_ =	shalt  }
0x58: {  	_ =	shalt  }
0x59: {  	_ =	shalt  }
0x5a: {  	_ =	shalt  }
0x5b: {  	_ =	shalt  }
0x5c: {  	_ =	shalt  }
0x5d: {  	_ =	shalt  }
0x5e: {  	_ =	shalt  }
0x5f: {  	_ =	shalt  }
0x60: {  	_ =	shalt  }
0x61: {  	_ =	shalt  }
0x62: {  	_ =	shalt  }
0x63: {  	_ =	shalt  }
0x64: {  	_ =	shalt  }
0x65: {  	_ =	shalt  }
0x66: {  	_ =	shalt  }
0x67: {  	_ =	shalt  }
0x68: {  	_ =	shalt  }
0x69: {  	_ =	shalt  }
0x6a: {  	_ =	shalt  }
0x6b: {  	_ =	shalt  }
0x6c: {  	_ =	shalt  }
0x6d: {  	_ =	shalt  }
0x6e: {  	_ =	shalt  }
0x6f: {  	_ =	shalt  }
0x70: {  	_ =	shalt  }
0x71: {  	_ =	shalt  }
0x72: {  	_ =	shalt  }
0x73: {  	_ =	shalt  }
0x74: {  	_ =	shalt  }
0x75: {  	_ =	shalt  }
0x76: {  	_ =	shalt  }
0x77: {  	_ =	shalt  }
0x78: {  	_ =	shalt  }
0x79: {  	_ =	shalt  }
0x7a: {  	_ =	shalt  }
0x7b: {  	_ =	shalt  }
0x7c: {  	_ =	shalt  }
0x7d: {  	_ =	shalt  }
0x7e: {  	_ =	shalt  }
0x7f: {  	_ =	shalt  }
0x80: {  	_ =	shalt  }
0x81: {  	_ =	shalt  }
0x82: {  	_ =	shalt  }
0x83: {  	_ =	shalt  }
0x84: {  	_ =	shalt  }
0x85: {  	_ =	shalt  }
0x86: {  	_ =	shalt  }
0x87: {  	_ =	shalt  }
.Lfunc_end0:
.L_simem_size_0:
called_computation_lowered:
.L_overlay_start_0:
0x88: {  	s2 =	sld [smem:$0x3FD9]  }
0x89: {  	s3 =	sld [smem:$0x3FFE];
	_ =	sdelay $0x1  }
0x8a: {  	s1 =	srdreg.scid  }
0x8b: {  	s0 =	sand.u32 $0x1, s1  }
0x8c: {  	s16 =	sshll.u32 s0, $0xA;
	s2 =	sadd.s32 s3, s2  }
0x8d: {  	s2 =	sadd.s32 s2, s16  }
0x8e: {  	[smem:$0x3FC2] =	sst s2  }
0x8f: {  	_ = 	snop  }
0x90: {  	(tm) =	ssettm $0x1  }
0x91: {  	s17 =	sld [smem:$0x3FFB];
	_ =	sdelay $0x3  }
0x92: {  	_ =	strace s17  }
0x93: {  	s2 =	sld [smem:$0x3FFC];
	_ =	sdelay $0x3  }
0x94: {  	_ =	strace s2  }
0x95: {  	s2 =	sld [smem:$0x3FFD];
	_ =	sdelay $0x3  }
0x96: {  	_ =	strace s2  }
0x97: {  	_ =	strace $0x8FFFFFFF  }
0x98: {  	s18 =	sld [smem:$0x3FDB];
	_ =	sdelay $0x1  }
0x99: {  	s19 =	simm.s32 $_scs_section_size  }
0x9a: {  	s4 =	simm.s32 $_size__tile_overlayer_lowered;
	s5 =	simm.s32 $_tile_overlayer_lowered  }
0x9b: {  	s22 =	simm.s32 $0x1BFF;
	s21 =	sshll.u32 s5, $0x1;
	s2 =	sadd.s32 s19, s18  }
0x9c: {  	s6 =	simm.s32 $0x0;
	s20 =	sshll.u32 s4, $0x1;
	s4 =	sadd.s32 s21, s2  }
0x9d: {  	[timem:s6], [sflag:s22] =	dma.local [hbm:s4], s20  }
0x9e: {  	_ =	swait.ge [sflag:s22], s20  }
0x9f: {  	s3 =	ssub.s32 $0x0, s20;
	[sflag:s22] =	ssyncset.done $0x0  }
0xa0: {  	[sflag:s22] =	ssyncadd.s32 s3;
	_ =	sdelay $0x1  }
0xa1: {  	s23 =	simm.s32 $0x1B8B  }
0xa2: {  	_ =	swait.ge [sflag:s23], $0x1  }
0xa3: {  	[sflag:s23] =	ssyncset.done $0x0  }
0xa4: {  	s25 =	simm.s32 $0x1B8E;
	s24 =	sld [smem:$0x3FFE];
	[sflag:s23] =	ssyncadd.s32 $0xFFFFFFFF  }
0xa5: {  	s26 =	simm.s32 $execute0_lowered;
	[smem:$0x3FD2] =	sst s25  }
0xa6: {  	s4 =	sshll.u32 s26, $0x1;
	_ =	strace $0x80000046;
	[dreg:$0x1] =	wrdreg $0xFFFFFFFF  }
0xa7: {  	s28 =	simm.s32 $_size_execute0_lowered;
	s2 =	sadd.s32 s2, s4;
	[dreg:$0x0] =	wrdreg $0x0  }
0xa8: {  	s4 =	sshll.u32 s28, $0x1;
	[dreg:$0x2] =	wrdreg s2  }
0xa9: {  	[dreg:$0x3] =	wrdreg s4  }
0xaa: {  	[dreg:$0x4] =	wrdreg $0xC0  }
0xab: {  	_ =	task [dreg:s6], $0x5FFFF  }
0xac: {  	[dreg:$0x1] =	wrdreg $0xFFFFFFFF  }
0xad: {  	[dreg:$0x0] =	wrdreg $0x60  }
0xae: {  	[dreg:$0x2] =	wrdreg s24  }
0xaf: {  	[dreg:$0x3] =	wrdreg $0x9  }
0xb0: {  	_ =	task.clear_ibuf [dreg:s6], $0x4FFFF;
	_ =	strace $0x90000046  }
0xb1: {  	s29 =	simm.s32 $0x9;
	_ =	strace $0x80000048  }
0xb2: {  	_ =	swait.ge [sflag:s29], $0x1  }
0xb3: {  	[sflag:s29] =	ssyncadd.s32 $0xFFFFFFFF  }
0xb4: {  	_ =	strace $0x90000048  }
0xb5: {  	_ =	sfence  }
0xb6: {  	s30 =	sld [smem:$0x0];
	_ =	sdelay $0x2  }
0xb7: {  	s31 =	sshll.u32 s1, $0xD;
	s1 =	sshrl.u32 s1, $0x2  }
0xb8: {  	s3 =	sand.u32 $0x4000, s31;
	s1 =	sadd.s32 s1, s30  }
0xb9: {  	s0 =	sor.u32 s3, s0;
	s1 =	sshll.u32 s1, $0x11  }
0xba: {  	s0 =	sor.u32 s1, s0  }
0xbb: {  	s0 =	sadd.s32 $0x8F2B, s0  }
0xbc: {  	[sflag:s0] =	ssyncadd.remote.s32 $0x1  }
0xbd: {  	_ =	sfence.sel $0xFFFF  }
0xbe: {  	[dreg:$0x0] =	wrdreg $0xFFFFFFFF;
	(pc) =	sbr.abs _section_cstart, $3  }
0xbf: {  	[dreg:$0x1] =	wrdreg $0xFFFFFFFF  }
0xc0: {  	_ =	task.clear_ibuf [dreg:s6], $0x2FFFF;
	_ =	strace $0x9FFFFFFF  }
0xc1: {  	(tm) =	ssettm $0x7FFFFFFF  }
tec
execute0_lowered:
.L_overlay_start_1:
0x0: {  	(tag) =	ssettag $0x1  }
0x1: {  	s0 =	srdreg.scid  }
0x2: {  	s24 =	stileid.u32;
	s3 =	rddreg [dreg:$0x0]  }
0x3: {  	s25 =	rddreg [dreg:$0x1];
	s4 =	simm.s32 $0x0;
	p1 =	por $0x0, $0x0  }
0x4: {  	s7 =	sand.u32 $0x1, s0;
	s28 =	sshll.u32 s24, $0x1;
	[smem:$0x7FF] =	sst s4  }
0x5: {  	s0 =	sadd.s32 $0xE00, s3;
	s1 =	sadd.s32 $0x2800, s3;
	s2 =	sadd.s32 $0x18CC00, s3  }
0x6: {  	s11 =	sadd.s32 $0x6A200, s3;
	p0 =	sgt.u32 s24, $0x3;
	s5 =	sor.u32 s7, s28  }
0x7: {  	_ =	strace $0x80000047;
	s7 =	ssub.s32 $0x2, s7;
	s6 =	sshll.u32 s5, $0x5  }
0x8: {  	s30 =	sshll.u32 s5, $0xB;
	s10 =	sor.u32 $0x20, s5;
	s8 =	sadd.s32 s0, s6  }
0x9: {  	s29 =	sadd.s32 s1, s6;
	s6 =	sadd.s32 $0x6200, s3;
	[dreg:$0x2] =	wrdreg s8  }
0xa: {  	s17 =	sor.u32 $0x40, s5;
	[dreg:$0x3] =	wrdreg s29;
	s9 =	sadd.s32 s6, s30  }
0xb: {  	s12 =	sshll.u32 s10, $0x5;
	s8 =	sadd.s32 s30, s11;
	[dreg:$0x4] =	wrdreg s9  }
0xc: {  	s26 =	sor.u32 $0x60, s5;
	s13 =	sadd.s32 s0, s12;
	[dreg:$0x5] =	wrdreg s8  }
0xd: {  	s15 =	sshll.u32 s10, $0xB;
	s14 =	sadd.s32 s1, s12;
	[dreg:$0x6] =	wrdreg s13  }
0xe: {  	s3 =	sadd.s32 $0x4200, s3;
	s16 =	sadd.s32 s6, s15;
	[dreg:$0x7] =	wrdreg s14  }
0xf: {  	s19 =	sshll.u32 s17, $0x5;
	s18 =	sadd.s32 s15, s11;
	[dreg:$0x8] =	wrdreg s16  }
0x10: {  	s22 =	sshll.u32 s17, $0xB;
	s20 =	sadd.s32 s0, s19;
	[dreg:$0x9] =	wrdreg s18  }
0x11: {  	s21 =	sadd.s32 s1, s19;
	s23 =	sadd.s32 s6, s22;
	[dreg:$0xa] =	wrdreg s20  }
0x12: {  	s28 =	sadd.s32 s22, s11;
	s29 =	sshll.u32 s26, $0x5;
	[dreg:$0xb] =	wrdreg s21  }
0x13: {  	s12 =	sshrl.u32 s7, $0x1;
	s15 =	sor.u32 $0x80, s5;
	[dreg:$0xc] =	wrdreg s23  }
0x14: {  	s22 =	sor.u32 $0xA0, s5;
	s5 =	sor.u32 $0xC0, s5;
	[dreg:$0xd] =	wrdreg s28  }
0x15: {  	s30 =	sadd.s32 s0, s29;
	s9 =	sadd.s32 s1, s29;
	s13 =	sshll.u32 s26, $0xB  }
0x16: {  	s17 =	sshll.u32 s15, $0x5;
	s12 =	ssub.s32 s7, s12;
	s20 =	sshll.u32 s15, $0xB  }
0x17: {  	s23 =	sshll.u32 s22, $0x5;
	s26 =	sshll.u32 s22, $0xB;
	s31 =	rddreg [dreg:$0x2]  }
0x18: {  	s28 =	sshll.u32 s5, $0x5;
	s29 =	sshll.u32 s5, $0xB;
	[dreg:$0xe] =	wrdreg s30  }
0x19: {  	s22 =	simm.s32 $0x6200;
	[dreg:$0xf] =	wrdreg s9;
	s14 =	sadd.s32 s6, s13  }
0x1a: {  	s16 =	sadd.s32 s13, s11;
	s18 =	sadd.s32 s0, s17;
	s19 =	sadd.s32 s1, s17  }
0x1b: {  	s21 =	sadd.s32 s6, s20;
	s17 =	sadd.s32 s20, s11;
	s15 =	sadd.s32 s0, s23  }
0x1c: {  	s10 =	sadd.s32 s6, s26;
	s9 =	sadd.s32 s26, s11;
	s30 =	smax.u32 s12, $0x1  }
0x1d: {  	s8 =	sadd.s32 s0, s28;
	s7 =	sadd.s32 s1, s28;
	s0 =	sadd.s32 $0xFFFFFFFF, s30  }
0x1e: {  	s6 =	sadd.s32 s6, s29;
	[dreg:$0x10] =	wrdreg s14;
	p2 =	sne.s32 s0, $0x0  }
.Ltmp0:
0x1f: {  	s5 =	sadd.s32 s29, s11;
	[dreg:$0x11] =	wrdreg s16;
	(pc) =	sbr.rel @!p2 .LBB2_1-.Ltmp0, $4  }
0x20: {  	s11 =	simm.s32 $0x2;
	s13 =	simm.s32 $0x200;
	[dreg:$0x12] =	wrdreg s18  }
0x21: {  	s12 =	simm.s32 $0x4200;
	s20 =	simm.s32 $0x2200;
	[dreg:$0x13] =	wrdreg s19  }
0x22: {  	[dreg:$0x14] =	wrdreg s21;
	s14 =	sadd.s32 s1, s23;
	s19 =	simm.s32 $0x100  }
0x23: {  	s18 =	simm.s32 $0x80;
	s21 =	simm.s32 $0x180;
	s16 =	simm.s32 $0x1  }
0x24: {  	[tilespmem:s4], [sflag:$0x2] =	stream.linear.gather [hbm4b:s31+s4], $0x100, $0x38;
	[tilespmem:$0x8200] =	vst v63  }
0x25: {  	_ =	swait.ge [sflag:s11], $0x100  }
0x26: {  	[dreg:$0x15] =	wrdreg s0;
	[sflag:s11] =	ssyncset.done $0x0  }
0x27: {  	s24 =	rddreg [dreg:$0x3];
	[sflag:s11] =	ssyncadd.s32 $0xFFFFFF00  }
0x28: {  	[tilespmem:s19], [sflag:$0x2] =	stream.linear.gather [hbm4b:s24+s4], $0x100, $0x38;
	[tilespmem:$0x8200] =	vst v63  }
0x29: {  	_ =	swait.ge [sflag:s11], $0x100  }
0x2a: {  	[sflag:s11] =	ssyncset.done $0x0  }
0x2b: {  	[sflag:s11] =	ssyncadd.s32 $0xFFFFFF00  }
0x2c: {  	[tilespmem:s13], [sflag:$0x1] =	stream.indirect.gather [hbm4b:s2+s18], $0x40, s4, s18, $0xb8;
	[tilespmem:$0x8200] =	vst v63  }
0x2d: {  	_ = 	snop  }
0x2e: {  	[tilespmem:s12], [sflag:$0x1] =	stream.indirect.gather [hbm4b:s3+s18], $0x40, s19, s18, $0xb8;
	[tilespmem:$0x8200] =	vst v63  }
0x2f: {  	_ = 	snop  }
0x30: {  	[tilespmem:s20], [sflag:$0x1] =	stream.indirect.gather [hbm4b:s2+s18], $0x40, s18, s18, $0xb8;
	[tilespmem:$0x8200] =	vst v63  }
0x31: {  	_ = 	snop  }
0x32: {  	[tilespmem:s22], [sflag:$0x1] =	stream.indirect.gather [hbm4b:s3+s18], $0x40, s21, s18, $0xb8;
	[tilespmem:$0x8200] =	vst v63  }
0x33: {  	_ =	swait.ge [sflag:s16], $0x2000  }
0x34: {  	[sflag:s16] =	ssyncset.done $0x0  }
0x35: {  	[sflag:s16] =	ssyncadd.s32 $0xFFFFE000  }
0x36: {  	_ =	swait.ge [sflag:s16], $0x2000  }
0x37: {  	[sflag:s16] =	ssyncset.done $0x0  }
0x38: {  	[sflag:s16] =	ssyncadd.s32 $0xFFFFE000  }
0x39: {  	_ =	swait.ge [sflag:s16], $0x2000  }
0x3a: {  	[sflag:s16] =	ssyncset.done $0x0  }
0x3b: {  	[sflag:s16] =	ssyncadd.s32 $0xFFFFE000  }
0x3c: {  	_ =	swait.ge [sflag:s16], $0x2000  }
0x3d: {  	[sflag:s16] =	ssyncset.done $0x0  }
0x3e: {  	s25 =	rddreg [dreg:$0x4];
	[sflag:s16] =	ssyncadd.s32 $0xFFFFE000  }
0x3f: {  	[hbm4b:s25+s4] =	stream.linear.scatter [tilespmem:s13], [sflag:$0x2], $0x4000, $0x38;
	[tilespmem:$0x8200] =	vst v63  }
0x40: {  	_ =	swait.ge [sflag:s11], $0x4000  }
0x41: {  	[sflag:s11] =	ssyncset.done $0x0  }
0x42: {  	s26 =	rddreg [dreg:$0x5];
	[sflag:s11] =	ssyncadd.s32 $0xFFFFC000  }
0x43: {  	[hbm4b:s26+s4] =	stream.linear.scatter [tilespmem:s12], [sflag:$0x2], $0x4000, $0x38;
	[tilespmem:$0x8200] =	vst v63  }
0x44: {  	_ =	swait.ge [sflag:s11], $0x4000  }
0x45: {  	[sflag:s11] =	ssyncset.done $0x0  }
0x46: {  	s1 =	rddreg [dreg:$0x6];
	[sflag:s11] =	ssyncadd.s32 $0xFFFFC000  }
0x47: {  	[tilespmem:s4], [sflag:$0x2] =	stream.linear.gather [hbm4b:s1+s4], $0x100, $0x38;
	[tilespmem:$0x8200] =	vst v63  }
0x48: {  	_ =	swait.ge [sflag:s11], $0x100  }
0x49: {  	[sflag:s11] =	ssyncset.done $0x0  }
0x4a: {  	s23 =	rddreg [dreg:$0x7];
	[sflag:s11] =	ssyncadd.s32 $0xFFFFFF00  }
0x4b: {  	[tilespmem:s19], [sflag:$0x2] =	stream.linear.gather [hbm4b:s23+s4], $0x100, $0x38;
	[tilespmem:$0x8200] =	vst v63  }
0x4c: {  	_ =	swait.ge [sflag:s11], $0x100  }
0x4d: {  	[sflag:s11] =	ssyncset.done $0x0  }
0x4e: {  	[sflag:s11] =	ssyncadd.s32 $0xFFFFFF00  }
0x4f: {  	[tilespmem:s13], [sflag:$0x1] =	stream.indirect.gather [hbm4b:s2+s18], $0x40, s4, s18, $0xb8;
	[tilespmem:$0x8200] =	vst v63  }
0x50: {  	_ = 	snop  }
0x51: {  	[tilespmem:s12], [sflag:$0x1] =	stream.indirect.gather [hbm4b:s3+s18], $0x40, s19, s18, $0xb8;
	[tilespmem:$0x8200] =	vst v63  }
0x52: {  	_ = 	snop  }
0x53: {  	[tilespmem:s20], [sflag:$0x1] =	stream.indirect.gather [hbm4b:s2+s18], $0x40, s18, s18, $0xb8;
	[tilespmem:$0x8200] =	vst v63  }
0x54: {  	_ = 	snop  }
0x55: {  	[tilespmem:s22], [sflag:$0x1] =	stream.indirect.gather [hbm4b:s3+s18], $0x40, s21, s18, $0xb8;
	[tilespmem:$0x8200] =	vst v63  }
0x56: {  	_ =	swait.ge [sflag:s16], $0x2000  }
0x57: {  	[sflag:s16] =	ssyncset.done $0x0  }
0x58: {  	[sflag:s16] =	ssyncadd.s32 $0xFFFFE000  }
0x59: {  	_ =	swait.ge [sflag:s16], $0x2000  }
0x5a: {  	[sflag:s16] =	ssyncset.done $0x0  }
0x5b: {  	[sflag:s16] =	ssyncadd.s32 $0xFFFFE000  }
0x5c: {  	_ =	swait.ge [sflag:s16], $0x2000  }
0x5d: {  	[sflag:s16] =	ssyncset.done $0x0  }
0x5e: {  	[sflag:s16] =	ssyncadd.s32 $0xFFFFE000  }
0x5f: {  	_ =	swait.ge [sflag:s16], $0x2000  }
0x60: {  	[sflag:s16] =	ssyncset.done $0x0  }
0x61: {  	s24 =	rddreg [dreg:$0x8];
	[sflag:s16] =	ssyncadd.s32 $0xFFFFE000  }
0x62: {  	[hbm4b:s24+s4] =	stream.linear.scatter [tilespmem:s13], [sflag:$0x2], $0x4000, $0x38;
	[tilespmem:$0x8200] =	vst v63  }
0x63: {  	_ =	swait.ge [sflag:s11], $0x4000  }
0x64: {  	[sflag:s11] =	ssyncset.done $0x0  }
0x65: {  	s25 =	rddreg [dreg:$0x9];
	[sflag:s11] =	ssyncadd.s32 $0xFFFFC000  }
0x66: {  	[hbm4b:s25+s4] =	stream.linear.scatter [tilespmem:s12], [sflag:$0x2], $0x4000, $0x38;
	[tilespmem:$0x8200] =	vst v63  }
0x67: {  	_ =	swait.ge [sflag:s11], $0x4000  }
0x68: {  	[sflag:s11] =	ssyncset.done $0x0  }
0x69: {  	s26 =	rddreg [dreg:$0xa];
	[sflag:s11] =	ssyncadd.s32 $0xFFFFC000  }
0x6a: {  	[tilespmem:s4], [sflag:$0x2] =	stream.linear.gather [hbm4b:s26+s4], $0x100, $0x38;
	[tilespmem:$0x8200] =	vst v63  }
0x6b: {  	_ =	swait.ge [sflag:s11], $0x100  }
0x6c: {  	[sflag:s11] =	ssyncset.done $0x0  }
0x6d: {  	s1 =	rddreg [dreg:$0xb];
	[sflag:s11] =	ssyncadd.s32 $0xFFFFFF00  }
0x6e: {  	[tilespmem:s19], [sflag:$0x2] =	stream.linear.gather [hbm4b:s1+s4], $0x100, $0x38;
	[tilespmem:$0x8200] =	vst v63  }
0x6f: {  	_ =	swait.ge [sflag:s11], $0x100  }
0x70: {  	[sflag:s11] =	ssyncset.done $0x0  }
0x71: {  	[sflag:s11] =	ssyncadd.s32 $0xFFFFFF00  }
0x72: {  	[tilespmem:s13], [sflag:$0x1] =	stream.indirect.gather [hbm4b:s2+s18], $0x40, s4, s18, $0xb8;
	[tilespmem:$0x8200] =	vst v63  }
0x73: {  	_ = 	snop  }
0x74: {  	[tilespmem:s12], [sflag:$0x1] =	stream.indirect.gather [hbm4b:s3+s18], $0x40, s19, s18, $0xb8;
	[tilespmem:$0x8200] =	vst v63  }
0x75: {  	_ = 	snop  }
0x76: {  	[tilespmem:s20], [sflag:$0x1] =	stream.indirect.gather [hbm4b:s2+s18], $0x40, s18, s18, $0xb8;
	[tilespmem:$0x8200] =	vst v63  }
0x77: {  	_ = 	snop  }
0x78: {  	[tilespmem:s22], [sflag:$0x1] =	stream.indirect.gather [hbm4b:s3+s18], $0x40, s21, s18, $0xb8;
	[tilespmem:$0x8200] =	vst v63  }
0x79: {  	_ =	swait.ge [sflag:s16], $0x2000  }
0x7a: {  	[sflag:s16] =	ssyncset.done $0x0  }
0x7b: {  	[sflag:s16] =	ssyncadd.s32 $0xFFFFE000  }
0x7c: {  	_ =	swait.ge [sflag:s16], $0x2000  }
0x7d: {  	[sflag:s16] =	ssyncset.done $0x0  }
0x7e: {  	[sflag:s16] =	ssyncadd.s32 $0xFFFFE000  }
0x7f: {  	_ =	swait.ge [sflag:s16], $0x2000  }
0x80: {  	[sflag:s16] =	ssyncset.done $0x0  }
0x81: {  	[sflag:s16] =	ssyncadd.s32 $0xFFFFE000  }
0x82: {  	_ =	swait.ge [sflag:s16], $0x2000  }
0x83: {  	[sflag:s16] =	ssyncset.done $0x0  }
0x84: {  	s23 =	rddreg [dreg:$0xc];
	[sflag:s16] =	ssyncadd.s32 $0xFFFFE000  }
0x85: {  	[hbm4b:s23+s4] =	stream.linear.scatter [tilespmem:s13], [sflag:$0x2], $0x4000, $0x38;
	[tilespmem:$0x8200] =	vst v63  }
0x86: {  	_ =	swait.ge [sflag:s11], $0x4000  }
0x87: {  	[sflag:s11] =	ssyncset.done $0x0  }
0x88: {  	s24 =	rddreg [dreg:$0xd];
	[sflag:s11] =	ssyncadd.s32 $0xFFFFC000  }
0x89: {  	[hbm4b:s24+s4] =	stream.linear.scatter [tilespmem:s12], [sflag:$0x2], $0x4000, $0x38;
	[tilespmem:$0x8200] =	vst v63  }
0x8a: {  	_ =	swait.ge [sflag:s11], $0x4000  }
0x8b: {  	[sflag:s11] =	ssyncset.done $0x0  }
0x8c: {  	s25 =	rddreg [dreg:$0xe];
	[sflag:s11] =	ssyncadd.s32 $0xFFFFC000  }
0x8d: {  	[tilespmem:s4], [sflag:$0x2] =	stream.linear.gather [hbm4b:s25+s4], $0x100, $0x38;
	[tilespmem:$0x8200] =	vst v63  }
0x8e: {  	_ =	swait.ge [sflag:s11], $0x100  }
0x8f: {  	[sflag:s11] =	ssyncset.done $0x0  }
0x90: {  	s26 =	rddreg [dreg:$0xf];
	[sflag:s11] =	ssyncadd.s32 $0xFFFFFF00  }
0x91: {  	[tilespmem:s19], [sflag:$0x2] =	stream.linear.gather [hbm4b:s26+s4], $0x100, $0x38;
	[tilespmem:$0x8200] =	vst v63  }
0x92: {  	_ =	swait.ge [sflag:s11], $0x100  }
0x93: {  	[sflag:s11] =	ssyncset.done $0x0  }
0x94: {  	[sflag:s11] =	ssyncadd.s32 $0xFFFFFF00  }
0x95: {  	[tilespmem:s13], [sflag:$0x1] =	stream.indirect.gather [hbm4b:s2+s18], $0x40, s4, s18, $0xb8;
	[tilespmem:$0x8200] =	vst v63  }
0x96: {  	_ = 	snop  }
0x97: {  	[tilespmem:s12], [sflag:$0x1] =	stream.indirect.gather [hbm4b:s3+s18], $0x40, s19, s18, $0xb8;
	[tilespmem:$0x8200] =	vst v63  }
0x98: {  	_ = 	snop  }
0x99: {  	[tilespmem:s20], [sflag:$0x1] =	stream.indirect.gather [hbm4b:s2+s18], $0x40, s18, s18, $0xb8;
	[tilespmem:$0x8200] =	vst v63  }
0x9a: {  	_ = 	snop  }
0x9b: {  	[tilespmem:s22], [sflag:$0x1] =	stream.indirect.gather [hbm4b:s3+s18], $0x40, s21, s18, $0xb8;
	[tilespmem:$0x8200] =	vst v63  }
0x9c: {  	_ =	swait.ge [sflag:s16], $0x2000  }
0x9d: {  	[sflag:s16] =	ssyncset.done $0x0  }
0x9e: {  	[sflag:s16] =	ssyncadd.s32 $0xFFFFE000  }
0x9f: {  	_ =	swait.ge [sflag:s16], $0x2000  }
0xa0: {  	[sflag:s16] =	ssyncset.done $0x0  }
0xa1: {  	[sflag:s16] =	ssyncadd.s32 $0xFFFFE000  }
0xa2: {  	_ =	swait.ge [sflag:s16], $0x2000  }
0xa3: {  	[sflag:s16] =	ssyncset.done $0x0  }
0xa4: {  	[sflag:s16] =	ssyncadd.s32 $0xFFFFE000  }
0xa5: {  	_ =	swait.ge [sflag:s16], $0x2000  }
0xa6: {  	[sflag:s16] =	ssyncset.done $0x0  }
0xa7: {  	s1 =	rddreg [dreg:$0x10];
	[sflag:s16] =	ssyncadd.s32 $0xFFFFE000  }
0xa8: {  	[hbm4b:s1+s4] =	stream.linear.scatter [tilespmem:s13], [sflag:$0x2], $0x4000, $0x38;
	[tilespmem:$0x8200] =	vst v63  }
0xa9: {  	_ =	swait.ge [sflag:s11], $0x4000  }
0xaa: {  	[sflag:s11] =	ssyncset.done $0x0  }
0xab: {  	s23 =	rddreg [dreg:$0x11];
	[sflag:s11] =	ssyncadd.s32 $0xFFFFC000  }
0xac: {  	[hbm4b:s23+s4] =	stream.linear.scatter [tilespmem:s12], [sflag:$0x2], $0x4000, $0x38;
	[tilespmem:$0x8200] =	vst v63  }
0xad: {  	_ =	swait.ge [sflag:s11], $0x4000  }
0xae: {  	[sflag:s11] =	ssyncset.done $0x0  }
0xaf: {  	s24 =	rddreg [dreg:$0x12];
	[sflag:s11] =	ssyncadd.s32 $0xFFFFC000  }
0xb0: {  	[tilespmem:s4], [sflag:$0x2] =	stream.linear.gather [hbm4b:s24+s4], $0x100, $0x38;
	[tilespmem:$0x8200] =	vst v63  }
0xb1: {  	_ =	swait.ge [sflag:s11], $0x100  }
0xb2: {  	[sflag:s11] =	ssyncset.done $0x0  }
0xb3: {  	s25 =	rddreg [dreg:$0x13];
	[sflag:s11] =	ssyncadd.s32 $0xFFFFFF00  }
0xb4: {  	[tilespmem:s19], [sflag:$0x2] =	stream.linear.gather [hbm4b:s25+s4], $0x100, $0x38;
	[tilespmem:$0x8200] =	vst v63  }
0xb5: {  	_ =	swait.ge [sflag:s11], $0x100  }
0xb6: {  	[sflag:s11] =	ssyncset.done $0x0  }
0xb7: {  	[sflag:s11] =	ssyncadd.s32 $0xFFFFFF00  }
0xb8: {  	[tilespmem:s13], [sflag:$0x1] =	stream.indirect.gather [hbm4b:s2+s18], $0x40, s4, s18, $0xb8;
	[tilespmem:$0x8200] =	vst v63  }
0xb9: {  	_ = 	snop  }
0xba: {  	[tilespmem:s12], [sflag:$0x1] =	stream.indirect.gather [hbm4b:s3+s18], $0x40, s19, s18, $0xb8;
	[tilespmem:$0x8200] =	vst v63  }
0xbb: {  	_ = 	snop  }
0xbc: {  	[tilespmem:s20], [sflag:$0x1] =	stream.indirect.gather [hbm4b:s2+s18], $0x40, s18, s18, $0xb8;
	[tilespmem:$0x8200] =	vst v63  }
0xbd: {  	_ = 	snop  }
0xbe: {  	[tilespmem:s22], [sflag:$0x1] =	stream.indirect.gather [hbm4b:s3+s18], $0x40, s21, s18, $0xb8;
	[tilespmem:$0x8200] =	vst v63  }
0xbf: {  	_ =	swait.ge [sflag:s16], $0x2000  }
0xc0: {  	[sflag:s16] =	ssyncset.done $0x0  }
0xc1: {  	[sflag:s16] =	ssyncadd.s32 $0xFFFFE000  }
0xc2: {  	_ =	swait.ge [sflag:s16], $0x2000  }
0xc3: {  	[sflag:s16] =	ssyncset.done $0x0  }
0xc4: {  	[sflag:s16] =	ssyncadd.s32 $0xFFFFE000  }
0xc5: {  	_ =	swait.ge [sflag:s16], $0x2000  }
0xc6: {  	[sflag:s16] =	ssyncset.done $0x0  }
0xc7: {  	[sflag:s16] =	ssyncadd.s32 $0xFFFFE000  }
0xc8: {  	_ =	swait.ge [sflag:s16], $0x2000  }
0xc9: {  	[sflag:s16] =	ssyncset.done $0x0  }
0xca: {  	s26 =	rddreg [dreg:$0x14];
	[sflag:s16] =	ssyncadd.s32 $0xFFFFE000  }
0xcb: {  	[hbm4b:s26+s4] =	stream.linear.scatter [tilespmem:s13], [sflag:$0x2], $0x4000, $0x38;
	[tilespmem:$0x8200] =	vst v63  }
0xcc: {  	_ =	swait.ge [sflag:s11], $0x4000  }
0xcd: {  	[sflag:s11] =	ssyncset.done $0x0  }
0xce: {  	[sflag:s11] =	ssyncadd.s32 $0xFFFFC000  }
0xcf: {  	[hbm4b:s17+s4] =	stream.linear.scatter [tilespmem:s12], [sflag:$0x2], $0x4000, $0x38;
	[tilespmem:$0x8200] =	vst v63  }
0xd0: {  	_ =	swait.ge [sflag:s11], $0x4000  }
0xd1: {  	[sflag:s11] =	ssyncset.done $0x0  }
0xd2: {  	[sflag:s11] =	ssyncadd.s32 $0xFFFFC000  }
0xd3: {  	[tilespmem:s4], [sflag:$0x2] =	stream.linear.gather [hbm4b:s15+s4], $0x100, $0x38;
	[tilespmem:$0x8200] =	vst v63  }
0xd4: {  	_ =	swait.ge [sflag:s11], $0x100  }
0xd5: {  	[sflag:s11] =	ssyncset.done $0x0  }
0xd6: {  	[sflag:s11] =	ssyncadd.s32 $0xFFFFFF00  }
0xd7: {  	[tilespmem:s19], [sflag:$0x2] =	stream.linear.gather [hbm4b:s14+s4], $0x100, $0x38;
	[tilespmem:$0x8200] =	vst v63  }
0xd8: {  	_ =	swait.ge [sflag:s11], $0x100  }
0xd9: {  	[sflag:s11] =	ssyncset.done $0x0  }
0xda: {  	[sflag:s11] =	ssyncadd.s32 $0xFFFFFF00  }
0xdb: {  	[tilespmem:s13], [sflag:$0x1] =	stream.indirect.gather [hbm4b:s2+s18], $0x40, s4, s18, $0xb8;
	[tilespmem:$0x8200] =	vst v63  }
0xdc: {  	_ = 	snop  }
0xdd: {  	[tilespmem:s12], [sflag:$0x1] =	stream.indirect.gather [hbm4b:s3+s18], $0x40, s19, s18, $0xb8;
	[tilespmem:$0x8200] =	vst v63  }
0xde: {  	_ = 	snop  }
0xdf: {  	[tilespmem:s20], [sflag:$0x1] =	stream.indirect.gather [hbm4b:s2+s18], $0x40, s18, s18, $0xb8;
	[tilespmem:$0x8200] =	vst v63  }
0xe0: {  	_ = 	snop  }
0xe1: {  	[tilespmem:s22], [sflag:$0x1] =	stream.indirect.gather [hbm4b:s3+s18], $0x40, s21, s18, $0xb8;
	[tilespmem:$0x8200] =	vst v63  }
0xe2: {  	_ =	swait.ge [sflag:s16], $0x2000  }
0xe3: {  	[sflag:s16] =	ssyncset.done $0x0  }
0xe4: {  	[sflag:s16] =	ssyncadd.s32 $0xFFFFE000  }
0xe5: {  	_ =	swait.ge [sflag:s16], $0x2000  }
0xe6: {  	[sflag:s16] =	ssyncset.done $0x0  }
0xe7: {  	[sflag:s16] =	ssyncadd.s32 $0xFFFFE000  }
0xe8: {  	_ =	swait.ge [sflag:s16], $0x2000  }
0xe9: {  	[sflag:s16] =	ssyncset.done $0x0  }
0xea: {  	[sflag:s16] =	ssyncadd.s32 $0xFFFFE000  }
0xeb: {  	_ =	swait.ge [sflag:s16], $0x2000  }
0xec: {  	[sflag:s16] =	ssyncset.done $0x0  }
0xed: {  	[sflag:s16] =	ssyncadd.s32 $0xFFFFE000  }
0xee: {  	[hbm4b:s10+s4] =	stream.linear.scatter [tilespmem:s13], [sflag:$0x2], $0x4000, $0x38;
	[tilespmem:$0x8200] =	vst v63  }
0xef: {  	_ =	swait.ge [sflag:s11], $0x4000  }
0xf0: {  	[sflag:s11] =	ssyncset.done $0x0  }
0xf1: {  	[sflag:s11] =	ssyncadd.s32 $0xFFFFC000  }
0xf2: {  	[hbm4b:s9+s4] =	stream.linear.scatter [tilespmem:s12], [sflag:$0x2], $0x4000, $0x38;
	[tilespmem:$0x8200] =	vst v63  }
0xf3: {  	_ =	swait.ge [sflag:s11], $0x4000  }
0xf4: {  	[sflag:s11] =	ssyncset.done $0x0  }
0xf5: {  	s23 =	simm.s32 @!p0 $0x2;
	s24 =	simm.s32 @!p0 $0x0;
	[sflag:s11] =	ssyncadd.s32 $0xFFFFC000  }
0xf6: {  	[tilespmem:s24], [sflag:$0x2] =	stream.linear.gather @!p0 [hbm4b:s8+s24], $0x100, $0x38;
	[tilespmem:$0x8200] =	vst v63  }
0xf7: {  	_ =	swait.ge @!p0 [sflag:s23], $0x100  }
0xf8: {  	[sflag:s23] =	ssyncset.done @!p0 $0x0  }
0xf9: {  	s25 =	simm.s32 @!p0 $0x100;
	[sflag:s23] =	ssyncadd.s32 @!p0 $0xFFFFFF00  }
0xfa: {  	[tilespmem:s25], [sflag:$0x2] =	stream.linear.gather @!p0 [hbm4b:s7+s24], $0x100, $0x38;
	[tilespmem:$0x8200] =	vst v63  }
0xfb: {  	_ =	swait.ge @!p0 [sflag:s23], $0x100  }
0xfc: {  	[sflag:s23] =	ssyncset.done @!p0 $0x0  }
0xfd: {  	s28 =	simm.s32 @!p0 $0x200;
	s26 =	simm.s32 @!p0 $0x80;
	[sflag:s23] =	ssyncadd.s32 @!p0 $0xFFFFFF00  }
0xfe: {  	[tilespmem:s28], [sflag:$0x1] =	stream.indirect.gather @!p0 [hbm4b:s2+s26], $0x40, s24, s26, $0xb8;
	[tilespmem:$0x8200] =	vst v63  }
0xff: {  	s29 =	simm.s32 @!p0 $0x4200  }
0x100: {  	[tilespmem:s29], [sflag:$0x1] =	stream.indirect.gather @!p0 [hbm4b:s3+s26], $0x40, s25, s26, $0xb8;
	[tilespmem:$0x8200] =	vst v63  }
0x101: {  	s0 =	simm.s32 @!p0 $0x2200  }
0x102: {  	[tilespmem:s0], [sflag:$0x1] =	stream.indirect.gather @!p0 [hbm4b:s2+s26], $0x40, s26, s26, $0xb8;
	[tilespmem:$0x8200] =	vst v63  }
0x103: {  	s31 =	simm.s32 @!p0 $0x180;
	s30 =	simm.s32 @!p0 $0x6200;
	s0 =	simm.s32 @!p0 $0x1  }
0x104: {  	[tilespmem:s30], [sflag:$0x1] =	stream.indirect.gather @!p0 [hbm4b:s3+s26], $0x40, s31, s26, $0xb8;
	[tilespmem:$0x8200] =	vst v63  }
0x105: {  	_ =	swait.ge @!p0 [sflag:s0], $0x2000  }
0x106: {  	[sflag:s0] =	ssyncset.done @!p0 $0x0  }
0x107: {  	[sflag:s0] =	ssyncadd.s32 @!p0 $0xFFFFE000  }
0x108: {  	_ =	swait.ge @!p0 [sflag:s0], $0x2000  }
0x109: {  	[sflag:s0] =	ssyncset.done @!p0 $0x0  }
0x10a: {  	[sflag:s0] =	ssyncadd.s32 @!p0 $0xFFFFE000  }
0x10b: {  	_ =	swait.ge @!p0 [sflag:s0], $0x2000  }
0x10c: {  	[sflag:s0] =	ssyncset.done @!p0 $0x0  }
0x10d: {  	[sflag:s0] =	ssyncadd.s32 @!p0 $0xFFFFE000  }
0x10e: {  	_ =	swait.ge @!p0 [sflag:s0], $0x2000  }
0x10f: {  	[sflag:s0] =	ssyncset.done @!p0 $0x0  }
0x110: {  	[sflag:s0] =	ssyncadd.s32 @!p0 $0xFFFFE000  }
0x111: {  	[hbm4b:s6+s24] =	stream.linear.scatter @!p0 [tilespmem:s28], [sflag:$0x2], $0x4000, $0x38;
	[tilespmem:$0x8200] =	vst v63  }
0x112: {  	_ =	swait.ge @!p0 [sflag:s23], $0x4000  }
0x113: {  	s30 =	rddreg [dreg:$0x15]  }
0x114: {  	s30 =	sadd.s32 $0xFFFFFFFF, s30  }
0x115: {  	p2 =	sne.s32 s30, $0x0  }
.Ltmp1:
0x116: {  	[sflag:s23] =	ssyncset.done @!p0 $0x0;
	(pc) =	sbr.rel @!p2 .LBB2_3-.Ltmp1, $4  }
0x117: {  	[sflag:s23] =	ssyncadd.s32 @!p0 $0xFFFFC000  }
0x118: {  	[hbm4b:s5+s24] =	stream.linear.scatter @!p0 [tilespmem:s29], [sflag:$0x2], $0x4000, $0x38;
	[tilespmem:$0x8200] =	vst v63  }
0x119: {  	p1 =	por $0x1, $0x1;
	_ =	swait.ge @!p0 [sflag:s23], $0x4000  }
0x11a: {  	s1 =	simm.s32 @!p0 $0x6200;
	s31 =	rddreg [dreg:$0x2];
	[sflag:s23] =	ssyncset.done @!p0 $0x0  }
.LBB2_4:
0x11b: {  	[sflag:s23] =	ssyncadd.s32 @!p0 $0xFFFFC000  }
0x11c: {  	[tilespmem:s4], [sflag:$0x2] =	stream.linear.gather [hbm4b:s31+s4], $0x100, $0x38;
	[tilespmem:$0x8200] =	vst v63  }
0x11d: {  	_ =	swait.ge [sflag:s11], $0x100  }
0x11e: {  	[sflag:s11] =	ssyncset.done $0x0  }
0x11f: {  	s31 =	rddreg [dreg:$0x3];
	[sflag:s11] =	ssyncadd.s32 $0xFFFFFF00  }
0x120: {  	[tilespmem:s19], [sflag:$0x2] =	stream.linear.gather [hbm4b:s31+s4], $0x100, $0x38;
	[tilespmem:$0x8200] =	vst v63  }
0x121: {  	_ =	swait.ge [sflag:s11], $0x100  }
0x122: {  	[sflag:s11] =	ssyncset.done $0x0  }
0x123: {  	[sflag:s11] =	ssyncadd.s32 $0xFFFFFF00  }
0x124: {  	[tilespmem:s13], [sflag:$0x1] =	stream.indirect.gather [hbm4b:s2+s18], $0x40, s4, s18, $0xb8;
	[tilespmem:$0x8200] =	vst v63  }
0x125: {  	_ = 	snop  }
0x126: {  	[tilespmem:s12], [sflag:$0x1] =	stream.indirect.gather [hbm4b:s3+s18], $0x40, s19, s18, $0xb8;
	[tilespmem:$0x8200] =	vst v63  }
0x127: {  	_ = 	snop  }
0x128: {  	[tilespmem:s20], [sflag:$0x1] =	stream.indirect.gather [hbm4b:s2+s18], $0x40, s18, s18, $0xb8;
	[tilespmem:$0x8200] =	vst v63  }
0x129: {  	_ = 	snop  }
0x12a: {  	[tilespmem:s22], [sflag:$0x1] =	stream.indirect.gather [hbm4b:s3+s18], $0x40, s21, s18, $0xb8;
	[tilespmem:$0x8200] =	vst v63  }
0x12b: {  	_ =	swait.ge [sflag:s16], $0x2000  }
0x12c: {  	[sflag:s16] =	ssyncset.done $0x0  }
0x12d: {  	[sflag:s16] =	ssyncadd.s32 $0xFFFFE000  }
0x12e: {  	_ =	swait.ge [sflag:s16], $0x2000  }
0x12f: {  	[sflag:s16] =	ssyncset.done $0x0  }
0x130: {  	[sflag:s16] =	ssyncadd.s32 $0xFFFFE000  }
0x131: {  	_ =	swait.ge [sflag:s16], $0x2000  }
0x132: {  	[sflag:s16] =	ssyncset.done $0x0  }
0x133: {  	[sflag:s16] =	ssyncadd.s32 $0xFFFFE000  }
0x134: {  	_ =	swait.ge [sflag:s16], $0x2000  }
0x135: {  	[sflag:s16] =	ssyncset.done $0x0  }
0x136: {  	s31 =	rddreg [dreg:$0x4];
	[sflag:s16] =	ssyncadd.s32 $0xFFFFE000  }
0x137: {  	[hbm4b:s31+s4] =	stream.linear.scatter [tilespmem:s13], [sflag:$0x2], $0x4000, $0x38;
	[tilespmem:$0x8200] =	vst v63  }
0x138: {  	_ =	swait.ge [sflag:s11], $0x4000  }
0x139: {  	[sflag:s11] =	ssyncset.done $0x0  }
0x13a: {  	s31 =	rddreg [dreg:$0x5];
	[sflag:s11] =	ssyncadd.s32 $0xFFFFC000  }
0x13b: {  	[hbm4b:s31+s4] =	stream.linear.scatter [tilespmem:s12], [sflag:$0x2], $0x4000, $0x38;
	[tilespmem:$0x8200] =	vst v63  }
0x13c: {  	_ =	swait.ge [sflag:s11], $0x4000  }
0x13d: {  	[sflag:s11] =	ssyncset.done $0x0  }
0x13e: {  	s31 =	rddreg [dreg:$0x6];
	[sflag:s11] =	ssyncadd.s32 $0xFFFFC000  }
0x13f: {  	[tilespmem:s4], [sflag:$0x2] =	stream.linear.gather [hbm4b:s31+s4], $0x100, $0x38;
	[tilespmem:$0x8200] =	vst v63  }
0x140: {  	_ =	swait.ge [sflag:s11], $0x100  }
0x141: {  	[sflag:s11] =	ssyncset.done $0x0  }
0x142: {  	s31 =	rddreg [dreg:$0x7];
	[sflag:s11] =	ssyncadd.s32 $0xFFFFFF00  }
0x143: {  	[tilespmem:s19], [sflag:$0x2] =	stream.linear.gather [hbm4b:s31+s4], $0x100, $0x38;
	[tilespmem:$0x8200] =	vst v63  }
0x144: {  	_ =	swait.ge [sflag:s11], $0x100  }
0x145: {  	[sflag:s11] =	ssyncset.done $0x0  }
0x146: {  	[sflag:s11] =	ssyncadd.s32 $0xFFFFFF00  }
0x147: {  	[tilespmem:s13], [sflag:$0x1] =	stream.indirect.gather [hbm4b:s2+s18], $0x40, s4, s18, $0xb8;
	[tilespmem:$0x8200] =	vst v63  }
0x148: {  	_ = 	snop  }
0x149: {  	[tilespmem:s12], [sflag:$0x1] =	stream.indirect.gather [hbm4b:s3+s18], $0x40, s19, s18, $0xb8;
	[tilespmem:$0x8200] =	vst v63  }
0x14a: {  	_ = 	snop  }
0x14b: {  	[tilespmem:s20], [sflag:$0x1] =	stream.indirect.gather [hbm4b:s2+s18], $0x40, s18, s18, $0xb8;
	[tilespmem:$0x8200] =	vst v63  }
0x14c: {  	_ = 	snop  }
0x14d: {  	[tilespmem:s22], [sflag:$0x1] =	stream.indirect.gather [hbm4b:s3+s18], $0x40, s21, s18, $0xb8;
	[tilespmem:$0x8200] =	vst v63  }
0x14e: {  	_ =	swait.ge [sflag:s16], $0x2000  }
0x14f: {  	[sflag:s16] =	ssyncset.done $0x0  }
0x150: {  	[sflag:s16] =	ssyncadd.s32 $0xFFFFE000  }
0x151: {  	_ =	swait.ge [sflag:s16], $0x2000  }
0x152: {  	[sflag:s16] =	ssyncset.done $0x0  }
0x153: {  	[sflag:s16] =	ssyncadd.s32 $0xFFFFE000  }
0x154: {  	_ =	swait.ge [sflag:s16], $0x2000  }
0x155: {  	[sflag:s16] =	ssyncset.done $0x0  }
0x156: {  	[sflag:s16] =	ssyncadd.s32 $0xFFFFE000  }
0x157: {  	_ =	swait.ge [sflag:s16], $0x2000  }
0x158: {  	[sflag:s16] =	ssyncset.done $0x0  }
0x159: {  	s31 =	rddreg [dreg:$0x8];
	[sflag:s16] =	ssyncadd.s32 $0xFFFFE000  }
0x15a: {  	[hbm4b:s31+s4] =	stream.linear.scatter [tilespmem:s13], [sflag:$0x2], $0x4000, $0x38;
	[tilespmem:$0x8200] =	vst v63  }
0x15b: {  	_ =	swait.ge [sflag:s11], $0x4000  }
0x15c: {  	[sflag:s11] =	ssyncset.done $0x0  }
0x15d: {  	s31 =	rddreg [dreg:$0x9];
	[sflag:s11] =	ssyncadd.s32 $0xFFFFC000  }
0x15e: {  	[hbm4b:s31+s4] =	stream.linear.scatter [tilespmem:s12], [sflag:$0x2], $0x4000, $0x38;
	[tilespmem:$0x8200] =	vst v63  }
0x15f: {  	_ =	swait.ge [sflag:s11], $0x4000  }
0x160: {  	[sflag:s11] =	ssyncset.done $0x0  }
0x161: {  	s31 =	rddreg [dreg:$0xa];
	[sflag:s11] =	ssyncadd.s32 $0xFFFFC000  }
0x162: {  	[tilespmem:s4], [sflag:$0x2] =	stream.linear.gather [hbm4b:s31+s4], $0x100, $0x38;
	[tilespmem:$0x8200] =	vst v63  }
0x163: {  	_ =	swait.ge [sflag:s11], $0x100  }
0x164: {  	[sflag:s11] =	ssyncset.done $0x0  }
0x165: {  	s31 =	rddreg [dreg:$0xb];
	[sflag:s11] =	ssyncadd.s32 $0xFFFFFF00  }
0x166: {  	[tilespmem:s19], [sflag:$0x2] =	stream.linear.gather [hbm4b:s31+s4], $0x100, $0x38;
	[tilespmem:$0x8200] =	vst v63  }
0x167: {  	_ =	swait.ge [sflag:s11], $0x100  }
0x168: {  	[sflag:s11] =	ssyncset.done $0x0  }
0x169: {  	[sflag:s11] =	ssyncadd.s32 $0xFFFFFF00  }
0x16a: {  	[tilespmem:s13], [sflag:$0x1] =	stream.indirect.gather [hbm4b:s2+s18], $0x40, s4, s18, $0xb8;
	[tilespmem:$0x8200] =	vst v63  }
0x16b: {  	_ = 	snop  }
0x16c: {  	[tilespmem:s12], [sflag:$0x1] =	stream.indirect.gather [hbm4b:s3+s18], $0x40, s19, s18, $0xb8;
	[tilespmem:$0x8200] =	vst v63  }
0x16d: {  	_ = 	snop  }
0x16e: {  	[tilespmem:s20], [sflag:$0x1] =	stream.indirect.gather [hbm4b:s2+s18], $0x40, s18, s18, $0xb8;
	[tilespmem:$0x8200] =	vst v63  }
0x16f: {  	_ = 	snop  }
0x170: {  	[tilespmem:s22], [sflag:$0x1] =	stream.indirect.gather [hbm4b:s3+s18], $0x40, s21, s18, $0xb8;
	[tilespmem:$0x8200] =	vst v63  }
0x171: {  	_ =	swait.ge [sflag:s16], $0x2000  }
0x172: {  	[sflag:s16] =	ssyncset.done $0x0  }
0x173: {  	[sflag:s16] =	ssyncadd.s32 $0xFFFFE000  }
0x174: {  	_ =	swait.ge [sflag:s16], $0x2000  }
0x175: {  	[sflag:s16] =	ssyncset.done $0x0  }
0x176: {  	[sflag:s16] =	ssyncadd.s32 $0xFFFFE000  }
0x177: {  	_ =	swait.ge [sflag:s16], $0x2000  }
0x178: {  	[sflag:s16] =	ssyncset.done $0x0  }
0x179: {  	[sflag:s16] =	ssyncadd.s32 $0xFFFFE000  }
0x17a: {  	_ =	swait.ge [sflag:s16], $0x2000  }
0x17b: {  	[sflag:s16] =	ssyncset.done $0x0  }
0x17c: {  	s31 =	rddreg [dreg:$0xc];
	[sflag:s16] =	ssyncadd.s32 $0xFFFFE000  }
0x17d: {  	[hbm4b:s31+s4] =	stream.linear.scatter [tilespmem:s13], [sflag:$0x2], $0x4000, $0x38;
	[tilespmem:$0x8200] =	vst v63  }
0x17e: {  	_ =	swait.ge [sflag:s11], $0x4000  }
0x17f: {  	[sflag:s11] =	ssyncset.done $0x0  }
0x180: {  	s31 =	rddreg [dreg:$0xd];
	[sflag:s11] =	ssyncadd.s32 $0xFFFFC000  }
0x181: {  	[hbm4b:s31+s4] =	stream.linear.scatter [tilespmem:s12], [sflag:$0x2], $0x4000, $0x38;
	[tilespmem:$0x8200] =	vst v63  }
0x182: {  	_ =	swait.ge [sflag:s11], $0x4000  }
0x183: {  	[sflag:s11] =	ssyncset.done $0x0  }
0x184: {  	s31 =	rddreg [dreg:$0xe];
	[sflag:s11] =	ssyncadd.s32 $0xFFFFC000  }
0x185: {  	[tilespmem:s4], [sflag:$0x2] =	stream.linear.gather [hbm4b:s31+s4], $0x100, $0x38;
	[tilespmem:$0x8200] =	vst v63  }
0x186: {  	_ =	swait.ge [sflag:s11], $0x100  }
0x187: {  	[sflag:s11] =	ssyncset.done $0x0  }
0x188: {  	s31 =	rddreg [dreg:$0xf];
	[sflag:s11] =	ssyncadd.s32 $0xFFFFFF00  }
0x189: {  	[tilespmem:s19], [sflag:$0x2] =	stream.linear.gather [hbm4b:s31+s4], $0x100, $0x38;
	[tilespmem:$0x8200] =	vst v63  }
0x18a: {  	_ =	swait.ge [sflag:s11], $0x100  }
0x18b: {  	[sflag:s11] =	ssyncset.done $0x0  }
0x18c: {  	[sflag:s11] =	ssyncadd.s32 $0xFFFFFF00  }
0x18d: {  	[tilespmem:s13], [sflag:$0x1] =	stream.indirect.gather [hbm4b:s2+s18], $0x40, s4, s18, $0xb8;
	[tilespmem:$0x8200] =	vst v63  }
0x18e: {  	_ = 	snop  }
0x18f: {  	[tilespmem:s12], [sflag:$0x1] =	stream.indirect.gather [hbm4b:s3+s18], $0x40, s19, s18, $0xb8;
	[tilespmem:$0x8200] =	vst v63  }
0x190: {  	_ = 	snop  }
0x191: {  	[tilespmem:s20], [sflag:$0x1] =	stream.indirect.gather [hbm4b:s2+s18], $0x40, s18, s18, $0xb8;
	[tilespmem:$0x8200] =	vst v63  }
0x192: {  	_ = 	snop  }
0x193: {  	[tilespmem:s22], [sflag:$0x1] =	stream.indirect.gather [hbm4b:s3+s18], $0x40, s21, s18, $0xb8;
	[tilespmem:$0x8200] =	vst v63  }
0x194: {  	_ =	swait.ge [sflag:s16], $0x2000  }
0x195: {  	[sflag:s16] =	ssyncset.done $0x0  }
0x196: {  	[sflag:s16] =	ssyncadd.s32 $0xFFFFE000  }
0x197: {  	_ =	swait.ge [sflag:s16], $0x2000  }
0x198: {  	[sflag:s16] =	ssyncset.done $0x0  }
0x199: {  	[sflag:s16] =	ssyncadd.s32 $0xFFFFE000  }
0x19a: {  	_ =	swait.ge [sflag:s16], $0x2000  }
0x19b: {  	[sflag:s16] =	ssyncset.done $0x0  }
0x19c: {  	[sflag:s16] =	ssyncadd.s32 $0xFFFFE000  }
0x19d: {  	_ =	swait.ge [sflag:s16], $0x2000  }
0x19e: {  	[sflag:s16] =	ssyncset.done $0x0  }
0x19f: {  	s31 =	rddreg [dreg:$0x10];
	[sflag:s16] =	ssyncadd.s32 $0xFFFFE000  }
0x1a0: {  	[hbm4b:s31+s4] =	stream.linear.scatter [tilespmem:s13], [sflag:$0x2], $0x4000, $0x38;
	[tilespmem:$0x8200] =	vst v63  }
0x1a1: {  	_ =	swait.ge [sflag:s11], $0x4000  }
0x1a2: {  	[sflag:s11] =	ssyncset.done $0x0  }
0x1a3: {  	s31 =	rddreg [dreg:$0x11];
	[sflag:s11] =	ssyncadd.s32 $0xFFFFC000  }
0x1a4: {  	[hbm4b:s31+s4] =	stream.linear.scatter [tilespmem:s12], [sflag:$0x2], $0x4000, $0x38;
	[tilespmem:$0x8200] =	vst v63  }
0x1a5: {  	_ =	swait.ge [sflag:s11], $0x4000  }
0x1a6: {  	[sflag:s11] =	ssyncset.done $0x0  }
0x1a7: {  	s31 =	rddreg [dreg:$0x12];
	[sflag:s11] =	ssyncadd.s32 $0xFFFFC000  }
0x1a8: {  	[tilespmem:s4], [sflag:$0x2] =	stream.linear.gather [hbm4b:s31+s4], $0x100, $0x38;
	[tilespmem:$0x8200] =	vst v63  }
0x1a9: {  	_ =	swait.ge [sflag:s11], $0x100  }
0x1aa: {  	[sflag:s11] =	ssyncset.done $0x0  }
0x1ab: {  	s31 =	rddreg [dreg:$0x13];
	[sflag:s11] =	ssyncadd.s32 $0xFFFFFF00  }
0x1ac: {  	[tilespmem:s19], [sflag:$0x2] =	stream.linear.gather [hbm4b:s31+s4], $0x100, $0x38;
	[tilespmem:$0x8200] =	vst v63  }
0x1ad: {  	_ =	swait.ge [sflag:s11], $0x100  }
0x1ae: {  	[sflag:s11] =	ssyncset.done $0x0  }
0x1af: {  	[sflag:s11] =	ssyncadd.s32 $0xFFFFFF00  }
0x1b0: {  	[tilespmem:s13], [sflag:$0x1] =	stream.indirect.gather [hbm4b:s2+s18], $0x40, s4, s18, $0xb8;
	[tilespmem:$0x8200] =	vst v63  }
0x1b1: {  	_ = 	snop  }
0x1b2: {  	[tilespmem:s12], [sflag:$0x1] =	stream.indirect.gather [hbm4b:s3+s18], $0x40, s19, s18, $0xb8;
	[tilespmem:$0x8200] =	vst v63  }
0x1b3: {  	_ = 	snop  }
0x1b4: {  	[tilespmem:s20], [sflag:$0x1] =	stream.indirect.gather [hbm4b:s2+s18], $0x40, s18, s18, $0xb8;
	[tilespmem:$0x8200] =	vst v63  }
0x1b5: {  	_ = 	snop  }
0x1b6: {  	[tilespmem:s22], [sflag:$0x1] =	stream.indirect.gather [hbm4b:s3+s18], $0x40, s21, s18, $0xb8;
	[tilespmem:$0x8200] =	vst v63  }
0x1b7: {  	_ =	swait.ge [sflag:s16], $0x2000  }
0x1b8: {  	[sflag:s16] =	ssyncset.done $0x0  }
0x1b9: {  	[sflag:s16] =	ssyncadd.s32 $0xFFFFE000  }
0x1ba: {  	_ =	swait.ge [sflag:s16], $0x2000  }
0x1bb: {  	[sflag:s16] =	ssyncset.done $0x0  }
0x1bc: {  	[sflag:s16] =	ssyncadd.s32 $0xFFFFE000  }
0x1bd: {  	_ =	swait.ge [sflag:s16], $0x2000  }
0x1be: {  	[sflag:s16] =	ssyncset.done $0x0  }
0x1bf: {  	[sflag:s16] =	ssyncadd.s32 $0xFFFFE000  }
0x1c0: {  	_ =	swait.ge [sflag:s16], $0x2000  }
0x1c1: {  	[sflag:s16] =	ssyncset.done $0x0  }
0x1c2: {  	s31 =	rddreg [dreg:$0x14];
	[sflag:s16] =	ssyncadd.s32 $0xFFFFE000  }
0x1c3: {  	[hbm4b:s31+s4] =	stream.linear.scatter [tilespmem:s13], [sflag:$0x2], $0x4000, $0x38;
	[tilespmem:$0x8200] =	vst v63  }
0x1c4: {  	_ =	swait.ge [sflag:s11], $0x4000  }
0x1c5: {  	[sflag:s11] =	ssyncset.done $0x0  }
0x1c6: {  	[sflag:s11] =	ssyncadd.s32 $0xFFFFC000  }
0x1c7: {  	[hbm4b:s17+s4] =	stream.linear.scatter [tilespmem:s12], [sflag:$0x2], $0x4000, $0x38;
	[tilespmem:$0x8200] =	vst v63  }
0x1c8: {  	_ =	swait.ge [sflag:s11], $0x4000  }
0x1c9: {  	[sflag:s11] =	ssyncset.done $0x0  }
0x1ca: {  	[sflag:s11] =	ssyncadd.s32 $0xFFFFC000  }
0x1cb: {  	[tilespmem:s4], [sflag:$0x2] =	stream.linear.gather [hbm4b:s15+s4], $0x100, $0x38;
	[tilespmem:$0x8200] =	vst v63  }
0x1cc: {  	_ =	swait.ge [sflag:s11], $0x100  }
0x1cd: {  	[sflag:s11] =	ssyncset.done $0x0  }
0x1ce: {  	[sflag:s11] =	ssyncadd.s32 $0xFFFFFF00  }
0x1cf: {  	[tilespmem:s19], [sflag:$0x2] =	stream.linear.gather [hbm4b:s14+s4], $0x100, $0x38;
	[tilespmem:$0x8200] =	vst v63  }
0x1d0: {  	_ =	swait.ge [sflag:s11], $0x100  }
0x1d1: {  	[sflag:s11] =	ssyncset.done $0x0  }
0x1d2: {  	[sflag:s11] =	ssyncadd.s32 $0xFFFFFF00  }
0x1d3: {  	[tilespmem:s13], [sflag:$0x1] =	stream.indirect.gather [hbm4b:s2+s18], $0x40, s4, s18, $0xb8;
	[tilespmem:$0x8200] =	vst v63  }
0x1d4: {  	_ = 	snop  }
0x1d5: {  	[tilespmem:s12], [sflag:$0x1] =	stream.indirect.gather [hbm4b:s3+s18], $0x40, s19, s18, $0xb8;
	[tilespmem:$0x8200] =	vst v63  }
0x1d6: {  	_ = 	snop  }
0x1d7: {  	[tilespmem:s20], [sflag:$0x1] =	stream.indirect.gather [hbm4b:s2+s18], $0x40, s18, s18, $0xb8;
	[tilespmem:$0x8200] =	vst v63  }
0x1d8: {  	_ = 	snop  }
0x1d9: {  	[tilespmem:s22], [sflag:$0x1] =	stream.indirect.gather [hbm4b:s3+s18], $0x40, s21, s18, $0xb8;
	[tilespmem:$0x8200] =	vst v63  }
0x1da: {  	_ =	swait.ge [sflag:s16], $0x2000  }
0x1db: {  	[sflag:s16] =	ssyncset.done $0x0  }
0x1dc: {  	[sflag:s16] =	ssyncadd.s32 $0xFFFFE000  }
0x1dd: {  	_ =	swait.ge [sflag:s16], $0x2000  }
0x1de: {  	[sflag:s16] =	ssyncset.done $0x0  }
0x1df: {  	[sflag:s16] =	ssyncadd.s32 $0xFFFFE000  }
0x1e0: {  	_ =	swait.ge [sflag:s16], $0x2000  }
0x1e1: {  	[sflag:s16] =	ssyncset.done $0x0  }
0x1e2: {  	[sflag:s16] =	ssyncadd.s32 $0xFFFFE000  }
0x1e3: {  	_ =	swait.ge [sflag:s16], $0x2000  }
0x1e4: {  	[sflag:s16] =	ssyncset.done $0x0  }
0x1e5: {  	[sflag:s16] =	ssyncadd.s32 $0xFFFFE000  }
0x1e6: {  	[hbm4b:s10+s4] =	stream.linear.scatter [tilespmem:s13], [sflag:$0x2], $0x4000, $0x38;
	[tilespmem:$0x8200] =	vst v63  }
0x1e7: {  	_ =	swait.ge [sflag:s11], $0x4000  }
0x1e8: {  	[sflag:s11] =	ssyncset.done $0x0  }
0x1e9: {  	[sflag:s11] =	ssyncadd.s32 $0xFFFFC000  }
0x1ea: {  	[hbm4b:s9+s4] =	stream.linear.scatter [tilespmem:s12], [sflag:$0x2], $0x4000, $0x38;
	[tilespmem:$0x8200] =	vst v63  }
0x1eb: {  	_ =	swait.ge [sflag:s11], $0x4000  }
0x1ec: {  	[sflag:s11] =	ssyncset.done $0x0  }
0x1ed: {  	[sflag:s11] =	ssyncadd.s32 $0xFFFFC000  }
0x1ee: {  	[tilespmem:s24], [sflag:$0x2] =	stream.linear.gather @!p0 [hbm4b:s8+s24], $0x100, $0x38;
	[tilespmem:$0x8200] =	vst v63  }
0x1ef: {  	_ =	swait.ge @!p0 [sflag:s23], $0x100  }
0x1f0: {  	[sflag:s23] =	ssyncset.done @!p0 $0x0  }
0x1f1: {  	[sflag:s23] =	ssyncadd.s32 @!p0 $0xFFFFFF00  }
0x1f2: {  	[tilespmem:s25], [sflag:$0x2] =	stream.linear.gather @!p0 [hbm4b:s7+s24], $0x100, $0x38;
	[tilespmem:$0x8200] =	vst v63  }
0x1f3: {  	_ =	swait.ge @!p0 [sflag:s23], $0x100  }
0x1f4: {  	[sflag:s23] =	ssyncset.done @!p0 $0x0  }
0x1f5: {  	[sflag:s23] =	ssyncadd.s32 @!p0 $0xFFFFFF00  }
0x1f6: {  	[tilespmem:s28], [sflag:$0x1] =	stream.indirect.gather @!p0 [hbm4b:s2+s26], $0x40, s24, s26, $0xb8;
	[tilespmem:$0x8200] =	vst v63  }
0x1f7: {  	_ = 	snop  }
0x1f8: {  	[tilespmem:s29], [sflag:$0x1] =	stream.indirect.gather @!p0 [hbm4b:s3+s26], $0x40, s25, s26, $0xb8;
	[tilespmem:$0x8200] =	vst v63  }
0x1f9: {  	s31 =	simm.s32 @!p0 $0x2200  }
0x1fa: {  	[tilespmem:s31], [sflag:$0x1] =	stream.indirect.gather @!p0 [hbm4b:s2+s26], $0x40, s26, s26, $0xb8;
	[tilespmem:$0x8200] =	vst v63  }
0x1fb: {  	s31 =	simm.s32 @!p0 $0x180  }
0x1fc: {  	[tilespmem:s1], [sflag:$0x1] =	stream.indirect.gather @!p0 [hbm4b:s3+s26], $0x40, s31, s26, $0xb8;
	[tilespmem:$0x8200] =	vst v63  }
0x1fd: {  	_ =	swait.ge @!p0 [sflag:s0], $0x2000  }
0x1fe: {  	[sflag:s0] =	ssyncset.done @!p0 $0x0  }
0x1ff: {  	[sflag:s0] =	ssyncadd.s32 @!p0 $0xFFFFE000  }
0x200: {  	_ =	swait.ge @!p0 [sflag:s0], $0x2000  }
0x201: {  	[sflag:s0] =	ssyncset.done @!p0 $0x0  }
0x202: {  	[sflag:s0] =	ssyncadd.s32 @!p0 $0xFFFFE000  }
0x203: {  	_ =	swait.ge @!p0 [sflag:s0], $0x2000  }
0x204: {  	[sflag:s0] =	ssyncset.done @!p0 $0x0  }
0x205: {  	[sflag:s0] =	ssyncadd.s32 @!p0 $0xFFFFE000  }
0x206: {  	_ =	swait.ge @!p0 [sflag:s0], $0x2000  }
0x207: {  	[sflag:s0] =	ssyncset.done @!p0 $0x0  }
0x208: {  	s30 =	sadd.s32 $0xFFFFFFFF, s30;
	[sflag:s0] =	ssyncadd.s32 @!p0 $0xFFFFE000  }
0x209: {  	[hbm4b:s6+s24] =	stream.linear.scatter @!p0 [tilespmem:s28], [sflag:$0x2], $0x4000, $0x38;
	[tilespmem:$0x8200] =	vst v63  }
0x20a: {  	p2 =	sne.s32 s30, $0x0;
	_ =	swait.ge @!p0 [sflag:s23], $0x4000  }
.Ltmp2:
0x20b: {  	[sflag:s23] =	ssyncset.done @!p0 $0x0;
	(pc) =	sbr.rel @p2 .LBB2_4-.Ltmp2, $4  }
0x20c: {  	[sflag:s23] =	ssyncadd.s32 @!p0 $0xFFFFC000  }
0x20d: {  	[hbm4b:s5+s24] =	stream.linear.scatter @!p0 [tilespmem:s29], [sflag:$0x2], $0x4000, $0x38;
	[tilespmem:$0x8200] =	vst v63  }
0x20e: {  	_ =	swait.ge @!p0 [sflag:s23], $0x4000  }
0x20f: {  	s31 =	rddreg [dreg:$0x2];
	[sflag:s23] =	ssyncset.done @!p0 $0x0  }
0x210: {  	s24 =	stileid.u32;
	s25 =	rddreg [dreg:$0x1]  }
.LBB2_6:
0x211: {  	p1 =	por p0, !p1  }
0x212: {  	[sflag:s23] =	ssyncadd.s32 @!p1 $0xFFFFC000  }
0x213: {  	[tilespmem:s4], [sflag:$0x2] =	stream.linear.gather [hbm4b:s31+s4], $0x100, $0x38;
	[tilespmem:$0x8200] =	vst v63  }
0x214: {  	_ =	swait.ge [sflag:s11], $0x100  }
0x215: {  	[sflag:s11] =	ssyncset.done $0x0  }
0x216: {  	s0 =	rddreg [dreg:$0x3];
	[sflag:s11] =	ssyncadd.s32 $0xFFFFFF00  }
0x217: {  	[tilespmem:s19], [sflag:$0x2] =	stream.linear.gather [hbm4b:s0+s4], $0x100, $0x38;
	[tilespmem:$0x8200] =	vst v63  }
0x218: {  	_ =	swait.ge [sflag:s11], $0x100  }
0x219: {  	[sflag:s11] =	ssyncset.done $0x0  }
0x21a: {  	[sflag:s11] =	ssyncadd.s32 $0xFFFFFF00  }
0x21b: {  	[tilespmem:s13], [sflag:$0x1] =	stream.indirect.gather [hbm4b:s2+s18], $0x40, s4, s18, $0xb8;
	[tilespmem:$0x8200] =	vst v63  }
0x21c: {  	_ = 	snop  }
0x21d: {  	[tilespmem:s12], [sflag:$0x1] =	stream.indirect.gather [hbm4b:s3+s18], $0x40, s19, s18, $0xb8;
	[tilespmem:$0x8200] =	vst v63  }
0x21e: {  	_ = 	snop  }
0x21f: {  	[tilespmem:s20], [sflag:$0x1] =	stream.indirect.gather [hbm4b:s2+s18], $0x40, s18, s18, $0xb8;
	[tilespmem:$0x8200] =	vst v63  }
0x220: {  	_ = 	snop  }
0x221: {  	[tilespmem:s22], [sflag:$0x1] =	stream.indirect.gather [hbm4b:s3+s18], $0x40, s21, s18, $0xb8;
	[tilespmem:$0x8200] =	vst v63  }
0x222: {  	_ =	swait.ge [sflag:s16], $0x2000  }
0x223: {  	[sflag:s16] =	ssyncset.done $0x0  }
0x224: {  	[sflag:s16] =	ssyncadd.s32 $0xFFFFE000  }
0x225: {  	_ =	swait.ge [sflag:s16], $0x2000  }
0x226: {  	[sflag:s16] =	ssyncset.done $0x0  }
0x227: {  	[sflag:s16] =	ssyncadd.s32 $0xFFFFE000  }
0x228: {  	_ =	swait.ge [sflag:s16], $0x2000  }
0x229: {  	[sflag:s16] =	ssyncset.done $0x0  }
0x22a: {  	[sflag:s16] =	ssyncadd.s32 $0xFFFFE000  }
0x22b: {  	_ =	swait.ge [sflag:s16], $0x2000  }
0x22c: {  	[sflag:s16] =	ssyncset.done $0x0  }
0x22d: {  	s29 =	rddreg [dreg:$0x4];
	[sflag:s16] =	ssyncadd.s32 $0xFFFFE000  }
0x22e: {  	[hbm4b:s29+s4] =	stream.linear.scatter [tilespmem:s13], [sflag:$0x2], $0x4000, $0x38;
	[tilespmem:$0x8200] =	vst v63  }
0x22f: {  	_ =	swait.ge [sflag:s11], $0x4000  }
0x230: {  	[sflag:s11] =	ssyncset.done $0x0  }
0x231: {  	s30 =	rddreg [dreg:$0x5];
	[sflag:s11] =	ssyncadd.s32 $0xFFFFC000  }
0x232: {  	[hbm4b:s30+s4] =	stream.linear.scatter [tilespmem:s12], [sflag:$0x2], $0x4000, $0x38;
	[tilespmem:$0x8200] =	vst v63  }
0x233: {  	_ =	swait.ge [sflag:s11], $0x4000  }
0x234: {  	[sflag:s11] =	ssyncset.done $0x0  }
0x235: {  	s31 =	rddreg [dreg:$0x6];
	[sflag:s11] =	ssyncadd.s32 $0xFFFFC000  }
0x236: {  	[tilespmem:s4], [sflag:$0x2] =	stream.linear.gather [hbm4b:s31+s4], $0x100, $0x38;
	[tilespmem:$0x8200] =	vst v63  }
0x237: {  	_ =	swait.ge [sflag:s11], $0x100  }
0x238: {  	[sflag:s11] =	ssyncset.done $0x0  }
0x239: {  	s1 =	rddreg [dreg:$0x7];
	[sflag:s11] =	ssyncadd.s32 $0xFFFFFF00  }
0x23a: {  	[tilespmem:s19], [sflag:$0x2] =	stream.linear.gather [hbm4b:s1+s4], $0x100, $0x38;
	[tilespmem:$0x8200] =	vst v63  }
0x23b: {  	_ =	swait.ge [sflag:s11], $0x100  }
0x23c: {  	[sflag:s11] =	ssyncset.done $0x0  }
0x23d: {  	[sflag:s11] =	ssyncadd.s32 $0xFFFFFF00  }
0x23e: {  	[tilespmem:s13], [sflag:$0x1] =	stream.indirect.gather [hbm4b:s2+s18], $0x40, s4, s18, $0xb8;
	[tilespmem:$0x8200] =	vst v63  }
0x23f: {  	_ = 	snop  }
0x240: {  	[tilespmem:s12], [sflag:$0x1] =	stream.indirect.gather [hbm4b:s3+s18], $0x40, s19, s18, $0xb8;
	[tilespmem:$0x8200] =	vst v63  }
0x241: {  	_ = 	snop  }
0x242: {  	[tilespmem:s20], [sflag:$0x1] =	stream.indirect.gather [hbm4b:s2+s18], $0x40, s18, s18, $0xb8;
	[tilespmem:$0x8200] =	vst v63  }
0x243: {  	_ = 	snop  }
0x244: {  	[tilespmem:s22], [sflag:$0x1] =	stream.indirect.gather [hbm4b:s3+s18], $0x40, s21, s18, $0xb8;
	[tilespmem:$0x8200] =	vst v63  }
0x245: {  	_ =	swait.ge [sflag:s16], $0x2000  }
0x246: {  	[sflag:s16] =	ssyncset.done $0x0  }
0x247: {  	[sflag:s16] =	ssyncadd.s32 $0xFFFFE000  }
0x248: {  	_ =	swait.ge [sflag:s16], $0x2000  }
0x249: {  	[sflag:s16] =	ssyncset.done $0x0  }
0x24a: {  	[sflag:s16] =	ssyncadd.s32 $0xFFFFE000  }
0x24b: {  	_ =	swait.ge [sflag:s16], $0x2000  }
0x24c: {  	[sflag:s16] =	ssyncset.done $0x0  }
0x24d: {  	[sflag:s16] =	ssyncadd.s32 $0xFFFFE000  }
0x24e: {  	_ =	swait.ge [sflag:s16], $0x2000  }
0x24f: {  	[sflag:s16] =	ssyncset.done $0x0  }
0x250: {  	s23 =	rddreg [dreg:$0x8];
	[sflag:s16] =	ssyncadd.s32 $0xFFFFE000  }
0x251: {  	[hbm4b:s23+s4] =	stream.linear.scatter [tilespmem:s13], [sflag:$0x2], $0x4000, $0x38;
	[tilespmem:$0x8200] =	vst v63  }
0x252: {  	_ =	swait.ge [sflag:s11], $0x4000  }
0x253: {  	[sflag:s11] =	ssyncset.done $0x0  }
0x254: {  	s26 =	rddreg [dreg:$0x9];
	[sflag:s11] =	ssyncadd.s32 $0xFFFFC000  }
0x255: {  	[hbm4b:s26+s4] =	stream.linear.scatter [tilespmem:s12], [sflag:$0x2], $0x4000, $0x38;
	[tilespmem:$0x8200] =	vst v63  }
0x256: {  	_ =	swait.ge [sflag:s11], $0x4000  }
0x257: {  	[sflag:s11] =	ssyncset.done $0x0  }
0x258: {  	s28 =	rddreg [dreg:$0xa];
	[sflag:s11] =	ssyncadd.s32 $0xFFFFC000  }
0x259: {  	[tilespmem:s4], [sflag:$0x2] =	stream.linear.gather [hbm4b:s28+s4], $0x100, $0x38;
	[tilespmem:$0x8200] =	vst v63  }
0x25a: {  	_ =	swait.ge [sflag:s11], $0x100  }
0x25b: {  	[sflag:s11] =	ssyncset.done $0x0  }
0x25c: {  	s29 =	rddreg [dreg:$0xb];
	[sflag:s11] =	ssyncadd.s32 $0xFFFFFF00  }
0x25d: {  	[tilespmem:s19], [sflag:$0x2] =	stream.linear.gather [hbm4b:s29+s4], $0x100, $0x38;
	[tilespmem:$0x8200] =	vst v63  }
0x25e: {  	_ =	swait.ge [sflag:s11], $0x100  }
0x25f: {  	[sflag:s11] =	ssyncset.done $0x0  }
0x260: {  	[sflag:s11] =	ssyncadd.s32 $0xFFFFFF00  }
0x261: {  	[tilespmem:s13], [sflag:$0x1] =	stream.indirect.gather [hbm4b:s2+s18], $0x40, s4, s18, $0xb8;
	[tilespmem:$0x8200] =	vst v63  }
0x262: {  	_ = 	snop  }
0x263: {  	[tilespmem:s12], [sflag:$0x1] =	stream.indirect.gather [hbm4b:s3+s18], $0x40, s19, s18, $0xb8;
	[tilespmem:$0x8200] =	vst v63  }
0x264: {  	_ = 	snop  }
0x265: {  	[tilespmem:s20], [sflag:$0x1] =	stream.indirect.gather [hbm4b:s2+s18], $0x40, s18, s18, $0xb8;
	[tilespmem:$0x8200] =	vst v63  }
0x266: {  	_ = 	snop  }
0x267: {  	[tilespmem:s22], [sflag:$0x1] =	stream.indirect.gather [hbm4b:s3+s18], $0x40, s21, s18, $0xb8;
	[tilespmem:$0x8200] =	vst v63  }
0x268: {  	_ =	swait.ge [sflag:s16], $0x2000  }
0x269: {  	[sflag:s16] =	ssyncset.done $0x0  }
0x26a: {  	[sflag:s16] =	ssyncadd.s32 $0xFFFFE000  }
0x26b: {  	_ =	swait.ge [sflag:s16], $0x2000  }
0x26c: {  	[sflag:s16] =	ssyncset.done $0x0  }
0x26d: {  	[sflag:s16] =	ssyncadd.s32 $0xFFFFE000  }
0x26e: {  	_ =	swait.ge [sflag:s16], $0x2000  }
0x26f: {  	[sflag:s16] =	ssyncset.done $0x0  }
0x270: {  	[sflag:s16] =	ssyncadd.s32 $0xFFFFE000  }
0x271: {  	_ =	swait.ge [sflag:s16], $0x2000  }
0x272: {  	[sflag:s16] =	ssyncset.done $0x0  }
0x273: {  	s30 =	rddreg [dreg:$0xc];
	[sflag:s16] =	ssyncadd.s32 $0xFFFFE000  }
0x274: {  	[hbm4b:s30+s4] =	stream.linear.scatter [tilespmem:s13], [sflag:$0x2], $0x4000, $0x38;
	[tilespmem:$0x8200] =	vst v63  }
0x275: {  	_ =	swait.ge [sflag:s11], $0x4000  }
0x276: {  	[sflag:s11] =	ssyncset.done $0x0  }
0x277: {  	s31 =	rddreg [dreg:$0xd];
	[sflag:s11] =	ssyncadd.s32 $0xFFFFC000  }
0x278: {  	[hbm4b:s31+s4] =	stream.linear.scatter [tilespmem:s12], [sflag:$0x2], $0x4000, $0x38;
	[tilespmem:$0x8200] =	vst v63  }
0x279: {  	_ =	swait.ge [sflag:s11], $0x4000  }
0x27a: {  	[sflag:s11] =	ssyncset.done $0x0  }
0x27b: {  	s1 =	rddreg [dreg:$0xe];
	[sflag:s11] =	ssyncadd.s32 $0xFFFFC000  }
0x27c: {  	[tilespmem:s4], [sflag:$0x2] =	stream.linear.gather [hbm4b:s1+s4], $0x100, $0x38;
	[tilespmem:$0x8200] =	vst v63  }
0x27d: {  	_ =	swait.ge [sflag:s11], $0x100  }
0x27e: {  	[sflag:s11] =	ssyncset.done $0x0  }
0x27f: {  	s23 =	rddreg [dreg:$0xf];
	[sflag:s11] =	ssyncadd.s32 $0xFFFFFF00  }
0x280: {  	[tilespmem:s19], [sflag:$0x2] =	stream.linear.gather [hbm4b:s23+s4], $0x100, $0x38;
	[tilespmem:$0x8200] =	vst v63  }
0x281: {  	_ =	swait.ge [sflag:s11], $0x100  }
0x282: {  	[sflag:s11] =	ssyncset.done $0x0  }
0x283: {  	[sflag:s11] =	ssyncadd.s32 $0xFFFFFF00  }
0x284: {  	[tilespmem:s13], [sflag:$0x1] =	stream.indirect.gather [hbm4b:s2+s18], $0x40, s4, s18, $0xb8;
	[tilespmem:$0x8200] =	vst v63  }
0x285: {  	_ = 	snop  }
0x286: {  	[tilespmem:s12], [sflag:$0x1] =	stream.indirect.gather [hbm4b:s3+s18], $0x40, s19, s18, $0xb8;
	[tilespmem:$0x8200] =	vst v63  }
0x287: {  	_ = 	snop  }
0x288: {  	[tilespmem:s20], [sflag:$0x1] =	stream.indirect.gather [hbm4b:s2+s18], $0x40, s18, s18, $0xb8;
	[tilespmem:$0x8200] =	vst v63  }
0x289: {  	_ = 	snop  }
0x28a: {  	[tilespmem:s22], [sflag:$0x1] =	stream.indirect.gather [hbm4b:s3+s18], $0x40, s21, s18, $0xb8;
	[tilespmem:$0x8200] =	vst v63  }
0x28b: {  	_ =	swait.ge [sflag:s16], $0x2000  }
0x28c: {  	[sflag:s16] =	ssyncset.done $0x0  }
0x28d: {  	[sflag:s16] =	ssyncadd.s32 $0xFFFFE000  }
0x28e: {  	_ =	swait.ge [sflag:s16], $0x2000  }
0x28f: {  	[sflag:s16] =	ssyncset.done $0x0  }
0x290: {  	[sflag:s16] =	ssyncadd.s32 $0xFFFFE000  }
0x291: {  	_ =	swait.ge [sflag:s16], $0x2000  }
0x292: {  	[sflag:s16] =	ssyncset.done $0x0  }
0x293: {  	[sflag:s16] =	ssyncadd.s32 $0xFFFFE000  }
0x294: {  	_ =	swait.ge [sflag:s16], $0x2000  }
0x295: {  	[sflag:s16] =	ssyncset.done $0x0  }
0x296: {  	s26 =	rddreg [dreg:$0x10];
	[sflag:s16] =	ssyncadd.s32 $0xFFFFE000  }
0x297: {  	[hbm4b:s26+s4] =	stream.linear.scatter [tilespmem:s13], [sflag:$0x2], $0x4000, $0x38;
	[tilespmem:$0x8200] =	vst v63  }
0x298: {  	_ =	swait.ge [sflag:s11], $0x4000  }
0x299: {  	[sflag:s11] =	ssyncset.done $0x0  }
0x29a: {  	s28 =	rddreg [dreg:$0x11];
	[sflag:s11] =	ssyncadd.s32 $0xFFFFC000  }
0x29b: {  	[hbm4b:s28+s4] =	stream.linear.scatter [tilespmem:s12], [sflag:$0x2], $0x4000, $0x38;
	[tilespmem:$0x8200] =	vst v63  }
0x29c: {  	_ =	swait.ge [sflag:s11], $0x4000  }
0x29d: {  	[sflag:s11] =	ssyncset.done $0x0  }
0x29e: {  	s29 =	rddreg [dreg:$0x12];
	[sflag:s11] =	ssyncadd.s32 $0xFFFFC000  }
0x29f: {  	[tilespmem:s4], [sflag:$0x2] =	stream.linear.gather [hbm4b:s29+s4], $0x100, $0x38;
	[tilespmem:$0x8200] =	vst v63  }
0x2a0: {  	_ =	swait.ge [sflag:s11], $0x100  }
0x2a1: {  	[sflag:s11] =	ssyncset.done $0x0  }
0x2a2: {  	s30 =	rddreg [dreg:$0x13];
	[sflag:s11] =	ssyncadd.s32 $0xFFFFFF00  }
0x2a3: {  	[tilespmem:s19], [sflag:$0x2] =	stream.linear.gather [hbm4b:s30+s4], $0x100, $0x38;
	[tilespmem:$0x8200] =	vst v63  }
0x2a4: {  	_ =	swait.ge [sflag:s11], $0x100  }
0x2a5: {  	[sflag:s11] =	ssyncset.done $0x0  }
0x2a6: {  	[sflag:s11] =	ssyncadd.s32 $0xFFFFFF00  }
0x2a7: {  	[tilespmem:s13], [sflag:$0x1] =	stream.indirect.gather [hbm4b:s2+s18], $0x40, s4, s18, $0xb8;
	[tilespmem:$0x8200] =	vst v63  }
0x2a8: {  	_ = 	snop  }
0x2a9: {  	[tilespmem:s12], [sflag:$0x1] =	stream.indirect.gather [hbm4b:s3+s18], $0x40, s19, s18, $0xb8;
	[tilespmem:$0x8200] =	vst v63  }
0x2aa: {  	_ = 	snop  }
0x2ab: {  	[tilespmem:s20], [sflag:$0x1] =	stream.indirect.gather [hbm4b:s2+s18], $0x40, s18, s18, $0xb8;
	[tilespmem:$0x8200] =	vst v63  }
0x2ac: {  	_ = 	snop  }
0x2ad: {  	[tilespmem:s22], [sflag:$0x1] =	stream.indirect.gather [hbm4b:s3+s18], $0x40, s21, s18, $0xb8;
	[tilespmem:$0x8200] =	vst v63  }
0x2ae: {  	_ =	swait.ge [sflag:s16], $0x2000  }
0x2af: {  	[sflag:s16] =	ssyncset.done $0x0  }
0x2b0: {  	[sflag:s16] =	ssyncadd.s32 $0xFFFFE000  }
0x2b1: {  	_ =	swait.ge [sflag:s16], $0x2000  }
0x2b2: {  	[sflag:s16] =	ssyncset.done $0x0  }
0x2b3: {  	[sflag:s16] =	ssyncadd.s32 $0xFFFFE000  }
0x2b4: {  	_ =	swait.ge [sflag:s16], $0x2000  }
0x2b5: {  	[sflag:s16] =	ssyncset.done $0x0  }
0x2b6: {  	[sflag:s16] =	ssyncadd.s32 $0xFFFFE000  }
0x2b7: {  	_ =	swait.ge [sflag:s16], $0x2000  }
0x2b8: {  	[sflag:s16] =	ssyncset.done $0x0  }
0x2b9: {  	s31 =	rddreg [dreg:$0x14];
	[sflag:s16] =	ssyncadd.s32 $0xFFFFE000  }
0x2ba: {  	[hbm4b:s31+s4] =	stream.linear.scatter [tilespmem:s13], [sflag:$0x2], $0x4000, $0x38;
	[tilespmem:$0x8200] =	vst v63  }
0x2bb: {  	_ =	swait.ge [sflag:s11], $0x4000  }
0x2bc: {  	[sflag:s11] =	ssyncset.done $0x0  }
0x2bd: {  	[sflag:s11] =	ssyncadd.s32 $0xFFFFC000  }
0x2be: {  	[hbm4b:s17+s4] =	stream.linear.scatter [tilespmem:s12], [sflag:$0x2], $0x4000, $0x38;
	[tilespmem:$0x8200] =	vst v63  }
0x2bf: {  	_ =	swait.ge [sflag:s11], $0x4000  }
0x2c0: {  	[sflag:s11] =	ssyncset.done $0x0  }
0x2c1: {  	[sflag:s11] =	ssyncadd.s32 $0xFFFFC000  }
0x2c2: {  	[tilespmem:s4], [sflag:$0x2] =	stream.linear.gather [hbm4b:s15+s4], $0x100, $0x38;
	[tilespmem:$0x8200] =	vst v63  }
0x2c3: {  	_ =	swait.ge [sflag:s11], $0x100  }
0x2c4: {  	[sflag:s11] =	ssyncset.done $0x0  }
0x2c5: {  	[sflag:s11] =	ssyncadd.s32 $0xFFFFFF00  }
0x2c6: {  	[tilespmem:s19], [sflag:$0x2] =	stream.linear.gather [hbm4b:s14+s4], $0x100, $0x38;
	[tilespmem:$0x8200] =	vst v63  }
0x2c7: {  	_ =	swait.ge [sflag:s11], $0x100  }
0x2c8: {  	[sflag:s11] =	ssyncset.done $0x0  }
0x2c9: {  	[sflag:s11] =	ssyncadd.s32 $0xFFFFFF00  }
0x2ca: {  	[tilespmem:s13], [sflag:$0x1] =	stream.indirect.gather [hbm4b:s2+s18], $0x40, s4, s18, $0xb8;
	[tilespmem:$0x8200] =	vst v63  }
0x2cb: {  	_ = 	snop  }
0x2cc: {  	[tilespmem:s12], [sflag:$0x1] =	stream.indirect.gather [hbm4b:s3+s18], $0x40, s19, s18, $0xb8;
	[tilespmem:$0x8200] =	vst v63  }
0x2cd: {  	_ = 	snop  }
0x2ce: {  	[tilespmem:s20], [sflag:$0x1] =	stream.indirect.gather [hbm4b:s2+s18], $0x40, s18, s18, $0xb8;
	[tilespmem:$0x8200] =	vst v63  }
0x2cf: {  	_ = 	snop  }
0x2d0: {  	[tilespmem:s22], [sflag:$0x1] =	stream.indirect.gather [hbm4b:s3+s18], $0x40, s21, s18, $0xb8;
	[tilespmem:$0x8200] =	vst v63  }
0x2d1: {  	_ =	swait.ge [sflag:s16], $0x2000  }
0x2d2: {  	[sflag:s16] =	ssyncset.done $0x0  }
0x2d3: {  	[sflag:s16] =	ssyncadd.s32 $0xFFFFE000  }
0x2d4: {  	_ =	swait.ge [sflag:s16], $0x2000  }
0x2d5: {  	[sflag:s16] =	ssyncset.done $0x0  }
0x2d6: {  	[sflag:s16] =	ssyncadd.s32 $0xFFFFE000  }
0x2d7: {  	_ =	swait.ge [sflag:s16], $0x2000  }
0x2d8: {  	[sflag:s16] =	ssyncset.done $0x0  }
0x2d9: {  	[sflag:s16] =	ssyncadd.s32 $0xFFFFE000  }
0x2da: {  	_ =	swait.ge [sflag:s16], $0x2000  }
0x2db: {  	[sflag:s16] =	ssyncset.done $0x0  }
0x2dc: {  	[sflag:s16] =	ssyncadd.s32 $0xFFFFE000  }
0x2dd: {  	[hbm4b:s10+s4] =	stream.linear.scatter [tilespmem:s13], [sflag:$0x2], $0x4000, $0x38;
	[tilespmem:$0x8200] =	vst v63  }
0x2de: {  	_ =	swait.ge [sflag:s11], $0x4000  }
0x2df: {  	[sflag:s11] =	ssyncset.done $0x0  }
0x2e0: {  	[sflag:s11] =	ssyncadd.s32 $0xFFFFC000  }
0x2e1: {  	[hbm4b:s9+s4] =	stream.linear.scatter [tilespmem:s12], [sflag:$0x2], $0x4000, $0x38;
	[tilespmem:$0x8200] =	vst v63  }
0x2e2: {  	_ =	swait.ge [sflag:s11], $0x4000  }
0x2e3: {  	[sflag:s11] =	ssyncset.done $0x0  }
0x2e4: {  	s0 =	simm.s32 @!p0 $0x0;
	s1 =	simm.s32 @!p0 $0x2;
	[sflag:s11] =	ssyncadd.s32 $0xFFFFC000  }
0x2e5: {  	[tilespmem:s0], [sflag:$0x2] =	stream.linear.gather @!p0 [hbm4b:s8+s0], $0x100, $0x38;
	[tilespmem:$0x8200] =	vst v63  }
0x2e6: {  	_ =	swait.ge @!p0 [sflag:s1], $0x100  }
0x2e7: {  	[sflag:s1] =	ssyncset.done @!p0 $0x0  }
0x2e8: {  	s4 =	simm.s32 @!p0 $0x100;
	[sflag:s1] =	ssyncadd.s32 @!p0 $0xFFFFFF00  }
0x2e9: {  	[tilespmem:s4], [sflag:$0x2] =	stream.linear.gather @!p0 [hbm4b:s7+s0], $0x100, $0x38;
	[tilespmem:$0x8200] =	vst v63  }
0x2ea: {  	_ =	swait.ge @!p0 [sflag:s1], $0x100  }
0x2eb: {  	[sflag:s1] =	ssyncset.done @!p0 $0x0  }
0x2ec: {  	s8 =	simm.s32 @!p0 $0x200;
	s7 =	simm.s32 @!p0 $0x80;
	[sflag:s1] =	ssyncadd.s32 @!p0 $0xFFFFFF00  }
0x2ed: {  	[tilespmem:s8], [sflag:$0x1] =	stream.indirect.gather @!p0 [hbm4b:s2+s7], $0x40, s0, s7, $0xb8;
	[tilespmem:$0x8200] =	vst v63  }
0x2ee: {  	s9 =	simm.s32 @!p0 $0x4200  }
0x2ef: {  	[tilespmem:s9], [sflag:$0x1] =	stream.indirect.gather @!p0 [hbm4b:s3+s7], $0x40, s4, s7, $0xb8;
	[tilespmem:$0x8200] =	vst v63  }
0x2f0: {  	s4 =	simm.s32 @!p0 $0x2200  }
0x2f1: {  	[tilespmem:s4], [sflag:$0x1] =	stream.indirect.gather @!p0 [hbm4b:s2+s7], $0x40, s7, s7, $0xb8;
	[tilespmem:$0x8200] =	vst v63  }
0x2f2: {  	s10 =	simm.s32 @!p0 $0x1;
	s2 =	simm.s32 @!p0 $0x180;
	s4 =	simm.s32 @!p0 $0x6200  }
0x2f3: {  	[tilespmem:s4], [sflag:$0x1] =	stream.indirect.gather @!p0 [hbm4b:s3+s7], $0x40, s2, s7, $0xb8;
	[tilespmem:$0x8200] =	vst v63  }
0x2f4: {  	_ =	swait.ge @!p0 [sflag:s10], $0x2000  }
0x2f5: {  	[sflag:s10] =	ssyncset.done @!p0 $0x0  }
0x2f6: {  	[sflag:s10] =	ssyncadd.s32 @!p0 $0xFFFFE000  }
0x2f7: {  	_ =	swait.ge @!p0 [sflag:s10], $0x2000  }
0x2f8: {  	[sflag:s10] =	ssyncset.done @!p0 $0x0  }
0x2f9: {  	[sflag:s10] =	ssyncadd.s32 @!p0 $0xFFFFE000  }
0x2fa: {  	_ =	swait.ge @!p0 [sflag:s10], $0x2000  }
0x2fb: {  	[sflag:s10] =	ssyncset.done @!p0 $0x0  }
0x2fc: {  	[sflag:s10] =	ssyncadd.s32 @!p0 $0xFFFFE000  }
0x2fd: {  	_ =	swait.ge @!p0 [sflag:s10], $0x2000  }
0x2fe: {  	[sflag:s10] =	ssyncset.done @!p0 $0x0  }
0x2ff: {  	[sflag:s10] =	ssyncadd.s32 @!p0 $0xFFFFE000  }
0x300: {  	[hbm4b:s6+s0] =	stream.linear.scatter @!p0 [tilespmem:s8], [sflag:$0x2], $0x4000, $0x38;
	[tilespmem:$0x8200] =	vst v63  }
0x301: {  	_ =	swait.ge @!p0 [sflag:s1], $0x4000  }
0x302: {  	[sflag:s1] =	ssyncset.done @!p0 $0x0  }
0x303: {  	[sflag:s1] =	ssyncadd.s32 @!p0 $0xFFFFC000  }
0x304: {  	[hbm4b:s5+s0] =	stream.linear.scatter @!p0 [tilespmem:s9], [sflag:$0x2], $0x4000, $0x38;
	[tilespmem:$0x8200] =	vst v63  }
0x305: {  	_ =	swait.ge @!p0 [sflag:s1], $0x4000  }
0x306: {  	[sflag:s1] =	ssyncset.done @!p0 $0x0  }
0x307: {  	[sflag:s1] =	ssyncadd.s32 @!p0 $0xFFFFC000  }
0x308: {  	_ =	sfence.sel $0x180000  }
0x309: {  	[bflag:$0x0] =	sbarrier.arrive $0xFFFF  }
0x30a: {  	p0 =	sne.s32 s24, $0x0;
	_ =	strace $0x90000047  }
0x30b: {  	s0 =	sadd.s32 @!p0 $0x100000, s25;
	[bflag:$0x2] =	sbarrier.arrive $0xFFFF  }
0x30c: {  	[sflag:s0] =	ssyncadd.tile.s32 @!p0 $0x1;
	_ =	shalt  }
.LBB2_1:
.Ltmp3:
0x30d: {  	(pc) =	sbr.rel .LBB2_6-.Ltmp3, $2  }
0x30e: {  	_ =	sdelay $0x2  }
0x30f: {  	_ = 	snop  }
.LBB2_3:
.Ltmp4:
0x310: {  	(pc) =	sbr.rel .LBB2_6-.Ltmp4, $2  }
0x311: {  	_ =	sdelay $0x2  }
0x312: {  	s24 =	stileid.u32;
	s25 =	rddreg [dreg:$0x1]  }
.Lfunc_end2:
_tile_overlayer_lowered:
.L_overlay_start_2:
0x313: {  	(tag) =	ssettag $0x2  }
0x314: {  	s0 =	rddreg [dreg:$0x0];
	s2 =	stileid.u32  }
0x315: {  	s1 =	rddreg [dreg:$0x1];
	p0 =	sne.s32 s2, $0x0  }
0x316: {  	s3 =	rddreg [dreg:$0x2];
	[bflag:$0x3] =	sbarrier.arrive $0xFFFF;
	s2 =	simm.s32 @!p0 $0x1C02  }
0x317: {  	[timem:s3], [sflag:s2] =	dma.local @!p0 [hbm:s0], s1  }
0x318: {  	s0 =	simm.s32 @!p0 $0x2  }
0x319: {  	_ =	swait.ge @!p0 [sflag:s0], s1  }
0x31a: {  	s1 =	ssub.s32 @!p0 $0x0, s1;
	[sflag:s0] =	ssyncset.done @!p0 $0x0  }
0x31b: {  	[sflag:s0] =	ssyncadd.s32 @!p0 s1  }
0x31c: {  	[bflag:$0x3] =	sbarrier.arrive $0xFFFF  }
0x31d: {  	_ =	shalt  }

</sc_bundles>
